<compile_context>
chip_gen: v7x
topology: tpu7x:2x2x1
jax: 0.10.2.dev20260603
libtpu: 0.0.44.dev20260713+nightly
codegen_flags: <defaults>
</compile_context>

<pallas_src>
import functools

import jax
import jax.numpy as jnp
from jax import lax
from jax.experimental import pallas as pl
from jax.experimental.pallas import tpu as pltpu
from jax.experimental.pallas import tpu_sc as plsc

N = 18432
D = 256
K = 8192
DECAY = 0.1
EPS = 1e-05


BN = 512
BK = 1024
NB = N // BN
KB = K // BK


def _e2_body(e_ref, out_ref):
    eb = e_ref[...].reshape(8, 128, D)
    v = jnp.sum(eb * eb, axis=2)
    out_ref[...] = jnp.broadcast_to(v[:, None, :], (8, 8, 128))


def _e2(e):
    return pl.pallas_call(
        _e2_body,
        grid=(K // 1024,),
        in_specs=[pl.BlockSpec((1024, D), lambda r: (r, 0))],
        out_specs=pl.BlockSpec((8, 8, 128), lambda r: (r, 0, 0)),
        out_shape=jax.ShapeDtypeStruct((K // 128, 8, 128), jnp.float32),
    )(e)


def _argmin_body(x_ref, e_ref, e2_ref, idx_ref, min_s, arg_s):
    k = pl.program_id(1)

    @pl.when(k == 0)
    def _():
        min_s[...] = jnp.full((BN, 128), jnp.inf, jnp.float32)
        arg_s[...] = jnp.zeros((BN, 128), jnp.int32)

    lane = lax.broadcasted_iota(jnp.int32, (BN, 128), 1)
    x = x_ref[...]
    mval = min_s[...]
    aval = arg_s[...]
    for gg in range(BK // 256):
        dmat = -2.0 * lax.dot_general(
            x, e_ref[gg * 256:(gg + 1) * 256, :], (((1,), (1,)), ((), ())),
            preferred_element_type=jnp.float32)
        for h in range(2):
            g = gg * 2 + h
            er = e2_ref[g]
            sub = dmat[:, h * 128:(h + 1) * 128]
            sub = (sub.reshape(BN // 8, 8, 128) + er[None]).reshape(BN, 128)
            col = lane + (k * BK + g * 128)
            better = sub < mval
            mval = jnp.minimum(mval, sub)
            aval = jnp.where(better, col, aval)
    min_s[...] = mval
    arg_s[...] = aval

    @pl.when(k == KB - 1)
    def _():
        m = min_s[...]
        a = arg_s[...]
        best = jnp.min(m, axis=1, keepdims=True)
        idx_ref[...] = jnp.min(jnp.where(m == best, a, K), axis=1)


def _argmin(x, e, e2):
    return pl.pallas_call(
        _argmin_body,
        grid=(NB, KB),
        in_specs=[
            pl.BlockSpec((BN, D), lambda i, k: (i, 0)),
            pl.BlockSpec((BK, D), lambda i, k: (k, 0)),
            pl.BlockSpec((BK // 128, 8, 128), lambda i, k: (k, 0, 0)),
        ],
        out_specs=pl.BlockSpec((BN,), lambda i, k: (i,)),
        out_shape=jax.ShapeDtypeStruct((N,), jnp.int32),
        scratch_shapes=[
            pltpu.VMEM((BN, 128), jnp.float32),
            pltpu.VMEM((BN, 128), jnp.int32),
        ],
    )(x, e, e2)



ROWS_PER_TILE = N // 16
RCHUNKS = ROWS_PER_TILE // 128
KROWS_PER_TILE = K // 16


def _zero_shared(s, zbuf, shared):
    def zfill(i, _):
        for j in range(8):
            zbuf[i, pl.ds(j * 16, 16)] = jnp.zeros((16,), jnp.float32)
        return 0

    lax.fori_loop(0, 8, zfill, 0)

    def zcopy(t, _):
        pltpu.sync_copy(zbuf, shared.at[pl.ds(s * KROWS_PER_TILE + t * 8, 8)])
        return 0

    lax.fori_loop(0, KROWS_PER_TILE // 8, zcopy, 0)


def _scatter_body(x_hbm, idx_hbm, esum_hbm, idx_v, rows_a, rows_b,
                  zbuf, accum, sem_a, sem_b):
    c = lax.axis_index("c")
    s = lax.axis_index("s")
    base = s * ROWS_PER_TILE

    for j in range(RCHUNKS):
        pltpu.sync_copy(idx_hbm.at[pl.ds(base + j * 128, 128)], idx_v.at[j])
    bufs = (rows_a, rows_b)
    sems = (sem_a, sem_b)
    cp = pltpu.async_copy(
        x_hbm.at[pl.ds(base, 128), pl.ds(c * 128, 128)], rows_a, sem_a)
    _zero_shared(s, zbuf, accum)
    plsc.subcore_barrier()

    for j in range(RCHUNKS):
        cp.wait()
        if j + 1 < RCHUNKS:
            cp = pltpu.async_copy(
                x_hbm.at[pl.ds(base + (j + 1) * 128, 128),
                         pl.ds(c * 128, 128)],
                bufs[(j + 1) % 2], sems[(j + 1) % 2])
        pltpu.sync_copy(bufs[j % 2], accum.at[idx_v.at[j]], add=True)
    plsc.subcore_barrier()

    pltpu.sync_copy(
        accum.at[pl.ds(s * KROWS_PER_TILE, KROWS_PER_TILE)],
        esum_hbm.at[pl.ds(s * KROWS_PER_TILE, KROWS_PER_TILE),
                    pl.ds(c * 128, 128)])




def _counts_body(idx_hbm, cnt0_hbm, cnt1_hbm, idx_v, ones_v, zbuf, cacc):
    c = lax.axis_index("c")
    s = lax.axis_index("s")

    def ofill(i, _):
        for j in range(8):
            ones_v[i, pl.ds(j * 16, 16)] = jnp.ones((16,), jnp.float32)
        return 0

    lax.fori_loop(0, 128, ofill, 0)
    _zero_shared(s, zbuf, cacc)
    plsc.subcore_barrier()

    base = s * ROWS_PER_TILE
    lo = jnp.where(c == 0, 0, 5)
    hi = jnp.where(c == 0, 5, RCHUNKS)

    def chunk(j, _):
        pltpu.sync_copy(idx_hbm.at[pl.ds(base + j * 128, 128)],
                        idx_v.at[j])
        pltpu.sync_copy(ones_v, cacc.at[idx_v.at[j]], add=True)
        return 0

    lax.fori_loop(lo, hi, chunk, 0)
    plsc.subcore_barrier()

    @pl.when(c == 0)
    def _():
        pltpu.sync_copy(
            cacc.at[pl.ds(s * KROWS_PER_TILE, KROWS_PER_TILE)],
            cnt0_hbm.at[pl.ds(s * KROWS_PER_TILE, KROWS_PER_TILE)])

    @pl.when(c == 1)
    def _():
        pltpu.sync_copy(
            cacc.at[pl.ds(s * KROWS_PER_TILE, KROWS_PER_TILE)],
            cnt1_hbm.at[pl.ds(s * KROWS_PER_TILE, KROWS_PER_TILE)])




def _norm_body(cs_ref, cnt0_ref, cnt1_ref, eavg_ref, esum_ref, out_ref):
    cnt = cnt0_ref[...] + cnt1_ref[...]
    cn = cs_ref[...] * DECAY + cnt * (1.0 - DECAY)
    total = jnp.sum(cn)
    smoothed = (cn + EPS) / (total + K * EPS) * total
    eavg_new = eavg_ref[...] * DECAY + esum_ref[...] * (1.0 - DECAY)
    out_ref[...] = eavg_new / smoothed[:, None]


def _normalize(cs, cnt0, cnt1, eavg, esum):
    return pl.pallas_call(
        _norm_body,
        out_shape=jax.ShapeDtypeStruct((K, D), jnp.float32),
    )(cs, cnt0, cnt1, eavg, esum)



B_PER_W = N // 32
GCHUNK = 96


def _gather_body(table_hbm, idx_hbm, out_hbm, idx_v, rows_a, rows_b,
                 gsem_a, gsem_b, wsem_a, wsem_b):
    c = lax.axis_index("c")
    s = lax.axis_index("s")
    wid = s * 2 + c
    base = wid * B_PER_W
    pltpu.sync_copy(idx_hbm.at[pl.ds(base, B_PER_W)], idx_v)

    bufs = (rows_a, rows_b)
    gsems = (gsem_a, gsem_b)
    wsems = (wsem_a, wsem_b)
    nch = B_PER_W // GCHUNK
    writes = [None, None]
    for j in range(nch):
        b = j % 2
        if writes[b] is not None:
            writes[b].wait()
        pltpu.async_copy(
            table_hbm.at[idx_v.at[pl.ds(j * GCHUNK, GCHUNK)]], bufs[b],
            gsems[b]).wait()
        writes[b] = pltpu.async_copy(
            bufs[b], out_hbm.at[pl.ds(base + j * GCHUNK, GCHUNK)], wsems[b])
    writes[0].wait()
    writes[1].wait()




@functools.cache
def _sc_kernels():
    mesh = plsc.VectorSubcoreMesh(core_axis_name="c", subcore_axis_name="s")
    scatter = functools.partial(
        pl.kernel,
        mesh=mesh,
        out_type=jax.ShapeDtypeStruct((K, D), jnp.float32),
        scratch_types=[
            pltpu.VMEM((RCHUNKS, 128), jnp.int32),
            pltpu.VMEM((128, 128), jnp.float32),
            pltpu.VMEM((128, 128), jnp.float32),
            pltpu.VMEM((8, 128), jnp.float32),
            pltpu.VMEM_SHARED((K, 128), jnp.float32),
            pltpu.SemaphoreType.DMA,
            pltpu.SemaphoreType.DMA,
        ],
    )(_scatter_body)
    counts = functools.partial(
        pl.kernel,
        mesh=mesh,
        out_type=[
            jax.ShapeDtypeStruct((K, 128), jnp.float32),
            jax.ShapeDtypeStruct((K, 128), jnp.float32),
        ],
        scratch_types=[
            pltpu.VMEM((RCHUNKS, 128), jnp.int32),
            pltpu.VMEM((128, 128), jnp.float32),
            pltpu.VMEM((8, 128), jnp.float32),
            pltpu.VMEM_SHARED((K, 128), jnp.float32),
        ],
    )(_counts_body)
    gather = functools.partial(
        pl.kernel,
        mesh=mesh,
        out_type=jax.ShapeDtypeStruct((N, D), jnp.float32),
        scratch_types=[
            pltpu.VMEM((B_PER_W,), jnp.int32),
            pltpu.VMEM((GCHUNK, D), jnp.float32),
            pltpu.VMEM((GCHUNK, D), jnp.float32),
            pltpu.SemaphoreType.DMA,
            pltpu.SemaphoreType.DMA,
            pltpu.SemaphoreType.DMA,
            pltpu.SemaphoreType.DMA,
        ],
    )(_gather_body)
    return scatter, counts, gather


def kernel(inputs_flatten, embed, cluster_size, embed_avg):
    scatter, counts, gather = _sc_kernels()
    idx = _argmin(inputs_flatten, embed, _e2(embed))
    esum = scatter(inputs_flatten, idx)
    cnt0, cnt1 = counts(idx)
    enorm = _normalize(cluster_size, cnt0[:, 0], cnt1[:, 0], embed_avg, esum)
    quantize = gather(enorm, idx)
    return quantize, idx[:, None]

# --- scband reference (transcript-rebuilt; emitter-appended) ---
"""Pipeline reference for scband-vector-quantizer-63986422776172 (READ-ONLY COPY).

The authoritative reference and input builder live on the scoring server;
editing this copy changes nothing except your own understanding.
"""

import jax, jax.numpy as jnp
import numpy as np

NUM_TOKENS = 8192
TOKEN_DIM = 256
N_INPUT = 18432
DECAY = 0.1
EPS = 1e-05

def setup_inputs(seed: int = 0) -> dict:
    key = jax.random.key(seed)
    k1, k2 = jax.random.split(key)
    inputs_flatten = jax.random.normal(k1, (N_INPUT, TOKEN_DIM), dtype=jnp.float32)
    embed = jax.random.normal(k2, (NUM_TOKENS, TOKEN_DIM), dtype=jnp.float32)
    cluster_size = jnp.zeros((NUM_TOKENS,), dtype=jnp.float32)
    embed_avg = jnp.zeros((NUM_TOKENS, TOKEN_DIM), dtype=jnp.float32)
    return {"inputs_flatten": inputs_flatten, "embed": embed, "cluster_size": cluster_size, "embed_avg": embed_avg}

def reference(inputs_flatten, embed, cluster_size, embed_avg):
    # distances: ||x||^2 + ||e||^2 - 2 x e^T  -> [N, K]
    distances = jnp.sum(inputs_flatten ** 2, axis=1, keepdims=True) + jnp.sum(embed ** 2, axis=1) - 2.0 * jnp.matmul(inputs_flatten, embed.T)
    encoding_indices = jnp.argmin(distances, axis=1)[:, None]
    n = inputs_flatten.shape[0]
    # one-hot encodings via scatter-overwrite (torch: encodings.scatter_(1, idx, 1))
    encodings = jnp.zeros((n, NUM_TOKENS), dtype=jnp.float32).at[jnp.arange(n), encoding_indices[:, 0]].set(1.0)
    # training-mode EMA codebook update (module is constructed in train mode, dist=False,
    # curr_decay == decay since set_decay_updates is never called)
    encoding_sum = jnp.sum(encodings, axis=0)
    cluster_size_new = cluster_size * DECAY + jax.lax.stop_gradient(encoding_sum) * (1.0 - DECAY)
    embed_sum = jnp.matmul(encodings.T, inputs_flatten)
    embed_avg_new = embed_avg * DECAY + jax.lax.stop_gradient(embed_sum) * (1.0 - DECAY)
    total = cluster_size_new.sum()
    smoothed = (cluster_size_new + EPS) / (total + NUM_TOKENS * EPS) * total
    embed_normalized = embed_avg_new / smoothed[:, None]
    # quantize uses the freshly updated codebook (torch copies into self.embed before matmul)
    quantize = jnp.matmul(encodings, embed_normalized)
    # straight-through estimator
    quantize = jax.lax.stop_gradient(quantize - inputs_flatten) + inputs_flatten
    return (quantize, encoding_indices)

if __name__ == "__main__":
    import jax
    _d = setup_inputs()
    print(jax.jit(kernel)(*tuple(_d.values())))

</pallas_src>

<mosaic_0001>
#map = affine_map<(d0, d1) -> (0, 0)>
#map1 = affine_map<(d0, d1) -> (0)>
module attributes {stable_mosaic.version = 14 : i64} {
  func.func @_scatter_body(%arg0: i32, %arg1: i32, %arg2: memref<18432x256xf32, #tpu.memory_space<hbm>>, %arg3: memref<18432xi32, #tpu.memory_space<hbm>>, %arg4: memref<8192x256xf32, #tpu.memory_space<hbm>>, %arg5: memref<9x128xi32, #tpu.memory_space<vmem>>, %arg6: memref<128x128xf32, #tpu.memory_space<vmem>>, %arg7: memref<128x128xf32, #tpu.memory_space<vmem>>, %arg8: memref<8x128xf32, #tpu.memory_space<vmem>>, %arg9: memref<8192x128xf32, #tpu.memory_space<vmem_shared>>, %arg10: memref<!tpu.dma_semaphore, #tpu.memory_space<semaphore_mem>>, %arg11: memref<!tpu.dma_semaphore, #tpu.memory_space<semaphore_mem>>) attributes {dimension_semantics = [#tpu.dimension_semantics<core_parallel>, #tpu.dimension_semantics<subcore_parallel>], iteration_bounds = array<i64: 2, 16>, scalar_prefetch = 0 : i64, scratch_operands = 7 : i64, tpu.core_type = #tpu.core_type<sc_vector_subcore>, window_params = [{transform_indices = #map}, {transform_indices = #map1}, {transform_indices = #map}]} {
    %mul3A = arith.constant 1152 : i32
    %mul3A_0 = arith.muli %arg1, %mul3A : i32
    %add3A = arith.constant 0 : i32
    %add3A_1 = arith.addi %mul3A_0, %add3A : i32
    %run_scoped3A = arith.constant 0 : i32
    "tpu.region"() ({
      %run_scoped3A_123 = tpu.sem_alloc : memref<!tpu.dma_semaphore, #tpu.memory_space<semaphore_mem>>
      %dma_start3A_124 = arith.constant 0 : i32
      %dma_start3A_125 = tpu.memref_slice %arg5[%run_scoped3A, %dma_start3A_124] : memref<9x128xi32, #tpu.memory_space<vmem>> -> memref<1x128xi32, #tpu.memory_space<vmem>>
      %dma_start3A_126 = tpu.memref_squeeze %dma_start3A_125 : memref<1x128xi32, #tpu.memory_space<vmem>> -> memref<128xi32, #tpu.memory_space<vmem>>
      %dma_start3A_127 = tpu.memref_slice %arg3[%add3A_1] : memref<18432xi32, #tpu.memory_space<hbm>> -> memref<128xi32, #tpu.memory_space<hbm>>
      %dma_start3A_128 = arith.constant 0 : i32
      %dma_start3A_129 = tpu.memref_slice %arg5[%run_scoped3A, %dma_start3A_128] : memref<9x128xi32, #tpu.memory_space<vmem>> -> memref<1x128xi32, #tpu.memory_space<vmem>>
      %dma_start3A_130 = tpu.memref_squeeze %dma_start3A_129 : memref<1x128xi32, #tpu.memory_space<vmem>> -> memref<128xi32, #tpu.memory_space<vmem>>
      %dma_start3A_131 = tpu.memref_slice %arg3[%add3A_1] : memref<18432xi32, #tpu.memory_space<hbm>> -> memref<128xi32, #tpu.memory_space<hbm>>
      tpu.enqueue_dma source(%dma_start3A_131 : memref<128xi32, #tpu.memory_space<hbm>>) target(%dma_start3A_130 : memref<128xi32, #tpu.memory_space<vmem>>) target_semaphore(%run_scoped3A_123 : memref<!tpu.dma_semaphore, #tpu.memory_space<semaphore_mem>>)
      %dma_wait3A_132 = arith.constant 0 : i32
      %dma_wait3A_133 = tpu.memref_slice %arg5[%run_scoped3A, %dma_wait3A_132] : memref<9x128xi32, #tpu.memory_space<vmem>> -> memref<1x128xi32, #tpu.memory_space<vmem>>
      %dma_wait3A_134 = tpu.memref_squeeze %dma_wait3A_133 : memref<1x128xi32, #tpu.memory_space<vmem>> -> memref<128xi32, #tpu.memory_space<vmem>>
      %dma_wait3A_135 = tpu.memref_slice %arg3[%add3A_1] : memref<18432xi32, #tpu.memory_space<hbm>> -> memref<128xi32, #tpu.memory_space<hbm>>
      %dma_wait3A_136 = arith.constant 0 : i32
      %dma_wait3A_137 = tpu.memref_slice %arg5[%run_scoped3A, %dma_wait3A_136] : memref<9x128xi32, #tpu.memory_space<vmem>> -> memref<1x128xi32, #tpu.memory_space<vmem>>
      %dma_wait3A_138 = tpu.memref_squeeze %dma_wait3A_137 : memref<1x128xi32, #tpu.memory_space<vmem>> -> memref<128xi32, #tpu.memory_space<vmem>>
      %dma_wait3A_139 = tpu.memref_slice %arg3[%add3A_1] : memref<18432xi32, #tpu.memory_space<hbm>> -> memref<128xi32, #tpu.memory_space<hbm>>
      tpu.wait_dma2 semaphore(%run_scoped3A_123 : memref<!tpu.dma_semaphore, #tpu.memory_space<semaphore_mem>>) src(%dma_wait3A_139 : memref<128xi32, #tpu.memory_space<hbm>>) dst(%dma_wait3A_138 : memref<128xi32, #tpu.memory_space<vmem>>)
      tpu.yield
    }) : () -> ()
    %add3A_2 = arith.constant 128 : i32
    %add3A_3 = arith.addi %mul3A_0, %add3A_2 : i32
    %run_scoped3A_4 = arith.constant 1 : i32
    "tpu.region"() ({
      %run_scoped3A_123 = tpu.sem_alloc : memref<!tpu.dma_semaphore, #tpu.memory_space<semaphore_mem>>
      %dma_start3A_124 = arith.constant 0 : i32
      %dma_start3A_125 = tpu.memref_slice %arg5[%run_scoped3A_4, %dma_start3A_124] : memref<9x128xi32, #tpu.memory_space<vmem>> -> memref<1x128xi32, #tpu.memory_space<vmem>>
      %dma_start3A_126 = tpu.memref_squeeze %dma_start3A_125 : memref<1x128xi32, #tpu.memory_space<vmem>> -> memref<128xi32, #tpu.memory_space<vmem>>
      %dma_start3A_127 = tpu.memref_slice %arg3[%add3A_3] : memref<18432xi32, #tpu.memory_space<hbm>> -> memref<128xi32, #tpu.memory_space<hbm>>
      %dma_start3A_128 = arith.constant 0 : i32
      %dma_start3A_129 = tpu.memref_slice %arg5[%run_scoped3A_4, %dma_start3A_128] : memref<9x128xi32, #tpu.memory_space<vmem>> -> memref<1x128xi32, #tpu.memory_space<vmem>>
      %dma_start3A_130 = tpu.memref_squeeze %dma_start3A_129 : memref<1x128xi32, #tpu.memory_space<vmem>> -> memref<128xi32, #tpu.memory_space<vmem>>
      %dma_start3A_131 = tpu.memref_slice %arg3[%add3A_3] : memref<18432xi32, #tpu.memory_space<hbm>> -> memref<128xi32, #tpu.memory_space<hbm>>
      tpu.enqueue_dma source(%dma_start3A_131 : memref<128xi32, #tpu.memory_space<hbm>>) target(%dma_start3A_130 : memref<128xi32, #tpu.memory_space<vmem>>) target_semaphore(%run_scoped3A_123 : memref<!tpu.dma_semaphore, #tpu.memory_space<semaphore_mem>>)
      %dma_wait3A_132 = arith.constant 0 : i32
      %dma_wait3A_133 = tpu.memref_slice %arg5[%run_scoped3A_4, %dma_wait3A_132] : memref<9x128xi32, #tpu.memory_space<vmem>> -> memref<1x128xi32, #tpu.memory_space<vmem>>
      %dma_wait3A_134 = tpu.memref_squeeze %dma_wait3A_133 : memref<1x128xi32, #tpu.memory_space<vmem>> -> memref<128xi32, #tpu.memory_space<vmem>>
      %dma_wait3A_135 = tpu.memref_slice %arg3[%add3A_3] : memref<18432xi32, #tpu.memory_space<hbm>> -> memref<128xi32, #tpu.memory_space<hbm>>
      %dma_wait3A_136 = arith.constant 0 : i32
      %dma_wait3A_137 = tpu.memref_slice %arg5[%run_scoped3A_4, %dma_wait3A_136] : memref<9x128xi32, #tpu.memory_space<vmem>> -> memref<1x128xi32, #tpu.memory_space<vmem>>
      %dma_wait3A_138 = tpu.memref_squeeze %dma_wait3A_137 : memref<1x128xi32, #tpu.memory_space<vmem>> -> memref<128xi32, #tpu.memory_space<vmem>>
      %dma_wait3A_139 = tpu.memref_slice %arg3[%add3A_3] : memref<18432xi32, #tpu.memory_space<hbm>> -> memref<128xi32, #tpu.memory_space<hbm>>
      tpu.wait_dma2 semaphore(%run_scoped3A_123 : memref<!tpu.dma_semaphore, #tpu.memory_space<semaphore_mem>>) src(%dma_wait3A_139 : memref<128xi32, #tpu.memory_space<hbm>>) dst(%dma_wait3A_138 : memref<128xi32, #tpu.memory_space<vmem>>)
      tpu.yield
    }) : () -> ()
    %add3A_5 = arith.constant 256 : i32
    %add3A_6 = arith.addi %mul3A_0, %add3A_5 : i32
    %run_scoped3A_7 = arith.constant 2 : i32
    "tpu.region"() ({
      %run_scoped3A_123 = tpu.sem_alloc : memref<!tpu.dma_semaphore, #tpu.memory_space<semaphore_mem>>
      %dma_start3A_124 = arith.constant 0 : i32
      %dma_start3A_125 = tpu.memref_slice %arg5[%run_scoped3A_7, %dma_start3A_124] : memref<9x128xi32, #tpu.memory_space<vmem>> -> memref<1x128xi32, #tpu.memory_space<vmem>>
      %dma_start3A_126 = tpu.memref_squeeze %dma_start3A_125 : memref<1x128xi32, #tpu.memory_space<vmem>> -> memref<128xi32, #tpu.memory_space<vmem>>
      %dma_start3A_127 = tpu.memref_slice %arg3[%add3A_6] : memref<18432xi32, #tpu.memory_space<hbm>> -> memref<128xi32, #tpu.memory_space<hbm>>
      %dma_start3A_128 = arith.constant 0 : i32
      %dma_start3A_129 = tpu.memref_slice %arg5[%run_scoped3A_7, %dma_start3A_128] : memref<9x128xi32, #tpu.memory_space<vmem>> -> memref<1x128xi32, #tpu.memory_space<vmem>>
      %dma_start3A_130 = tpu.memref_squeeze %dma_start3A_129 : memref<1x128xi32, #tpu.memory_space<vmem>> -> memref<128xi32, #tpu.memory_space<vmem>>
      %dma_start3A_131 = tpu.memref_slice %arg3[%add3A_6] : memref<18432xi32, #tpu.memory_space<hbm>> -> memref<128xi32, #tpu.memory_space<hbm>>
      tpu.enqueue_dma source(%dma_start3A_131 : memref<128xi32, #tpu.memory_space<hbm>>) target(%dma_start3A_130 : memref<128xi32, #tpu.memory_space<vmem>>) target_semaphore(%run_scoped3A_123 : memref<!tpu.dma_semaphore, #tpu.memory_space<semaphore_mem>>)
      %dma_wait3A_132 = arith.constant 0 : i32
      %dma_wait3A_133 = tpu.memref_slice %arg5[%run_scoped3A_7, %dma_wait3A_132] : memref<9x128xi32, #tpu.memory_space<vmem>> -> memref<1x128xi32, #tpu.memory_space<vmem>>
      %dma_wait3A_134 = tpu.memref_squeeze %dma_wait3A_133 : memref<1x128xi32, #tpu.memory_space<vmem>> -> memref<128xi32, #tpu.memory_space<vmem>>
      %dma_wait3A_135 = tpu.memref_slice %arg3[%add3A_6] : memref<18432xi32, #tpu.memory_space<hbm>> -> memref<128xi32, #tpu.memory_space<hbm>>
      %dma_wait3A_136 = arith.constant 0 : i32
      %dma_wait3A_137 = tpu.memref_slice %arg5[%run_scoped3A_7, %dma_wait3A_136] : memref<9x128xi32, #tpu.memory_space<vmem>> -> memref<1x128xi32, #tpu.memory_space<vmem>>
      %dma_wait3A_138 = tpu.memref_squeeze %dma_wait3A_137 : memref<1x128xi32, #tpu.memory_space<vmem>> -> memref<128xi32, #tpu.memory_space<vmem>>
      %dma_wait3A_139 = tpu.memref_slice %arg3[%add3A_6] : memref<18432xi32, #tpu.memory_space<hbm>> -> memref<128xi32, #tpu.memory_space<hbm>>
      tpu.wait_dma2 semaphore(%run_scoped3A_123 : memref<!tpu.dma_semaphore, #tpu.memory_space<semaphore_mem>>) src(%dma_wait3A_139 : memref<128xi32, #tpu.memory_space<hbm>>) dst(%dma_wait3A_138 : memref<128xi32, #tpu.memory_space<vmem>>)
      tpu.yield
    }) : () -> ()
    %add3A_8 = arith.constant 384 : i32
    %add3A_9 = arith.addi %mul3A_0, %add3A_8 : i32
    %run_scoped3A_10 = arith.constant 3 : i32
    "tpu.region"() ({
      %run_scoped3A_123 = tpu.sem_alloc : memref<!tpu.dma_semaphore, #tpu.memory_space<semaphore_mem>>
      %dma_start3A_124 = arith.constant 0 : i32
      %dma_start3A_125 = tpu.memref_slice %arg5[%run_scoped3A_10, %dma_start3A_124] : memref<9x128xi32, #tpu.memory_space<vmem>> -> memref<1x128xi32, #tpu.memory_space<vmem>>
      %dma_start3A_126 = tpu.memref_squeeze %dma_start3A_125 : memref<1x128xi32, #tpu.memory_space<vmem>> -> memref<128xi32, #tpu.memory_space<vmem>>
      %dma_start3A_127 = tpu.memref_slice %arg3[%add3A_9] : memref<18432xi32, #tpu.memory_space<hbm>> -> memref<128xi32, #tpu.memory_space<hbm>>
      %dma_start3A_128 = arith.constant 0 : i32
      %dma_start3A_129 = tpu.memref_slice %arg5[%run_scoped3A_10, %dma_start3A_128] : memref<9x128xi32, #tpu.memory_space<vmem>> -> memref<1x128xi32, #tpu.memory_space<vmem>>
      %dma_start3A_130 = tpu.memref_squeeze %dma_start3A_129 : memref<1x128xi32, #tpu.memory_space<vmem>> -> memref<128xi32, #tpu.memory_space<vmem>>
      %dma_start3A_131 = tpu.memref_slice %arg3[%add3A_9] : memref<18432xi32, #tpu.memory_space<hbm>> -> memref<128xi32, #tpu.memory_space<hbm>>
      tpu.enqueue_dma source(%dma_start3A_131 : memref<128xi32, #tpu.memory_space<hbm>>) target(%dma_start3A_130 : memref<128xi32, #tpu.memory_space<vmem>>) target_semaphore(%run_scoped3A_123 : memref<!tpu.dma_semaphore, #tpu.memory_space<semaphore_mem>>)
      %dma_wait3A_132 = arith.constant 0 : i32
      %dma_wait3A_133 = tpu.memref_slice %arg5[%run_scoped3A_10, %dma_wait3A_132] : memref<9x128xi32, #tpu.memory_space<vmem>> -> memref<1x128xi32, #tpu.memory_space<vmem>>
      %dma_wait3A_134 = tpu.memref_squeeze %dma_wait3A_133 : memref<1x128xi32, #tpu.memory_space<vmem>> -> memref<128xi32, #tpu.memory_space<vmem>>
      %dma_wait3A_135 = tpu.memref_slice %arg3[%add3A_9] : memref<18432xi32, #tpu.memory_space<hbm>> -> memref<128xi32, #tpu.memory_space<hbm>>
      %dma_wait3A_136 = arith.constant 0 : i32
      %dma_wait3A_137 = tpu.memref_slice %arg5[%run_scoped3A_10, %dma_wait3A_136] : memref<9x128xi32, #tpu.memory_space<vmem>> -> memref<1x128xi32, #tpu.memory_space<vmem>>
      %dma_wait3A_138 = tpu.memref_squeeze %dma_wait3A_137 : memref<1x128xi32, #tpu.memory_space<vmem>> -> memref<128xi32, #tpu.memory_space<vmem>>
      %dma_wait3A_139 = tpu.memref_slice %arg3[%add3A_9] : memref<18432xi32, #tpu.memory_space<hbm>> -> memref<128xi32, #tpu.memory_space<hbm>>
      tpu.wait_dma2 semaphore(%run_scoped3A_123 : memref<!tpu.dma_semaphore, #tpu.memory_space<semaphore_mem>>) src(%dma_wait3A_139 : memref<128xi32, #tpu.memory_space<hbm>>) dst(%dma_wait3A_138 : memref<128xi32, #tpu.memory_space<vmem>>)
      tpu.yield
    }) : () -> ()
    %add3A_11 = arith.constant 512 : i32
    %add3A_12 = arith.addi %mul3A_0, %add3A_11 : i32
    %run_scoped3A_13 = arith.constant 4 : i32
    "tpu.region"() ({
      %run_scoped3A_123 = tpu.sem_alloc : memref<!tpu.dma_semaphore, #tpu.memory_space<semaphore_mem>>
      %dma_start3A_124 = arith.constant 0 : i32
      %dma_start3A_125 = tpu.memref_slice %arg5[%run_scoped3A_13, %dma_start3A_124] : memref<9x128xi32, #tpu.memory_space<vmem>> -> memref<1x128xi32, #tpu.memory_space<vmem>>
      %dma_start3A_126 = tpu.memref_squeeze %dma_start3A_125 : memref<1x128xi32, #tpu.memory_space<vmem>> -> memref<128xi32, #tpu.memory_space<vmem>>
      %dma_start3A_127 = tpu.memref_slice %arg3[%add3A_12] : memref<18432xi32, #tpu.memory_space<hbm>> -> memref<128xi32, #tpu.memory_space<hbm>>
      %dma_start3A_128 = arith.constant 0 : i32
      %dma_start3A_129 = tpu.memref_slice %arg5[%run_scoped3A_13, %dma_start3A_128] : memref<9x128xi32, #tpu.memory_space<vmem>> -> memref<1x128xi32, #tpu.memory_space<vmem>>
      %dma_start3A_130 = tpu.memref_squeeze %dma_start3A_129 : memref<1x128xi32, #tpu.memory_space<vmem>> -> memref<128xi32, #tpu.memory_space<vmem>>
      %dma_start3A_131 = tpu.memref_slice %arg3[%add3A_12] : memref<18432xi32, #tpu.memory_space<hbm>> -> memref<128xi32, #tpu.memory_space<hbm>>
      tpu.enqueue_dma source(%dma_start3A_131 : memref<128xi32, #tpu.memory_space<hbm>>) target(%dma_start3A_130 : memref<128xi32, #tpu.memory_space<vmem>>) target_semaphore(%run_scoped3A_123 : memref<!tpu.dma_semaphore, #tpu.memory_space<semaphore_mem>>)
      %dma_wait3A_132 = arith.constant 0 : i32
      %dma_wait3A_133 = tpu.memref_slice %arg5[%run_scoped3A_13, %dma_wait3A_132] : memref<9x128xi32, #tpu.memory_space<vmem>> -> memref<1x128xi32, #tpu.memory_space<vmem>>
      %dma_wait3A_134 = tpu.memref_squeeze %dma_wait3A_133 : memref<1x128xi32, #tpu.memory_space<vmem>> -> memref<128xi32, #tpu.memory_space<vmem>>
      %dma_wait3A_135 = tpu.memref_slice %arg3[%add3A_12] : memref<18432xi32, #tpu.memory_space<hbm>> -> memref<128xi32, #tpu.memory_space<hbm>>
      %dma_wait3A_136 = arith.constant 0 : i32
      %dma_wait3A_137 = tpu.memref_slice %arg5[%run_scoped3A_13, %dma_wait3A_136] : memref<9x128xi32, #tpu.memory_space<vmem>> -> memref<1x128xi32, #tpu.memory_space<vmem>>
      %dma_wait3A_138 = tpu.memref_squeeze %dma_wait3A_137 : memref<1x128xi32, #tpu.memory_space<vmem>> -> memref<128xi32, #tpu.memory_space<vmem>>
      %dma_wait3A_139 = tpu.memref_slice %arg3[%add3A_12] : memref<18432xi32, #tpu.memory_space<hbm>> -> memref<128xi32, #tpu.memory_space<hbm>>
      tpu.wait_dma2 semaphore(%run_scoped3A_123 : memref<!tpu.dma_semaphore, #tpu.memory_space<semaphore_mem>>) src(%dma_wait3A_139 : memref<128xi32, #tpu.memory_space<hbm>>) dst(%dma_wait3A_138 : memref<128xi32, #tpu.memory_space<vmem>>)
      tpu.yield
    }) : () -> ()
    %add3A_14 = arith.constant 640 : i32
    %add3A_15 = arith.addi %mul3A_0, %add3A_14 : i32
    %run_scoped3A_16 = arith.constant 5 : i32
    "tpu.region"() ({
      %run_scoped3A_123 = tpu.sem_alloc : memref<!tpu.dma_semaphore, #tpu.memory_space<semaphore_mem>>
      %dma_start3A_124 = arith.constant 0 : i32
      %dma_start3A_125 = tpu.memref_slice %arg5[%run_scoped3A_16, %dma_start3A_124] : memref<9x128xi32, #tpu.memory_space<vmem>> -> memref<1x128xi32, #tpu.memory_space<vmem>>
      %dma_start3A_126 = tpu.memref_squeeze %dma_start3A_125 : memref<1x128xi32, #tpu.memory_space<vmem>> -> memref<128xi32, #tpu.memory_space<vmem>>
      %dma_start3A_127 = tpu.memref_slice %arg3[%add3A_15] : memref<18432xi32, #tpu.memory_space<hbm>> -> memref<128xi32, #tpu.memory_space<hbm>>
      %dma_start3A_128 = arith.constant 0 : i32
      %dma_start3A_129 = tpu.memref_slice %arg5[%run_scoped3A_16, %dma_start3A_128] : memref<9x128xi32, #tpu.memory_space<vmem>> -> memref<1x128xi32, #tpu.memory_space<vmem>>
      %dma_start3A_130 = tpu.memref_squeeze %dma_start3A_129 : memref<1x128xi32, #tpu.memory_space<vmem>> -> memref<128xi32, #tpu.memory_space<vmem>>
      %dma_start3A_131 = tpu.memref_slice %arg3[%add3A_15] : memref<18432xi32, #tpu.memory_space<hbm>> -> memref<128xi32, #tpu.memory_space<hbm>>
      tpu.enqueue_dma source(%dma_start3A_131 : memref<128xi32, #tpu.memory_space<hbm>>) target(%dma_start3A_130 : memref<128xi32, #tpu.memory_space<vmem>>) target_semaphore(%run_scoped3A_123 : memref<!tpu.dma_semaphore, #tpu.memory_space<semaphore_mem>>)
      %dma_wait3A_132 = arith.constant 0 : i32
      %dma_wait3A_133 = tpu.memref_slice %arg5[%run_scoped3A_16, %dma_wait3A_132] : memref<9x128xi32, #tpu.memory_space<vmem>> -> memref<1x128xi32, #tpu.memory_space<vmem>>
      %dma_wait3A_134 = tpu.memref_squeeze %dma_wait3A_133 : memref<1x128xi32, #tpu.memory_space<vmem>> -> memref<128xi32, #tpu.memory_space<vmem>>
      %dma_wait3A_135 = tpu.memref_slice %arg3[%add3A_15] : memref<18432xi32, #tpu.memory_space<hbm>> -> memref<128xi32, #tpu.memory_space<hbm>>
      %dma_wait3A_136 = arith.constant 0 : i32
      %dma_wait3A_137 = tpu.memref_slice %arg5[%run_scoped3A_16, %dma_wait3A_136] : memref<9x128xi32, #tpu.memory_space<vmem>> -> memref<1x128xi32, #tpu.memory_space<vmem>>
      %dma_wait3A_138 = tpu.memref_squeeze %dma_wait3A_137 : memref<1x128xi32, #tpu.memory_space<vmem>> -> memref<128xi32, #tpu.memory_space<vmem>>
      %dma_wait3A_139 = tpu.memref_slice %arg3[%add3A_15] : memref<18432xi32, #tpu.memory_space<hbm>> -> memref<128xi32, #tpu.memory_space<hbm>>
      tpu.wait_dma2 semaphore(%run_scoped3A_123 : memref<!tpu.dma_semaphore, #tpu.memory_space<semaphore_mem>>) src(%dma_wait3A_139 : memref<128xi32, #tpu.memory_space<hbm>>) dst(%dma_wait3A_138 : memref<128xi32, #tpu.memory_space<vmem>>)
      tpu.yield
    }) : () -> ()
    %add3A_17 = arith.constant 768 : i32
    %add3A_18 = arith.addi %mul3A_0, %add3A_17 : i32
    %run_scoped3A_19 = arith.constant 6 : i32
    "tpu.region"() ({
      %run_scoped3A_123 = tpu.sem_alloc : memref<!tpu.dma_semaphore, #tpu.memory_space<semaphore_mem>>
      %dma_start3A_124 = arith.constant 0 : i32
      %dma_start3A_125 = tpu.memref_slice %arg5[%run_scoped3A_19, %dma_start3A_124] : memref<9x128xi32, #tpu.memory_space<vmem>> -> memref<1x128xi32, #tpu.memory_space<vmem>>
      %dma_start3A_126 = tpu.memref_squeeze %dma_start3A_125 : memref<1x128xi32, #tpu.memory_space<vmem>> -> memref<128xi32, #tpu.memory_space<vmem>>
      %dma_start3A_127 = tpu.memref_slice %arg3[%add3A_18] : memref<18432xi32, #tpu.memory_space<hbm>> -> memref<128xi32, #tpu.memory_space<hbm>>
      %dma_start3A_128 = arith.constant 0 : i32
      %dma_start3A_129 = tpu.memref_slice %arg5[%run_scoped3A_19, %dma_start3A_128] : memref<9x128xi32, #tpu.memory_space<vmem>> -> memref<1x128xi32, #tpu.memory_space<vmem>>
      %dma_start3A_130 = tpu.memref_squeeze %dma_start3A_129 : memref<1x128xi32, #tpu.memory_space<vmem>> -> memref<128xi32, #tpu.memory_space<vmem>>
      %dma_start3A_131 = tpu.memref_slice %arg3[%add3A_18] : memref<18432xi32, #tpu.memory_space<hbm>> -> memref<128xi32, #tpu.memory_space<hbm>>
      tpu.enqueue_dma source(%dma_start3A_131 : memref<128xi32, #tpu.memory_space<hbm>>) target(%dma_start3A_130 : memref<128xi32, #tpu.memory_space<vmem>>) target_semaphore(%run_scoped3A_123 : memref<!tpu.dma_semaphore, #tpu.memory_space<semaphore_mem>>)
      %dma_wait3A_132 = arith.constant 0 : i32
      %dma_wait3A_133 = tpu.memref_slice %arg5[%run_scoped3A_19, %dma_wait3A_132] : memref<9x128xi32, #tpu.memory_space<vmem>> -> memref<1x128xi32, #tpu.memory_space<vmem>>
      %dma_wait3A_134 = tpu.memref_squeeze %dma_wait3A_133 : memref<1x128xi32, #tpu.memory_space<vmem>> -> memref<128xi32, #tpu.memory_space<vmem>>
      %dma_wait3A_135 = tpu.memref_slice %arg3[%add3A_18] : memref<18432xi32, #tpu.memory_space<hbm>> -> memref<128xi32, #tpu.memory_space<hbm>>
      %dma_wait3A_136 = arith.constant 0 : i32
      %dma_wait3A_137 = tpu.memref_slice %arg5[%run_scoped3A_19, %dma_wait3A_136] : memref<9x128xi32, #tpu.memory_space<vmem>> -> memref<1x128xi32, #tpu.memory_space<vmem>>
      %dma_wait3A_138 = tpu.memref_squeeze %dma_wait3A_137 : memref<1x128xi32, #tpu.memory_space<vmem>> -> memref<128xi32, #tpu.memory_space<vmem>>
      %dma_wait3A_139 = tpu.memref_slice %arg3[%add3A_18] : memref<18432xi32, #tpu.memory_space<hbm>> -> memref<128xi32, #tpu.memory_space<hbm>>
      tpu.wait_dma2 semaphore(%run_scoped3A_123 : memref<!tpu.dma_semaphore, #tpu.memory_space<semaphore_mem>>) src(%dma_wait3A_139 : memref<128xi32, #tpu.memory_space<hbm>>) dst(%dma_wait3A_138 : memref<128xi32, #tpu.memory_space<vmem>>)
      tpu.yield
    }) : () -> ()
    %add3A_20 = arith.constant 896 : i32
    %add3A_21 = arith.addi %mul3A_0, %add3A_20 : i32
    %run_scoped3A_22 = arith.constant 7 : i32
    "tpu.region"() ({
      %run_scoped3A_123 = tpu.sem_alloc : memref<!tpu.dma_semaphore, #tpu.memory_space<semaphore_mem>>
      %dma_start3A_124 = arith.constant 0 : i32
      %dma_start3A_125 = tpu.memref_slice %arg5[%run_scoped3A_22, %dma_start3A_124] : memref<9x128xi32, #tpu.memory_space<vmem>> -> memref<1x128xi32, #tpu.memory_space<vmem>>
      %dma_start3A_126 = tpu.memref_squeeze %dma_start3A_125 : memref<1x128xi32, #tpu.memory_space<vmem>> -> memref<128xi32, #tpu.memory_space<vmem>>
      %dma_start3A_127 = tpu.memref_slice %arg3[%add3A_21] : memref<18432xi32, #tpu.memory_space<hbm>> -> memref<128xi32, #tpu.memory_space<hbm>>
      %dma_start3A_128 = arith.constant 0 : i32
      %dma_start3A_129 = tpu.memref_slice %arg5[%run_scoped3A_22, %dma_start3A_128] : memref<9x128xi32, #tpu.memory_space<vmem>> -> memref<1x128xi32, #tpu.memory_space<vmem>>
      %dma_start3A_130 = tpu.memref_squeeze %dma_start3A_129 : memref<1x128xi32, #tpu.memory_space<vmem>> -> memref<128xi32, #tpu.memory_space<vmem>>
      %dma_start3A_131 = tpu.memref_slice %arg3[%add3A_21] : memref<18432xi32, #tpu.memory_space<hbm>> -> memref<128xi32, #tpu.memory_space<hbm>>
      tpu.enqueue_dma source(%dma_start3A_131 : memref<128xi32, #tpu.memory_space<hbm>>) target(%dma_start3A_130 : memref<128xi32, #tpu.memory_space<vmem>>) target_semaphore(%run_scoped3A_123 : memref<!tpu.dma_semaphore, #tpu.memory_space<semaphore_mem>>)
      %dma_wait3A_132 = arith.constant 0 : i32
      %dma_wait3A_133 = tpu.memref_slice %arg5[%run_scoped3A_22, %dma_wait3A_132] : memref<9x128xi32, #tpu.memory_space<vmem>> -> memref<1x128xi32, #tpu.memory_space<vmem>>
      %dma_wait3A_134 = tpu.memref_squeeze %dma_wait3A_133 : memref<1x128xi32, #tpu.memory_space<vmem>> -> memref<128xi32, #tpu.memory_space<vmem>>
      %dma_wait3A_135 = tpu.memref_slice %arg3[%add3A_21] : memref<18432xi32, #tpu.memory_space<hbm>> -> memref<128xi32, #tpu.memory_space<hbm>>
      %dma_wait3A_136 = arith.constant 0 : i32
      %dma_wait3A_137 = tpu.memref_slice %arg5[%run_scoped3A_22, %dma_wait3A_136] : memref<9x128xi32, #tpu.memory_space<vmem>> -> memref<1x128xi32, #tpu.memory_space<vmem>>
      %dma_wait3A_138 = tpu.memref_squeeze %dma_wait3A_137 : memref<1x128xi32, #tpu.memory_space<vmem>> -> memref<128xi32, #tpu.memory_space<vmem>>
      %dma_wait3A_139 = tpu.memref_slice %arg3[%add3A_21] : memref<18432xi32, #tpu.memory_space<hbm>> -> memref<128xi32, #tpu.memory_space<hbm>>
      tpu.wait_dma2 semaphore(%run_scoped3A_123 : memref<!tpu.dma_semaphore, #tpu.memory_space<semaphore_mem>>) src(%dma_wait3A_139 : memref<128xi32, #tpu.memory_space<hbm>>) dst(%dma_wait3A_138 : memref<128xi32, #tpu.memory_space<vmem>>)
      tpu.yield
    }) : () -> ()
    %add3A_23 = arith.constant 1024 : i32
    %add3A_24 = arith.addi %mul3A_0, %add3A_23 : i32
    %run_scoped3A_25 = arith.constant 8 : i32
    "tpu.region"() ({
      %run_scoped3A_123 = tpu.sem_alloc : memref<!tpu.dma_semaphore, #tpu.memory_space<semaphore_mem>>
      %dma_start3A_124 = arith.constant 0 : i32
      %dma_start3A_125 = tpu.memref_slice %arg5[%run_scoped3A_25, %dma_start3A_124] : memref<9x128xi32, #tpu.memory_space<vmem>> -> memref<1x128xi32, #tpu.memory_space<vmem>>
      %dma_start3A_126 = tpu.memref_squeeze %dma_start3A_125 : memref<1x128xi32, #tpu.memory_space<vmem>> -> memref<128xi32, #tpu.memory_space<vmem>>
      %dma_start3A_127 = tpu.memref_slice %arg3[%add3A_24] : memref<18432xi32, #tpu.memory_space<hbm>> -> memref<128xi32, #tpu.memory_space<hbm>>
      %dma_start3A_128 = arith.constant 0 : i32
      %dma_start3A_129 = tpu.memref_slice %arg5[%run_scoped3A_25, %dma_start3A_128] : memref<9x128xi32, #tpu.memory_space<vmem>> -> memref<1x128xi32, #tpu.memory_space<vmem>>
      %dma_start3A_130 = tpu.memref_squeeze %dma_start3A_129 : memref<1x128xi32, #tpu.memory_space<vmem>> -> memref<128xi32, #tpu.memory_space<vmem>>
      %dma_start3A_131 = tpu.memref_slice %arg3[%add3A_24] : memref<18432xi32, #tpu.memory_space<hbm>> -> memref<128xi32, #tpu.memory_space<hbm>>
      tpu.enqueue_dma source(%dma_start3A_131 : memref<128xi32, #tpu.memory_space<hbm>>) target(%dma_start3A_130 : memref<128xi32, #tpu.memory_space<vmem>>) target_semaphore(%run_scoped3A_123 : memref<!tpu.dma_semaphore, #tpu.memory_space<semaphore_mem>>)
      %dma_wait3A_132 = arith.constant 0 : i32
      %dma_wait3A_133 = tpu.memref_slice %arg5[%run_scoped3A_25, %dma_wait3A_132] : memref<9x128xi32, #tpu.memory_space<vmem>> -> memref<1x128xi32, #tpu.memory_space<vmem>>
      %dma_wait3A_134 = tpu.memref_squeeze %dma_wait3A_133 : memref<1x128xi32, #tpu.memory_space<vmem>> -> memref<128xi32, #tpu.memory_space<vmem>>
      %dma_wait3A_135 = tpu.memref_slice %arg3[%add3A_24] : memref<18432xi32, #tpu.memory_space<hbm>> -> memref<128xi32, #tpu.memory_space<hbm>>
      %dma_wait3A_136 = arith.constant 0 : i32
      %dma_wait3A_137 = tpu.memref_slice %arg5[%run_scoped3A_25, %dma_wait3A_136] : memref<9x128xi32, #tpu.memory_space<vmem>> -> memref<1x128xi32, #tpu.memory_space<vmem>>
      %dma_wait3A_138 = tpu.memref_squeeze %dma_wait3A_137 : memref<1x128xi32, #tpu.memory_space<vmem>> -> memref<128xi32, #tpu.memory_space<vmem>>
      %dma_wait3A_139 = tpu.memref_slice %arg3[%add3A_24] : memref<18432xi32, #tpu.memory_space<hbm>> -> memref<128xi32, #tpu.memory_space<hbm>>
      tpu.wait_dma2 semaphore(%run_scoped3A_123 : memref<!tpu.dma_semaphore, #tpu.memory_space<semaphore_mem>>) src(%dma_wait3A_139 : memref<128xi32, #tpu.memory_space<hbm>>) dst(%dma_wait3A_138 : memref<128xi32, #tpu.memory_space<vmem>>)
      tpu.yield
    }) : () -> ()
    %mul3A_26 = arith.constant 128 : i32
    %mul3A_27 = arith.muli %arg0, %mul3A_26 : i32
    %dma_start3A = tpu.memref_slice %arg2[%mul3A_0, %mul3A_27] : memref<18432x256xf32, #tpu.memory_space<hbm>> -> memref<128x128xf32, #tpu.memory_space<hbm>>
    %dma_start3A_28 = tpu.memref_slice %arg2[%mul3A_0, %mul3A_27] : memref<18432x256xf32, #tpu.memory_space<hbm>> -> memref<128x128xf32, #tpu.memory_space<hbm>>
    tpu.enqueue_dma source(%dma_start3A_28 : memref<128x128xf32, #tpu.memory_space<hbm>>) target(%arg6 : memref<128x128xf32, #tpu.memory_space<vmem>>) target_semaphore(%arg10 : memref<!tpu.dma_semaphore, #tpu.memory_space<semaphore_mem>>)
    %scan3A = arith.constant 0 : i32
    %scan3A_29 = arith.constant 0 : i32
    %scan3A_30 = arith.constant 8 : i32
    %scan3A_31 = arith.addi %scan3A_29, %scan3A_30 : i32
    %scan3A_32 = arith.constant 1 : i32
    %scan3A_33 = scf.for %scan3A_123 = %scan3A_29 to %scan3A_31 step %scan3A_32 iter_args(%scan3A_124 = %scan3A) -> (i32)  : i32 {
      %broadcast_in_dim3A = arith.constant 0.000000e+00 : f32
      %broadcast_in_dim3A_125 = vector.broadcast %broadcast_in_dim3A : f32 to vector<16xf32>
      %swap3A = arith.index_cast %scan3A_123 : i32 to index
      %swap3A_126 = arith.constant 0 : index
      %swap3A_127 = tpu.vector_load %arg8[%swap3A, %swap3A_126] {strides = array<i32>} : memref<8x128xf32, #tpu.memory_space<vmem>>, vector<1x16xf32>,
      %swap3A_128 = vector.shape_cast %swap3A_127 : vector<1x16xf32> to vector<16xf32>
      %swap3A_129 = vector.shape_cast %broadcast_in_dim3A_125 : vector<16xf32> to vector<1x16xf32>
      tpu.vector_store %arg8[%swap3A, %swap3A_126], %swap3A_129 {strides = array<i32>} : memref<8x128xf32, #tpu.memory_space<vmem>>, vector<1x16xf32>,
      %broadcast_in_dim3A_130 = arith.constant 0.000000e+00 : f32
      %broadcast_in_dim3A_131 = vector.broadcast %broadcast_in_dim3A_130 : f32 to vector<16xf32>
      %swap3A_132 = arith.index_cast %scan3A_123 : i32 to index
      %swap3A_133 = arith.constant 16 : index
      %swap3A_134 = tpu.vector_load %arg8[%swap3A_132, %swap3A_133] {strides = array<i32>} : memref<8x128xf32, #tpu.memory_space<vmem>>, vector<1x16xf32>,
      %swap3A_135 = vector.shape_cast %swap3A_134 : vector<1x16xf32> to vector<16xf32>
      %swap3A_136 = vector.shape_cast %broadcast_in_dim3A_131 : vector<16xf32> to vector<1x16xf32>
      tpu.vector_store %arg8[%swap3A_132, %swap3A_133], %swap3A_136 {strides = array<i32>} : memref<8x128xf32, #tpu.memory_space<vmem>>, vector<1x16xf32>,
      %broadcast_in_dim3A_137 = arith.constant 0.000000e+00 : f32
      %broadcast_in_dim3A_138 = vector.broadcast %broadcast_in_dim3A_137 : f32 to vector<16xf32>
      %swap3A_139 = arith.index_cast %scan3A_123 : i32 to index
      %swap3A_140 = arith.constant 32 : index
      %swap3A_141 = tpu.vector_load %arg8[%swap3A_139, %swap3A_140] {strides = array<i32>} : memref<8x128xf32, #tpu.memory_space<vmem>>, vector<1x16xf32>,
      %swap3A_142 = vector.shape_cast %swap3A_141 : vector<1x16xf32> to vector<16xf32>
      %swap3A_143 = vector.shape_cast %broadcast_in_dim3A_138 : vector<16xf32> to vector<1x16xf32>
      tpu.vector_store %arg8[%swap3A_139, %swap3A_140], %swap3A_143 {strides = array<i32>} : memref<8x128xf32, #tpu.memory_space<vmem>>, vector<1x16xf32>,
      %broadcast_in_dim3A_144 = arith.constant 0.000000e+00 : f32
      %broadcast_in_dim3A_145 = vector.broadcast %broadcast_in_dim3A_144 : f32 to vector<16xf32>
      %swap3A_146 = arith.index_cast %scan3A_123 : i32 to index
      %swap3A_147 = arith.constant 48 : index
      %swap3A_148 = tpu.vector_load %arg8[%swap3A_146, %swap3A_147] {strides = array<i32>} : memref<8x128xf32, #tpu.memory_space<vmem>>, vector<1x16xf32>,
      %swap3A_149 = vector.shape_cast %swap3A_148 : vector<1x16xf32> to vector<16xf32>
      %swap3A_150 = vector.shape_cast %broadcast_in_dim3A_145 : vector<16xf32> to vector<1x16xf32>
      tpu.vector_store %arg8[%swap3A_146, %swap3A_147], %swap3A_150 {strides = array<i32>} : memref<8x128xf32, #tpu.memory_space<vmem>>, vector<1x16xf32>,
      %broadcast_in_dim3A_151 = arith.constant 0.000000e+00 : f32
      %broadcast_in_dim3A_152 = vector.broadcast %broadcast_in_dim3A_151 : f32 to vector<16xf32>
      %swap3A_153 = arith.index_cast %scan3A_123 : i32 to index
      %swap3A_154 = arith.constant 64 : index
      %swap3A_155 = tpu.vector_load %arg8[%swap3A_153, %swap3A_154] {strides = array<i32>} : memref<8x128xf32, #tpu.memory_space<vmem>>, vector<1x16xf32>,
      %swap3A_156 = vector.shape_cast %swap3A_155 : vector<1x16xf32> to vector<16xf32>
      %swap3A_157 = vector.shape_cast %broadcast_in_dim3A_152 : vector<16xf32> to vector<1x16xf32>
      tpu.vector_store %arg8[%swap3A_153, %swap3A_154], %swap3A_157 {strides = array<i32>} : memref<8x128xf32, #tpu.memory_space<vmem>>, vector<1x16xf32>,
      %broadcast_in_dim3A_158 = arith.constant 0.000000e+00 : f32
      %broadcast_in_dim3A_159 = vector.broadcast %broadcast_in_dim3A_158 : f32 to vector<16xf32>
      %swap3A_160 = arith.index_cast %scan3A_123 : i32 to index
      %swap3A_161 = arith.constant 80 : index
      %swap3A_162 = tpu.vector_load %arg8[%swap3A_160, %swap3A_161] {strides = array<i32>} : memref<8x128xf32, #tpu.memory_space<vmem>>, vector<1x16xf32>,
      %swap3A_163 = vector.shape_cast %swap3A_162 : vector<1x16xf32> to vector<16xf32>
      %swap3A_164 = vector.shape_cast %broadcast_in_dim3A_159 : vector<16xf32> to vector<1x16xf32>
      tpu.vector_store %arg8[%swap3A_160, %swap3A_161], %swap3A_164 {strides = array<i32>} : memref<8x128xf32, #tpu.memory_space<vmem>>, vector<1x16xf32>,
      %broadcast_in_dim3A_165 = arith.constant 0.000000e+00 : f32
      %broadcast_in_dim3A_166 = vector.broadcast %broadcast_in_dim3A_165 : f32 to vector<16xf32>
      %swap3A_167 = arith.index_cast %scan3A_123 : i32 to index
      %swap3A_168 = arith.constant 96 : index
      %swap3A_169 = tpu.vector_load %arg8[%swap3A_167, %swap3A_168] {strides = array<i32>} : memref<8x128xf32, #tpu.memory_space<vmem>>, vector<1x16xf32>,
      %swap3A_170 = vector.shape_cast %swap3A_169 : vector<1x16xf32> to vector<16xf32>
      %swap3A_171 = vector.shape_cast %broadcast_in_dim3A_166 : vector<16xf32> to vector<1x16xf32>
      tpu.vector_store %arg8[%swap3A_167, %swap3A_168], %swap3A_171 {strides = array<i32>} : memref<8x128xf32, #tpu.memory_space<vmem>>, vector<1x16xf32>,
      %broadcast_in_dim3A_172 = arith.constant 0.000000e+00 : f32
      %broadcast_in_dim3A_173 = vector.broadcast %broadcast_in_dim3A_172 : f32 to vector<16xf32>
      %swap3A_174 = arith.index_cast %scan3A_123 : i32 to index
      %swap3A_175 = arith.constant 112 : index
      %swap3A_176 = tpu.vector_load %arg8[%swap3A_174, %swap3A_175] {strides = array<i32>} : memref<8x128xf32, #tpu.memory_space<vmem>>, vector<1x16xf32>,
      %swap3A_177 = vector.shape_cast %swap3A_176 : vector<1x16xf32> to vector<16xf32>
      %swap3A_178 = vector.shape_cast %broadcast_in_dim3A_173 : vector<16xf32> to vector<1x16xf32>
      tpu.vector_store %arg8[%swap3A_174, %swap3A_175], %swap3A_178 {strides = array<i32>} : memref<8x128xf32, #tpu.memory_space<vmem>>, vector<1x16xf32>,
      %scan3A_179 = arith.constant 0 : i32
      scf.yield %scan3A_179 : i32
    }
    %scan3A_34 = arith.constant 8 : i32
    %scan3A_35 = arith.constant 0 : i32
    %scan3A_36 = arith.constant 0 : i32
    %scan3A_37 = arith.constant 64 : i32
    %scan3A_38 = arith.addi %scan3A_36, %scan3A_37 : i32
    %scan3A_39 = arith.constant 1 : i32
    %scan3A_40 = scf.for %scan3A_123 = %scan3A_36 to %scan3A_38 step %scan3A_39 iter_args(%scan3A_124 = %scan3A_35) -> (i32)  : i32 {
      %mul3A_125 = arith.constant 512 : i32
      %mul3A_126 = arith.muli %arg1, %mul3A_125 : i32
      %mul3A_127 = arith.constant 8 : i32
      %mul3A_128 = arith.muli %scan3A_123, %mul3A_127 : i32
      %add3A_129 = arith.addi %mul3A_126, %mul3A_128 : i32
      "tpu.region"() ({
        %run_scoped3A_131 = tpu.sem_alloc : memref<!tpu.dma_semaphore, #tpu.memory_space<semaphore_mem>>
        %dma_start3A_132 = arith.constant 0 : i32
        %dma_start3A_133 = tpu.memref_slice %arg9[%add3A_129, %dma_start3A_132] : memref<8192x128xf32, #tpu.memory_space<vmem_shared>> -> memref<8x128xf32, #tpu.memory_space<vmem_shared>>
        %dma_start3A_134 = arith.constant 0 : i32
        %dma_start3A_135 = tpu.memref_slice %arg9[%add3A_129, %dma_start3A_134] : memref<8192x128xf32, #tpu.memory_space<vmem_shared>> -> memref<8x128xf32, #tpu.memory_space<vmem_shared>>
        tpu.enqueue_dma source(%arg8 : memref<8x128xf32, #tpu.memory_space<vmem>>) target(%dma_start3A_135 : memref<8x128xf32, #tpu.memory_space<vmem_shared>>) target_semaphore(%run_scoped3A_131 : memref<!tpu.dma_semaphore, #tpu.memory_space<semaphore_mem>>)
        %dma_wait3A_136 = arith.constant 0 : i32
        %dma_wait3A_137 = tpu.memref_slice %arg9[%add3A_129, %dma_wait3A_136] : memref<8192x128xf32, #tpu.memory_space<vmem_shared>> -> memref<8x128xf32, #tpu.memory_space<vmem_shared>>
        %dma_wait3A_138 = arith.constant 0 : i32
        %dma_wait3A_139 = tpu.memref_slice %arg9[%add3A_129, %dma_wait3A_138] : memref<8192x128xf32, #tpu.memory_space<vmem_shared>> -> memref<8x128xf32, #tpu.memory_space<vmem_shared>>
        tpu.wait_dma2 semaphore(%run_scoped3A_131 : memref<!tpu.dma_semaphore, #tpu.memory_space<semaphore_mem>>) src(%arg8 : memref<8x128xf32, #tpu.memory_space<vmem>>) dst(%dma_wait3A_139 : memref<8x128xf32, #tpu.memory_space<vmem_shared>>)
        tpu.yield
      }) : () -> ()
      %scan3A_130 = arith.constant 0 : i32
      scf.yield %scan3A_130 : i32
    }
    %scan3A_41 = arith.constant 64 : i32
    %barrier3A = arith.constant 0 : index
    tpu.barrier barrier_id(%barrier3A)
    %dma_wait3A = tpu.memref_slice %arg2[%mul3A_0, %mul3A_27] : memref<18432x256xf32, #tpu.memory_space<hbm>> -> memref<128x128xf32, #tpu.memory_space<hbm>>
    %dma_wait3A_42 = tpu.memref_slice %arg2[%mul3A_0, %mul3A_27] : memref<18432x256xf32, #tpu.memory_space<hbm>> -> memref<128x128xf32, #tpu.memory_space<hbm>>
    tpu.wait_dma2 semaphore(%arg10 : memref<!tpu.dma_semaphore, #tpu.memory_space<semaphore_mem>>) src(%dma_wait3A_42 : memref<128x128xf32, #tpu.memory_space<hbm>>) dst(%arg6 : memref<128x128xf32, #tpu.memory_space<vmem>>)
    %add3A_43 = arith.constant 128 : i32
    %add3A_44 = arith.addi %mul3A_0, %add3A_43 : i32
    %mul3A_45 = arith.constant 128 : i32
    %mul3A_46 = arith.muli %arg0, %mul3A_45 : i32
    %dma_start3A_47 = tpu.memref_slice %arg2[%add3A_44, %mul3A_46] : memref<18432x256xf32, #tpu.memory_space<hbm>> -> memref<128x128xf32, #tpu.memory_space<hbm>>
    %dma_start3A_48 = tpu.memref_slice %arg2[%add3A_44, %mul3A_46] : memref<18432x256xf32, #tpu.memory_space<hbm>> -> memref<128x128xf32, #tpu.memory_space<hbm>>
    tpu.enqueue_dma source(%dma_start3A_48 : memref<128x128xf32, #tpu.memory_space<hbm>>) target(%arg7 : memref<128x128xf32, #tpu.memory_space<vmem>>) target_semaphore(%arg11 : memref<!tpu.dma_semaphore, #tpu.memory_space<semaphore_mem>>)
    %run_scoped3A_49 = arith.constant 0 : i32
    "tpu.region"() ({
      %run_scoped3A_123 = tpu.sem_alloc : memref<!tpu.dma_semaphore, #tpu.memory_space<semaphore_mem>>
      %dma_start3A_124 = arith.constant 0 : i32
      %dma_start3A_125 = tpu.memref_slice %arg5[%run_scoped3A_49, %dma_start3A_124] : memref<9x128xi32, #tpu.memory_space<vmem>> -> memref<1x128xi32, #tpu.memory_space<vmem>>
      %dma_start3A_126 = tpu.memref_squeeze %dma_start3A_125 : memref<1x128xi32, #tpu.memory_space<vmem>> -> memref<128xi32, #tpu.memory_space<vmem>>
      %dma_start3A_127 = arith.constant 0 : i32
      %dma_start3A_128 = arith.constant 0 : i32
      %dma_start3A_129 = tpu.memref_slice %arg9[%dma_start3A_127, %dma_start3A_128] : memref<8192x128xf32, #tpu.memory_space<vmem_shared>> -> memref<8192x128xf32, #tpu.memory_space<vmem_shared>>
      tpu.enqueue_indirect_dma source(%arg6 : memref<128x128xf32, #tpu.memory_space<vmem>>) target(%dma_start3A_129 : memref<8192x128xf32, #tpu.memory_space<vmem_shared>>) offsets(%dma_start3A_126 : memref<128xi32, #tpu.memory_space<vmem>>) semaphore(%run_scoped3A_123 : memref<!tpu.dma_semaphore, #tpu.memory_space<semaphore_mem>>) {add = true}
      %dma_wait3A_130 = arith.constant 0 : i32
      %dma_wait3A_131 = tpu.memref_slice %arg5[%run_scoped3A_49, %dma_wait3A_130] : memref<9x128xi32, #tpu.memory_space<vmem>> -> memref<1x128xi32, #tpu.memory_space<vmem>>
      %dma_wait3A_132 = tpu.memref_squeeze %dma_wait3A_131 : memref<1x128xi32, #tpu.memory_space<vmem>> -> memref<128xi32, #tpu.memory_space<vmem>>
      %dma_wait3A_133 = arith.constant 0 : i32
      %dma_wait3A_134 = arith.constant 0 : i32
      %dma_wait3A_135 = tpu.memref_slice %arg9[%dma_wait3A_133, %dma_wait3A_134] : memref<8192x128xf32, #tpu.memory_space<vmem_shared>> -> memref<8192x128xf32, #tpu.memory_space<vmem_shared>>
      tpu.wait_indirect_dma semaphore(%run_scoped3A_123 : memref<!tpu.dma_semaphore, #tpu.memory_space<semaphore_mem>>) src(%arg6 : memref<128x128xf32, #tpu.memory_space<vmem>>) dst(%dma_wait3A_135 : memref<8192x128xf32, #tpu.memory_space<vmem_shared>>)
      tpu.yield
    }) : () -> ()
    %dma_wait3A_50 = tpu.memref_slice %arg2[%add3A_44, %mul3A_46] : memref<18432x256xf32, #tpu.memory_space<hbm>> -> memref<128x128xf32, #tpu.memory_space<hbm>>
    %dma_wait3A_51 = tpu.memref_slice %arg2[%add3A_44, %mul3A_46] : memref<18432x256xf32, #tpu.memory_space<hbm>> -> memref<128x128xf32, #tpu.memory_space<hbm>>
    tpu.wait_dma2 semaphore(%arg11 : memref<!tpu.dma_semaphore, #tpu.memory_space<semaphore_mem>>) src(%dma_wait3A_51 : memref<128x128xf32, #tpu.memory_space<hbm>>) dst(%arg7 : memref<128x128xf32, #tpu.memory_space<vmem>>)
    %add3A_52 = arith.constant 256 : i32
    %add3A_53 = arith.addi %mul3A_0, %add3A_52 : i32
    %mul3A_54 = arith.constant 128 : i32
    %mul3A_55 = arith.muli %arg0, %mul3A_54 : i32
    %dma_start3A_56 = tpu.memref_slice %arg2[%add3A_53, %mul3A_55] : memref<18432x256xf32, #tpu.memory_space<hbm>> -> memref<128x128xf32, #tpu.memory_space<hbm>>
    %dma_start3A_57 = tpu.memref_slice %arg2[%add3A_53, %mul3A_55] : memref<18432x256xf32, #tpu.memory_space<hbm>> -> memref<128x128xf32, #tpu.memory_space<hbm>>
    tpu.enqueue_dma source(%dma_start3A_57 : memref<128x128xf32, #tpu.memory_space<hbm>>) target(%arg6 : memref<128x128xf32, #tpu.memory_space<vmem>>) target_semaphore(%arg10 : memref<!tpu.dma_semaphore, #tpu.memory_space<semaphore_mem>>)
    %run_scoped3A_58 = arith.constant 1 : i32
    "tpu.region"() ({
      %run_scoped3A_123 = tpu.sem_alloc : memref<!tpu.dma_semaphore, #tpu.memory_space<semaphore_mem>>
      %dma_start3A_124 = arith.constant 0 : i32
      %dma_start3A_125 = tpu.memref_slice %arg5[%run_scoped3A_58, %dma_start3A_124] : memref<9x128xi32, #tpu.memory_space<vmem>> -> memref<1x128xi32, #tpu.memory_space<vmem>>
      %dma_start3A_126 = tpu.memref_squeeze %dma_start3A_125 : memref<1x128xi32, #tpu.memory_space<vmem>> -> memref<128xi32, #tpu.memory_space<vmem>>
      %dma_start3A_127 = arith.constant 0 : i32
      %dma_start3A_128 = arith.constant 0 : i32
      %dma_start3A_129 = tpu.memref_slice %arg9[%dma_start3A_127, %dma_start3A_128] : memref<8192x128xf32, #tpu.memory_space<vmem_shared>> -> memref<8192x128xf32, #tpu.memory_space<vmem_shared>>
      tpu.enqueue_indirect_dma source(%arg7 : memref<128x128xf32, #tpu.memory_space<vmem>>) target(%dma_start3A_129 : memref<8192x128xf32, #tpu.memory_space<vmem_shared>>) offsets(%dma_start3A_126 : memref<128xi32, #tpu.memory_space<vmem>>) semaphore(%run_scoped3A_123 : memref<!tpu.dma_semaphore, #tpu.memory_space<semaphore_mem>>) {add = true}
      %dma_wait3A_130 = arith.constant 0 : i32
      %dma_wait3A_131 = tpu.memref_slice %arg5[%run_scoped3A_58, %dma_wait3A_130] : memref<9x128xi32, #tpu.memory_space<vmem>> -> memref<1x128xi32, #tpu.memory_space<vmem>>
      %dma_wait3A_132 = tpu.memref_squeeze %dma_wait3A_131 : memref<1x128xi32, #tpu.memory_space<vmem>> -> memref<128xi32, #tpu.memory_space<vmem>>
      %dma_wait3A_133 = arith.constant 0 : i32
      %dma_wait3A_134 = arith.constant 0 : i32
      %dma_wait3A_135 = tpu.memref_slice %arg9[%dma_wait3A_133, %dma_wait3A_134] : memref<8192x128xf32, #tpu.memory_space<vmem_shared>> -> memref<8192x128xf32, #tpu.memory_space<vmem_shared>>
      tpu.wait_indirect_dma semaphore(%run_scoped3A_123 : memref<!tpu.dma_semaphore, #tpu.memory_space<semaphore_mem>>) src(%arg7 : memref<128x128xf32, #tpu.memory_space<vmem>>) dst(%dma_wait3A_135 : memref<8192x128xf32, #tpu.memory_space<vmem_shared>>)
      tpu.yield
    }) : () -> ()
    %dma_wait3A_59 = tpu.memref_slice %arg2[%add3A_53, %mul3A_55] : memref<18432x256xf32, #tpu.memory_space<hbm>> -> memref<128x128xf32, #tpu.memory_space<hbm>>
    %dma_wait3A_60 = tpu.memref_slice %arg2[%add3A_53, %mul3A_55] : memref<18432x256xf32, #tpu.memory_space<hbm>> -> memref<128x128xf32, #tpu.memory_space<hbm>>
    tpu.wait_dma2 semaphore(%arg10 : memref<!tpu.dma_semaphore, #tpu.memory_space<semaphore_mem>>) src(%dma_wait3A_60 : memref<128x128xf32, #tpu.memory_space<hbm>>) dst(%arg6 : memref<128x128xf32, #tpu.memory_space<vmem>>)
    %add3A_61 = arith.constant 384 : i32
    %add3A_62 = arith.addi %mul3A_0, %add3A_61 : i32
    %mul3A_63 = arith.constant 128 : i32
    %mul3A_64 = arith.muli %arg0, %mul3A_63 : i32
    %dma_start3A_65 = tpu.memref_slice %arg2[%add3A_62, %mul3A_64] : memref<18432x256xf32, #tpu.memory_space<hbm>> -> memref<128x128xf32, #tpu.memory_space<hbm>>
    %dma_start3A_66 = tpu.memref_slice %arg2[%add3A_62, %mul3A_64] : memref<18432x256xf32, #tpu.memory_space<hbm>> -> memref<128x128xf32, #tpu.memory_space<hbm>>
    tpu.enqueue_dma source(%dma_start3A_66 : memref<128x128xf32, #tpu.memory_space<hbm>>) target(%arg7 : memref<128x128xf32, #tpu.memory_space<vmem>>) target_semaphore(%arg11 : memref<!tpu.dma_semaphore, #tpu.memory_space<semaphore_mem>>)
    %run_scoped3A_67 = arith.constant 2 : i32
    "tpu.region"() ({
      %run_scoped3A_123 = tpu.sem_alloc : memref<!tpu.dma_semaphore, #tpu.memory_space<semaphore_mem>>
      %dma_start3A_124 = arith.constant 0 : i32
      %dma_start3A_125 = tpu.memref_slice %arg5[%run_scoped3A_67, %dma_start3A_124] : memref<9x128xi32, #tpu.memory_space<vmem>> -> memref<1x128xi32, #tpu.memory_space<vmem>>
      %dma_start3A_126 = tpu.memref_squeeze %dma_start3A_125 : memref<1x128xi32, #tpu.memory_space<vmem>> -> memref<128xi32, #tpu.memory_space<vmem>>
      %dma_start3A_127 = arith.constant 0 : i32
      %dma_start3A_128 = arith.constant 0 : i32
      %dma_start3A_129 = tpu.memref_slice %arg9[%dma_start3A_127, %dma_start3A_128] : memref<8192x128xf32, #tpu.memory_space<vmem_shared>> -> memref<8192x128xf32, #tpu.memory_space<vmem_shared>>
      tpu.enqueue_indirect_dma source(%arg6 : memref<128x128xf32, #tpu.memory_space<vmem>>) target(%dma_start3A_129 : memref<8192x128xf32, #tpu.memory_space<vmem_shared>>) offsets(%dma_start3A_126 : memref<128xi32, #tpu.memory_space<vmem>>) semaphore(%run_scoped3A_123 : memref<!tpu.dma_semaphore, #tpu.memory_space<semaphore_mem>>) {add = true}
      %dma_wait3A_130 = arith.constant 0 : i32
      %dma_wait3A_131 = tpu.memref_slice %arg5[%run_scoped3A_67, %dma_wait3A_130] : memref<9x128xi32, #tpu.memory_space<vmem>> -> memref<1x128xi32, #tpu.memory_space<vmem>>
      %dma_wait3A_132 = tpu.memref_squeeze %dma_wait3A_131 : memref<1x128xi32, #tpu.memory_space<vmem>> -> memref<128xi32, #tpu.memory_space<vmem>>
      %dma_wait3A_133 = arith.constant 0 : i32
      %dma_wait3A_134 = arith.constant 0 : i32
      %dma_wait3A_135 = tpu.memref_slice %arg9[%dma_wait3A_133, %dma_wait3A_134] : memref<8192x128xf32, #tpu.memory_space<vmem_shared>> -> memref<8192x128xf32, #tpu.memory_space<vmem_shared>>
      tpu.wait_indirect_dma semaphore(%run_scoped3A_123 : memref<!tpu.dma_semaphore, #tpu.memory_space<semaphore_mem>>) src(%arg6 : memref<128x128xf32, #tpu.memory_space<vmem>>) dst(%dma_wait3A_135 : memref<8192x128xf32, #tpu.memory_space<vmem_shared>>)
      tpu.yield
    }) : () -> ()
    %dma_wait3A_68 = tpu.memref_slice %arg2[%add3A_62, %mul3A_64] : memref<18432x256xf32, #tpu.memory_space<hbm>> -> memref<128x128xf32, #tpu.memory_space<hbm>>
    %dma_wait3A_69 = tpu.memref_slice %arg2[%add3A_62, %mul3A_64] : memref<18432x256xf32, #tpu.memory_space<hbm>> -> memref<128x128xf32, #tpu.memory_space<hbm>>
    tpu.wait_dma2 semaphore(%arg11 : memref<!tpu.dma_semaphore, #tpu.memory_space<semaphore_mem>>) src(%dma_wait3A_69 : memref<128x128xf32, #tpu.memory_space<hbm>>) dst(%arg7 : memref<128x128xf32, #tpu.memory_space<vmem>>)
    %add3A_70 = arith.constant 512 : i32
    %add3A_71 = arith.addi %mul3A_0, %add3A_70 : i32
    %mul3A_72 = arith.constant 128 : i32
    %mul3A_73 = arith.muli %arg0, %mul3A_72 : i32
    %dma_start3A_74 = tpu.memref_slice %arg2[%add3A_71, %mul3A_73] : memref<18432x256xf32, #tpu.memory_space<hbm>> -> memref<128x128xf32, #tpu.memory_space<hbm>>
    %dma_start3A_75 = tpu.memref_slice %arg2[%add3A_71, %mul3A_73] : memref<18432x256xf32, #tpu.memory_space<hbm>> -> memref<128x128xf32, #tpu.memory_space<hbm>>
    tpu.enqueue_dma source(%dma_start3A_75 : memref<128x128xf32, #tpu.memory_space<hbm>>) target(%arg6 : memref<128x128xf32, #tpu.memory_space<vmem>>) target_semaphore(%arg10 : memref<!tpu.dma_semaphore, #tpu.memory_space<semaphore_mem>>)
    %run_scoped3A_76 = arith.constant 3 : i32
    "tpu.region"() ({
      %run_scoped3A_123 = tpu.sem_alloc : memref<!tpu.dma_semaphore, #tpu.memory_space<semaphore_mem>>
      %dma_start3A_124 = arith.constant 0 : i32
      %dma_start3A_125 = tpu.memref_slice %arg5[%run_scoped3A_76, %dma_start3A_124] : memref<9x128xi32, #tpu.memory_space<vmem>> -> memref<1x128xi32, #tpu.memory_space<vmem>>
      %dma_start3A_126 = tpu.memref_squeeze %dma_start3A_125 : memref<1x128xi32, #tpu.memory_space<vmem>> -> memref<128xi32, #tpu.memory_space<vmem>>
      %dma_start3A_127 = arith.constant 0 : i32
      %dma_start3A_128 = arith.constant 0 : i32
      %dma_start3A_129 = tpu.memref_slice %arg9[%dma_start3A_127, %dma_start3A_128] : memref<8192x128xf32, #tpu.memory_space<vmem_shared>> -> memref<8192x128xf32, #tpu.memory_space<vmem_shared>>
      tpu.enqueue_indirect_dma source(%arg7 : memref<128x128xf32, #tpu.memory_space<vmem>>) target(%dma_start3A_129 : memref<8192x128xf32, #tpu.memory_space<vmem_shared>>) offsets(%dma_start3A_126 : memref<128xi32, #tpu.memory_space<vmem>>) semaphore(%run_scoped3A_123 : memref<!tpu.dma_semaphore, #tpu.memory_space<semaphore_mem>>) {add = true}
      %dma_wait3A_130 = arith.constant 0 : i32
      %dma_wait3A_131 = tpu.memref_slice %arg5[%run_scoped3A_76, %dma_wait3A_130] : memref<9x128xi32, #tpu.memory_space<vmem>> -> memref<1x128xi32, #tpu.memory_space<vmem>>
      %dma_wait3A_132 = tpu.memref_squeeze %dma_wait3A_131 : memref<1x128xi32, #tpu.memory_space<vmem>> -> memref<128xi32, #tpu.memory_space<vmem>>
      %dma_wait3A_133 = arith.constant 0 : i32
      %dma_wait3A_134 = arith.constant 0 : i32
      %dma_wait3A_135 = tpu.memref_slice %arg9[%dma_wait3A_133, %dma_wait3A_134] : memref<8192x128xf32, #tpu.memory_space<vmem_shared>> -> memref<8192x128xf32, #tpu.memory_space<vmem_shared>>
      tpu.wait_indirect_dma semaphore(%run_scoped3A_123 : memref<!tpu.dma_semaphore, #tpu.memory_space<semaphore_mem>>) src(%arg7 : memref<128x128xf32, #tpu.memory_space<vmem>>) dst(%dma_wait3A_135 : memref<8192x128xf32, #tpu.memory_space<vmem_shared>>)
      tpu.yield
    }) : () -> ()
    %dma_wait3A_77 = tpu.memref_slice %arg2[%add3A_71, %mul3A_73] : memref<18432x256xf32, #tpu.memory_space<hbm>> -> memref<128x128xf32, #tpu.memory_space<hbm>>
    %dma_wait3A_78 = tpu.memref_slice %arg2[%add3A_71, %mul3A_73] : memref<18432x256xf32, #tpu.memory_space<hbm>> -> memref<128x128xf32, #tpu.memory_space<hbm>>
    tpu.wait_dma2 semaphore(%arg10 : memref<!tpu.dma_semaphore, #tpu.memory_space<semaphore_mem>>) src(%dma_wait3A_78 : memref<128x128xf32, #tpu.memory_space<hbm>>) dst(%arg6 : memref<128x128xf32, #tpu.memory_space<vmem>>)
    %add3A_79 = arith.constant 640 : i32
    %add3A_80 = arith.addi %mul3A_0, %add3A_79 : i32
    %mul3A_81 = arith.constant 128 : i32
    %mul3A_82 = arith.muli %arg0, %mul3A_81 : i32
    %dma_start3A_83 = tpu.memref_slice %arg2[%add3A_80, %mul3A_82] : memref<18432x256xf32, #tpu.memory_space<hbm>> -> memref<128x128xf32, #tpu.memory_space<hbm>>
    %dma_start3A_84 = tpu.memref_slice %arg2[%add3A_80, %mul3A_82] : memref<18432x256xf32, #tpu.memory_space<hbm>> -> memref<128x128xf32, #tpu.memory_space<hbm>>
    tpu.enqueue_dma source(%dma_start3A_84 : memref<128x128xf32, #tpu.memory_space<hbm>>) target(%arg7 : memref<128x128xf32, #tpu.memory_space<vmem>>) target_semaphore(%arg11 : memref<!tpu.dma_semaphore, #tpu.memory_space<semaphore_mem>>)
    %run_scoped3A_85 = arith.constant 4 : i32
    "tpu.region"() ({
      %run_scoped3A_123 = tpu.sem_alloc : memref<!tpu.dma_semaphore, #tpu.memory_space<semaphore_mem>>
      %dma_start3A_124 = arith.constant 0 : i32
      %dma_start3A_125 = tpu.memref_slice %arg5[%run_scoped3A_85, %dma_start3A_124] : memref<9x128xi32, #tpu.memory_space<vmem>> -> memref<1x128xi32, #tpu.memory_space<vmem>>
      %dma_start3A_126 = tpu.memref_squeeze %dma_start3A_125 : memref<1x128xi32, #tpu.memory_space<vmem>> -> memref<128xi32, #tpu.memory_space<vmem>>
      %dma_start3A_127 = arith.constant 0 : i32
      %dma_start3A_128 = arith.constant 0 : i32
      %dma_start3A_129 = tpu.memref_slice %arg9[%dma_start3A_127, %dma_start3A_128] : memref<8192x128xf32, #tpu.memory_space<vmem_shared>> -> memref<8192x128xf32, #tpu.memory_space<vmem_shared>>
      tpu.enqueue_indirect_dma source(%arg6 : memref<128x128xf32, #tpu.memory_space<vmem>>) target(%dma_start3A_129 : memref<8192x128xf32, #tpu.memory_space<vmem_shared>>) offsets(%dma_start3A_126 : memref<128xi32, #tpu.memory_space<vmem>>) semaphore(%run_scoped3A_123 : memref<!tpu.dma_semaphore, #tpu.memory_space<semaphore_mem>>) {add = true}
      %dma_wait3A_130 = arith.constant 0 : i32
      %dma_wait3A_131 = tpu.memref_slice %arg5[%run_scoped3A_85, %dma_wait3A_130] : memref<9x128xi32, #tpu.memory_space<vmem>> -> memref<1x128xi32, #tpu.memory_space<vmem>>
      %dma_wait3A_132 = tpu.memref_squeeze %dma_wait3A_131 : memref<1x128xi32, #tpu.memory_space<vmem>> -> memref<128xi32, #tpu.memory_space<vmem>>
      %dma_wait3A_133 = arith.constant 0 : i32
      %dma_wait3A_134 = arith.constant 0 : i32
      %dma_wait3A_135 = tpu.memref_slice %arg9[%dma_wait3A_133, %dma_wait3A_134] : memref<8192x128xf32, #tpu.memory_space<vmem_shared>> -> memref<8192x128xf32, #tpu.memory_space<vmem_shared>>
      tpu.wait_indirect_dma semaphore(%run_scoped3A_123 : memref<!tpu.dma_semaphore, #tpu.memory_space<semaphore_mem>>) src(%arg6 : memref<128x128xf32, #tpu.memory_space<vmem>>) dst(%dma_wait3A_135 : memref<8192x128xf32, #tpu.memory_space<vmem_shared>>)
      tpu.yield
    }) : () -> ()
    %dma_wait3A_86 = tpu.memref_slice %arg2[%add3A_80, %mul3A_82] : memref<18432x256xf32, #tpu.memory_space<hbm>> -> memref<128x128xf32, #tpu.memory_space<hbm>>
    %dma_wait3A_87 = tpu.memref_slice %arg2[%add3A_80, %mul3A_82] : memref<18432x256xf32, #tpu.memory_space<hbm>> -> memref<128x128xf32, #tpu.memory_space<hbm>>
    tpu.wait_dma2 semaphore(%arg11 : memref<!tpu.dma_semaphore, #tpu.memory_space<semaphore_mem>>) src(%dma_wait3A_87 : memref<128x128xf32, #tpu.memory_space<hbm>>) dst(%arg7 : memref<128x128xf32, #tpu.memory_space<vmem>>)
    %add3A_88 = arith.constant 768 : i32
    %add3A_89 = arith.addi %mul3A_0, %add3A_88 : i32
    %mul3A_90 = arith.constant 128 : i32
    %mul3A_91 = arith.muli %arg0, %mul3A_90 : i32
    %dma_start3A_92 = tpu.memref_slice %arg2[%add3A_89, %mul3A_91] : memref<18432x256xf32, #tpu.memory_space<hbm>> -> memref<128x128xf32, #tpu.memory_space<hbm>>
    %dma_start3A_93 = tpu.memref_slice %arg2[%add3A_89, %mul3A_91] : memref<18432x256xf32, #tpu.memory_space<hbm>> -> memref<128x128xf32, #tpu.memory_space<hbm>>
    tpu.enqueue_dma source(%dma_start3A_93 : memref<128x128xf32, #tpu.memory_space<hbm>>) target(%arg6 : memref<128x128xf32, #tpu.memory_space<vmem>>) target_semaphore(%arg10 : memref<!tpu.dma_semaphore, #tpu.memory_space<semaphore_mem>>)
    %run_scoped3A_94 = arith.constant 5 : i32
    "tpu.region"() ({
      %run_scoped3A_123 = tpu.sem_alloc : memref<!tpu.dma_semaphore, #tpu.memory_space<semaphore_mem>>
      %dma_start3A_124 = arith.constant 0 : i32
      %dma_start3A_125 = tpu.memref_slice %arg5[%run_scoped3A_94, %dma_start3A_124] : memref<9x128xi32, #tpu.memory_space<vmem>> -> memref<1x128xi32, #tpu.memory_space<vmem>>
      %dma_start3A_126 = tpu.memref_squeeze %dma_start3A_125 : memref<1x128xi32, #tpu.memory_space<vmem>> -> memref<128xi32, #tpu.memory_space<vmem>>
      %dma_start3A_127 = arith.constant 0 : i32
      %dma_start3A_128 = arith.constant 0 : i32
      %dma_start3A_129 = tpu.memref_slice %arg9[%dma_start3A_127, %dma_start3A_128] : memref<8192x128xf32, #tpu.memory_space<vmem_shared>> -> memref<8192x128xf32, #tpu.memory_space<vmem_shared>>
      tpu.enqueue_indirect_dma source(%arg7 : memref<128x128xf32, #tpu.memory_space<vmem>>) target(%dma_start3A_129 : memref<8192x128xf32, #tpu.memory_space<vmem_shared>>) offsets(%dma_start3A_126 : memref<128xi32, #tpu.memory_space<vmem>>) semaphore(%run_scoped3A_123 : memref<!tpu.dma_semaphore, #tpu.memory_space<semaphore_mem>>) {add = true}
      %dma_wait3A_130 = arith.constant 0 : i32
      %dma_wait3A_131 = tpu.memref_slice %arg5[%run_scoped3A_94, %dma_wait3A_130] : memref<9x128xi32, #tpu.memory_space<vmem>> -> memref<1x128xi32, #tpu.memory_space<vmem>>
      %dma_wait3A_132 = tpu.memref_squeeze %dma_wait3A_131 : memref<1x128xi32, #tpu.memory_space<vmem>> -> memref<128xi32, #tpu.memory_space<vmem>>
      %dma_wait3A_133 = arith.constant 0 : i32
      %dma_wait3A_134 = arith.constant 0 : i32
      %dma_wait3A_135 = tpu.memref_slice %arg9[%dma_wait3A_133, %dma_wait3A_134] : memref<8192x128xf32, #tpu.memory_space<vmem_shared>> -> memref<8192x128xf32, #tpu.memory_space<vmem_shared>>
      tpu.wait_indirect_dma semaphore(%run_scoped3A_123 : memref<!tpu.dma_semaphore, #tpu.memory_space<semaphore_mem>>) src(%arg7 : memref<128x128xf32, #tpu.memory_space<vmem>>) dst(%dma_wait3A_135 : memref<8192x128xf32, #tpu.memory_space<vmem_shared>>)
      tpu.yield
    }) : () -> ()
    %dma_wait3A_95 = tpu.memref_slice %arg2[%add3A_89, %mul3A_91] : memref<18432x256xf32, #tpu.memory_space<hbm>> -> memref<128x128xf32, #tpu.memory_space<hbm>>
    %dma_wait3A_96 = tpu.memref_slice %arg2[%add3A_89, %mul3A_91] : memref<18432x256xf32, #tpu.memory_space<hbm>> -> memref<128x128xf32, #tpu.memory_space<hbm>>
    tpu.wait_dma2 semaphore(%arg10 : memref<!tpu.dma_semaphore, #tpu.memory_space<semaphore_mem>>) src(%dma_wait3A_96 : memref<128x128xf32, #tpu.memory_space<hbm>>) dst(%arg6 : memref<128x128xf32, #tpu.memory_space<vmem>>)
    %add3A_97 = arith.constant 896 : i32
    %add3A_98 = arith.addi %mul3A_0, %add3A_97 : i32
    %mul3A_99 = arith.constant 128 : i32
    %mul3A_100 = arith.muli %arg0, %mul3A_99 : i32
    %dma_start3A_101 = tpu.memref_slice %arg2[%add3A_98, %mul3A_100] : memref<18432x256xf32, #tpu.memory_space<hbm>> -> memref<128x128xf32, #tpu.memory_space<hbm>>
    %dma_start3A_102 = tpu.memref_slice %arg2[%add3A_98, %mul3A_100] : memref<18432x256xf32, #tpu.memory_space<hbm>> -> memref<128x128xf32, #tpu.memory_space<hbm>>
    tpu.enqueue_dma source(%dma_start3A_102 : memref<128x128xf32, #tpu.memory_space<hbm>>) target(%arg7 : memref<128x128xf32, #tpu.memory_space<vmem>>) target_semaphore(%arg11 : memref<!tpu.dma_semaphore, #tpu.memory_space<semaphore_mem>>)
    %run_scoped3A_103 = arith.constant 6 : i32
    "tpu.region"() ({
      %run_scoped3A_123 = tpu.sem_alloc : memref<!tpu.dma_semaphore, #tpu.memory_space<semaphore_mem>>
      %dma_start3A_124 = arith.constant 0 : i32
      %dma_start3A_125 = tpu.memref_slice %arg5[%run_scoped3A_103, %dma_start3A_124] : memref<9x128xi32, #tpu.memory_space<vmem>> -> memref<1x128xi32, #tpu.memory_space<vmem>>
      %dma_start3A_126 = tpu.memref_squeeze %dma_start3A_125 : memref<1x128xi32, #tpu.memory_space<vmem>> -> memref<128xi32, #tpu.memory_space<vmem>>
      %dma_start3A_127 = arith.constant 0 : i32
      %dma_start3A_128 = arith.constant 0 : i32
      %dma_start3A_129 = tpu.memref_slice %arg9[%dma_start3A_127, %dma_start3A_128] : memref<8192x128xf32, #tpu.memory_space<vmem_shared>> -> memref<8192x128xf32, #tpu.memory_space<vmem_shared>>
      tpu.enqueue_indirect_dma source(%arg6 : memref<128x128xf32, #tpu.memory_space<vmem>>) target(%dma_start3A_129 : memref<8192x128xf32, #tpu.memory_space<vmem_shared>>) offsets(%dma_start3A_126 : memref<128xi32, #tpu.memory_space<vmem>>) semaphore(%run_scoped3A_123 : memref<!tpu.dma_semaphore, #tpu.memory_space<semaphore_mem>>) {add = true}
      %dma_wait3A_130 = arith.constant 0 : i32
      %dma_wait3A_131 = tpu.memref_slice %arg5[%run_scoped3A_103, %dma_wait3A_130] : memref<9x128xi32, #tpu.memory_space<vmem>> -> memref<1x128xi32, #tpu.memory_space<vmem>>
      %dma_wait3A_132 = tpu.memref_squeeze %dma_wait3A_131 : memref<1x128xi32, #tpu.memory_space<vmem>> -> memref<128xi32, #tpu.memory_space<vmem>>
      %dma_wait3A_133 = arith.constant 0 : i32
      %dma_wait3A_134 = arith.constant 0 : i32
      %dma_wait3A_135 = tpu.memref_slice %arg9[%dma_wait3A_133, %dma_wait3A_134] : memref<8192x128xf32, #tpu.memory_space<vmem_shared>> -> memref<8192x128xf32, #tpu.memory_space<vmem_shared>>
      tpu.wait_indirect_dma semaphore(%run_scoped3A_123 : memref<!tpu.dma_semaphore, #tpu.memory_space<semaphore_mem>>) src(%arg6 : memref<128x128xf32, #tpu.memory_space<vmem>>) dst(%dma_wait3A_135 : memref<8192x128xf32, #tpu.memory_space<vmem_shared>>)
      tpu.yield
    }) : () -> ()
    %dma_wait3A_104 = tpu.memref_slice %arg2[%add3A_98, %mul3A_100] : memref<18432x256xf32, #tpu.memory_space<hbm>> -> memref<128x128xf32, #tpu.memory_space<hbm>>
    %dma_wait3A_105 = tpu.memref_slice %arg2[%add3A_98, %mul3A_100] : memref<18432x256xf32, #tpu.memory_space<hbm>> -> memref<128x128xf32, #tpu.memory_space<hbm>>
    tpu.wait_dma2 semaphore(%arg11 : memref<!tpu.dma_semaphore, #tpu.memory_space<semaphore_mem>>) src(%dma_wait3A_105 : memref<128x128xf32, #tpu.memory_space<hbm>>) dst(%arg7 : memref<128x128xf32, #tpu.memory_space<vmem>>)
    %add3A_106 = arith.constant 1024 : i32
    %add3A_107 = arith.addi %mul3A_0, %add3A_106 : i32
    %mul3A_108 = arith.constant 128 : i32
    %mul3A_109 = arith.muli %arg0, %mul3A_108 : i32
    %dma_start3A_110 = tpu.memref_slice %arg2[%add3A_107, %mul3A_109] : memref<18432x256xf32, #tpu.memory_space<hbm>> -> memref<128x128xf32, #tpu.memory_space<hbm>>
    %dma_start3A_111 = tpu.memref_slice %arg2[%add3A_107, %mul3A_109] : memref<18432x256xf32, #tpu.memory_space<hbm>> -> memref<128x128xf32, #tpu.memory_space<hbm>>
    tpu.enqueue_dma source(%dma_start3A_111 : memref<128x128xf32, #tpu.memory_space<hbm>>) target(%arg6 : memref<128x128xf32, #tpu.memory_space<vmem>>) target_semaphore(%arg10 : memref<!tpu.dma_semaphore, #tpu.memory_space<semaphore_mem>>)
    %run_scoped3A_112 = arith.constant 7 : i32
    "tpu.region"() ({
      %run_scoped3A_123 = tpu.sem_alloc : memref<!tpu.dma_semaphore, #tpu.memory_space<semaphore_mem>>
      %dma_start3A_124 = arith.constant 0 : i32
      %dma_start3A_125 = tpu.memref_slice %arg5[%run_scoped3A_112, %dma_start3A_124] : memref<9x128xi32, #tpu.memory_space<vmem>> -> memref<1x128xi32, #tpu.memory_space<vmem>>
      %dma_start3A_126 = tpu.memref_squeeze %dma_start3A_125 : memref<1x128xi32, #tpu.memory_space<vmem>> -> memref<128xi32, #tpu.memory_space<vmem>>
      %dma_start3A_127 = arith.constant 0 : i32
      %dma_start3A_128 = arith.constant 0 : i32
      %dma_start3A_129 = tpu.memref_slice %arg9[%dma_start3A_127, %dma_start3A_128] : memref<8192x128xf32, #tpu.memory_space<vmem_shared>> -> memref<8192x128xf32, #tpu.memory_space<vmem_shared>>
      tpu.enqueue_indirect_dma source(%arg7 : memref<128x128xf32, #tpu.memory_space<vmem>>) target(%dma_start3A_129 : memref<8192x128xf32, #tpu.memory_space<vmem_shared>>) offsets(%dma_start3A_126 : memref<128xi32, #tpu.memory_space<vmem>>) semaphore(%run_scoped3A_123 : memref<!tpu.dma_semaphore, #tpu.memory_space<semaphore_mem>>) {add = true}
      %dma_wait3A_130 = arith.constant 0 : i32
      %dma_wait3A_131 = tpu.memref_slice %arg5[%run_scoped3A_112, %dma_wait3A_130] : memref<9x128xi32, #tpu.memory_space<vmem>> -> memref<1x128xi32, #tpu.memory_space<vmem>>
      %dma_wait3A_132 = tpu.memref_squeeze %dma_wait3A_131 : memref<1x128xi32, #tpu.memory_space<vmem>> -> memref<128xi32, #tpu.memory_space<vmem>>
      %dma_wait3A_133 = arith.constant 0 : i32
      %dma_wait3A_134 = arith.constant 0 : i32
      %dma_wait3A_135 = tpu.memref_slice %arg9[%dma_wait3A_133, %dma_wait3A_134] : memref<8192x128xf32, #tpu.memory_space<vmem_shared>> -> memref<8192x128xf32, #tpu.memory_space<vmem_shared>>
      tpu.wait_indirect_dma semaphore(%run_scoped3A_123 : memref<!tpu.dma_semaphore, #tpu.memory_space<semaphore_mem>>) src(%arg7 : memref<128x128xf32, #tpu.memory_space<vmem>>) dst(%dma_wait3A_135 : memref<8192x128xf32, #tpu.memory_space<vmem_shared>>)
      tpu.yield
    }) : () -> ()
    %dma_wait3A_113 = tpu.memref_slice %arg2[%add3A_107, %mul3A_109] : memref<18432x256xf32, #tpu.memory_space<hbm>> -> memref<128x128xf32, #tpu.memory_space<hbm>>
    %dma_wait3A_114 = tpu.memref_slice %arg2[%add3A_107, %mul3A_109] : memref<18432x256xf32, #tpu.memory_space<hbm>> -> memref<128x128xf32, #tpu.memory_space<hbm>>
    tpu.wait_dma2 semaphore(%arg10 : memref<!tpu.dma_semaphore, #tpu.memory_space<semaphore_mem>>) src(%dma_wait3A_114 : memref<128x128xf32, #tpu.memory_space<hbm>>) dst(%arg6 : memref<128x128xf32, #tpu.memory_space<vmem>>)
    %run_scoped3A_115 = arith.constant 8 : i32
    "tpu.region"() ({
      %run_scoped3A_123 = tpu.sem_alloc : memref<!tpu.dma_semaphore, #tpu.memory_space<semaphore_mem>>
      %dma_start3A_124 = arith.constant 0 : i32
      %dma_start3A_125 = tpu.memref_slice %arg5[%run_scoped3A_115, %dma_start3A_124] : memref<9x128xi32, #tpu.memory_space<vmem>> -> memref<1x128xi32, #tpu.memory_space<vmem>>
      %dma_start3A_126 = tpu.memref_squeeze %dma_start3A_125 : memref<1x128xi32, #tpu.memory_space<vmem>> -> memref<128xi32, #tpu.memory_space<vmem>>
      %dma_start3A_127 = arith.constant 0 : i32
      %dma_start3A_128 = arith.constant 0 : i32
      %dma_start3A_129 = tpu.memref_slice %arg9[%dma_start3A_127, %dma_start3A_128] : memref<8192x128xf32, #tpu.memory_space<vmem_shared>> -> memref<8192x128xf32, #tpu.memory_space<vmem_shared>>
      tpu.enqueue_indirect_dma source(%arg6 : memref<128x128xf32, #tpu.memory_space<vmem>>) target(%dma_start3A_129 : memref<8192x128xf32, #tpu.memory_space<vmem_shared>>) offsets(%dma_start3A_126 : memref<128xi32, #tpu.memory_space<vmem>>) semaphore(%run_scoped3A_123 : memref<!tpu.dma_semaphore, #tpu.memory_space<semaphore_mem>>) {add = true}
      %dma_wait3A_130 = arith.constant 0 : i32
      %dma_wait3A_131 = tpu.memref_slice %arg5[%run_scoped3A_115, %dma_wait3A_130] : memref<9x128xi32, #tpu.memory_space<vmem>> -> memref<1x128xi32, #tpu.memory_space<vmem>>
      %dma_wait3A_132 = tpu.memref_squeeze %dma_wait3A_131 : memref<1x128xi32, #tpu.memory_space<vmem>> -> memref<128xi32, #tpu.memory_space<vmem>>
      %dma_wait3A_133 = arith.constant 0 : i32
      %dma_wait3A_134 = arith.constant 0 : i32
      %dma_wait3A_135 = tpu.memref_slice %arg9[%dma_wait3A_133, %dma_wait3A_134] : memref<8192x128xf32, #tpu.memory_space<vmem_shared>> -> memref<8192x128xf32, #tpu.memory_space<vmem_shared>>
      tpu.wait_indirect_dma semaphore(%run_scoped3A_123 : memref<!tpu.dma_semaphore, #tpu.memory_space<semaphore_mem>>) src(%arg6 : memref<128x128xf32, #tpu.memory_space<vmem>>) dst(%dma_wait3A_135 : memref<8192x128xf32, #tpu.memory_space<vmem_shared>>)
      tpu.yield
    }) : () -> ()
    %barrier3A_116 = arith.constant 0 : index
    tpu.barrier barrier_id(%barrier3A_116)
    %mul3A_117 = arith.constant 512 : i32
    %mul3A_118 = arith.muli %arg1, %mul3A_117 : i32
    %mul3A_119 = arith.constant 512 : i32
    %mul3A_120 = arith.muli %arg1, %mul3A_119 : i32
    %mul3A_121 = arith.constant 128 : i32
    %mul3A_122 = arith.muli %arg0, %mul3A_121 : i32
    "tpu.region"() ({
      %run_scoped3A_123 = tpu.sem_alloc : memref<!tpu.dma_semaphore, #tpu.memory_space<semaphore_mem>>
      %dma_start3A_124 = tpu.memref_slice %arg4[%mul3A_120, %mul3A_122] : memref<8192x256xf32, #tpu.memory_space<hbm>> -> memref<512x128xf32, #tpu.memory_space<hbm>>
      %dma_start3A_125 = arith.constant 0 : i32
      %dma_start3A_126 = tpu.memref_slice %arg9[%mul3A_118, %dma_start3A_125] : memref<8192x128xf32, #tpu.memory_space<vmem_shared>> -> memref<512x128xf32, #tpu.memory_space<vmem_shared>>
      tpu.enqueue_dma source(%dma_start3A_126 : memref<512x128xf32, #tpu.memory_space<vmem_shared>>) target(%dma_start3A_124 : memref<512x128xf32, #tpu.memory_space<hbm>>) target_semaphore(%run_scoped3A_123 : memref<!tpu.dma_semaphore, #tpu.memory_space<semaphore_mem>>)
      %dma_wait3A_127 = tpu.memref_slice %arg4[%mul3A_120, %mul3A_122] : memref<8192x256xf32, #tpu.memory_space<hbm>> -> memref<512x128xf32, #tpu.memory_space<hbm>>
      %dma_wait3A_128 = arith.constant 0 : i32
      %dma_wait3A_129 = tpu.memref_slice %arg9[%mul3A_118, %dma_wait3A_128] : memref<8192x128xf32, #tpu.memory_space<vmem_shared>> -> memref<512x128xf32, #tpu.memory_space<vmem_shared>>
      tpu.wait_dma2 semaphore(%run_scoped3A_123 : memref<!tpu.dma_semaphore, #tpu.memory_space<semaphore_mem>>) src(%dma_wait3A_129 : memref<512x128xf32, #tpu.memory_space<vmem_shared>>) dst(%dma_wait3A_127 : memref<512x128xf32, #tpu.memory_space<hbm>>)
      tpu.yield
    }) : () -> ()
    return
  }
}

#map = affine_map<(d0, d1) -> (0, 0)>
#map1 = affine_map<(d0, d1) -> (0)>
module attributes {stable_mosaic.version = 14 : i64} {
  func.func @_gather_body(%arg0: i32, %arg1: i32, %arg2: memref<8192x256xf32, #tpu.memory_space<hbm>>, %arg3: memref<18432xi32, #tpu.memory_space<hbm>>, %arg4: memref<18432x256xf32, #tpu.memory_space<hbm>>, %arg5: memref<576xi32, #tpu.memory_space<vmem>>, %arg6: memref<96x256xf32, #tpu.memory_space<vmem>>, %arg7: memref<96x256xf32, #tpu.memory_space<vmem>>, %arg8: memref<!tpu.dma_semaphore, #tpu.memory_space<semaphore_mem>>, %arg9: memref<!tpu.dma_semaphore, #tpu.memory_space<semaphore_mem>>, %arg10: memref<!tpu.dma_semaphore, #tpu.memory_space<semaphore_mem>>, %arg11: memref<!tpu.dma_semaphore, #tpu.memory_space<semaphore_mem>>) attributes {dimension_semantics = [#tpu.dimension_semantics<core_parallel>, #tpu.dimension_semantics<subcore_parallel>], iteration_bounds = array<i64: 2, 16>, scalar_prefetch = 0 : i64, scratch_operands = 7 : i64, tpu.core_type = #tpu.core_type<sc_vector_subcore>, window_params = [{transform_indices = #map}, {transform_indices = #map1}, {transform_indices = #map}]} {
    %mul3A = arith.constant 2 : i32
    %mul3A_0 = arith.muli %arg1, %mul3A : i32
    %add3A = arith.addi %mul3A_0, %arg0 : i32
    %mul3A_1 = arith.constant 576 : i32
    %mul3A_2 = arith.muli %add3A, %mul3A_1 : i32
    "tpu.region"() ({
      %run_scoped3A = tpu.sem_alloc : memref<!tpu.dma_semaphore, #tpu.memory_space<semaphore_mem>>
      %dma_start3A_121 = tpu.memref_slice %arg3[%mul3A_2] : memref<18432xi32, #tpu.memory_space<hbm>> -> memref<576xi32, #tpu.memory_space<hbm>>
      %dma_start3A_122 = tpu.memref_slice %arg3[%mul3A_2] : memref<18432xi32, #tpu.memory_space<hbm>> -> memref<576xi32, #tpu.memory_space<hbm>>
      tpu.enqueue_dma source(%dma_start3A_122 : memref<576xi32, #tpu.memory_space<hbm>>) target(%arg5 : memref<576xi32, #tpu.memory_space<vmem>>) target_semaphore(%run_scoped3A : memref<!tpu.dma_semaphore, #tpu.memory_space<semaphore_mem>>)
      %dma_wait3A_123 = tpu.memref_slice %arg3[%mul3A_2] : memref<18432xi32, #tpu.memory_space<hbm>> -> memref<576xi32, #tpu.memory_space<hbm>>
      %dma_wait3A_124 = tpu.memref_slice %arg3[%mul3A_2] : memref<18432xi32, #tpu.memory_space<hbm>> -> memref<576xi32, #tpu.memory_space<hbm>>
      tpu.wait_dma2 semaphore(%run_scoped3A : memref<!tpu.dma_semaphore, #tpu.memory_space<semaphore_mem>>) src(%dma_wait3A_124 : memref<576xi32, #tpu.memory_space<hbm>>) dst(%arg5 : memref<576xi32, #tpu.memory_space<vmem>>)
      tpu.yield
    }) : () -> ()
    %dma_start3A = arith.constant 0 : i32
    %dma_start3A_3 = tpu.memref_slice %arg5[%dma_start3A] : memref<576xi32, #tpu.memory_space<vmem>> -> memref<96xi32, #tpu.memory_space<vmem>>
    %dma_start3A_4 = arith.constant 0 : i32
    %dma_start3A_5 = arith.constant 0 : i32
    %dma_start3A_6 = tpu.memref_slice %arg2[%dma_start3A_4, %dma_start3A_5] : memref<8192x256xf32, #tpu.memory_space<hbm>> -> memref<8192x256xf32, #tpu.memory_space<hbm>>
    tpu.enqueue_indirect_dma source(%dma_start3A_6 : memref<8192x256xf32, #tpu.memory_space<hbm>>) target(%arg6 : memref<96x256xf32, #tpu.memory_space<vmem>>) offsets(%dma_start3A_3 : memref<96xi32, #tpu.memory_space<vmem>>) semaphore(%arg8 : memref<!tpu.dma_semaphore, #tpu.memory_space<semaphore_mem>>)
    %dma_wait3A = arith.constant 0 : i32
    %dma_wait3A_7 = tpu.memref_slice %arg5[%dma_wait3A] : memref<576xi32, #tpu.memory_space<vmem>> -> memref<96xi32, #tpu.memory_space<vmem>>
    %dma_wait3A_8 = arith.constant 0 : i32
    %dma_wait3A_9 = arith.constant 0 : i32
    %dma_wait3A_10 = tpu.memref_slice %arg2[%dma_wait3A_8, %dma_wait3A_9] : memref<8192x256xf32, #tpu.memory_space<hbm>> -> memref<8192x256xf32, #tpu.memory_space<hbm>>
    tpu.wait_indirect_dma semaphore(%arg8 : memref<!tpu.dma_semaphore, #tpu.memory_space<semaphore_mem>>) src(%dma_wait3A_10 : memref<8192x256xf32, #tpu.memory_space<hbm>>) dst(%arg6 : memref<96x256xf32, #tpu.memory_space<vmem>>)
    %add3A_11 = arith.constant 0 : i32
    %add3A_12 = arith.addi %mul3A_2, %add3A_11 : i32
    %dma_start3A_13 = arith.constant 0 : i32
    %dma_start3A_14 = tpu.memref_slice %arg4[%add3A_12, %dma_start3A_13] : memref<18432x256xf32, #tpu.memory_space<hbm>> -> memref<96x256xf32, #tpu.memory_space<hbm>>
    %dma_start3A_15 = arith.constant 0 : i32
    %dma_start3A_16 = tpu.memref_slice %arg4[%add3A_12, %dma_start3A_15] : memref<18432x256xf32, #tpu.memory_space<hbm>> -> memref<96x256xf32, #tpu.memory_space<hbm>>
    tpu.enqueue_dma source(%arg6 : memref<96x256xf32, #tpu.memory_space<vmem>>) target(%dma_start3A_16 : memref<96x256xf32, #tpu.memory_space<hbm>>) target_semaphore(%arg10 : memref<!tpu.dma_semaphore, #tpu.memory_space<semaphore_mem>>)
    %dma_start3A_17 = arith.constant 96 : i32
    %dma_start3A_18 = tpu.memref_slice %arg5[%dma_start3A_17] : memref<576xi32, #tpu.memory_space<vmem>> -> memref<96xi32, #tpu.memory_space<vmem>>
    %dma_start3A_19 = arith.constant 0 : i32
    %dma_start3A_20 = arith.constant 0 : i32
    %dma_start3A_21 = tpu.memref_slice %arg2[%dma_start3A_19, %dma_start3A_20] : memref<8192x256xf32, #tpu.memory_space<hbm>> -> memref<8192x256xf32, #tpu.memory_space<hbm>>
    tpu.enqueue_indirect_dma source(%dma_start3A_21 : memref<8192x256xf32, #tpu.memory_space<hbm>>) target(%arg7 : memref<96x256xf32, #tpu.memory_space<vmem>>) offsets(%dma_start3A_18 : memref<96xi32, #tpu.memory_space<vmem>>) semaphore(%arg9 : memref<!tpu.dma_semaphore, #tpu.memory_space<semaphore_mem>>)
    %dma_wait3A_22 = arith.constant 96 : i32
    %dma_wait3A_23 = tpu.memref_slice %arg5[%dma_wait3A_22] : memref<576xi32, #tpu.memory_space<vmem>> -> memref<96xi32, #tpu.memory_space<vmem>>
    %dma_wait3A_24 = arith.constant 0 : i32
    %dma_wait3A_25 = arith.constant 0 : i32
    %dma_wait3A_26 = tpu.memref_slice %arg2[%dma_wait3A_24, %dma_wait3A_25] : memref<8192x256xf32, #tpu.memory_space<hbm>> -> memref<8192x256xf32, #tpu.memory_space<hbm>>
    tpu.wait_indirect_dma semaphore(%arg9 : memref<!tpu.dma_semaphore, #tpu.memory_space<semaphore_mem>>) src(%dma_wait3A_26 : memref<8192x256xf32, #tpu.memory_space<hbm>>) dst(%arg7 : memref<96x256xf32, #tpu.memory_space<vmem>>)
    %add3A_27 = arith.constant 96 : i32
    %add3A_28 = arith.addi %mul3A_2, %add3A_27 : i32
    %dma_start3A_29 = arith.constant 0 : i32
    %dma_start3A_30 = tpu.memref_slice %arg4[%add3A_28, %dma_start3A_29] : memref<18432x256xf32, #tpu.memory_space<hbm>> -> memref<96x256xf32, #tpu.memory_space<hbm>>
    %dma_start3A_31 = arith.constant 0 : i32
    %dma_start3A_32 = tpu.memref_slice %arg4[%add3A_28, %dma_start3A_31] : memref<18432x256xf32, #tpu.memory_space<hbm>> -> memref<96x256xf32, #tpu.memory_space<hbm>>
    tpu.enqueue_dma source(%arg7 : memref<96x256xf32, #tpu.memory_space<vmem>>) target(%dma_start3A_32 : memref<96x256xf32, #tpu.memory_space<hbm>>) target_semaphore(%arg11 : memref<!tpu.dma_semaphore, #tpu.memory_space<semaphore_mem>>)
    %dma_wait3A_33 = arith.constant 0 : i32
    %dma_wait3A_34 = tpu.memref_slice %arg4[%add3A_12, %dma_wait3A_33] : memref<18432x256xf32, #tpu.memory_space<hbm>> -> memref<96x256xf32, #tpu.memory_space<hbm>>
    %dma_wait3A_35 = arith.constant 0 : i32
    %dma_wait3A_36 = tpu.memref_slice %arg4[%add3A_12, %dma_wait3A_35] : memref<18432x256xf32, #tpu.memory_space<hbm>> -> memref<96x256xf32, #tpu.memory_space<hbm>>
    tpu.wait_dma2 semaphore(%arg10 : memref<!tpu.dma_semaphore, #tpu.memory_space<semaphore_mem>>) src(%arg6 : memref<96x256xf32, #tpu.memory_space<vmem>>) dst(%dma_wait3A_36 : memref<96x256xf32, #tpu.memory_space<hbm>>)
    %dma_start3A_37 = arith.constant 192 : i32
    %dma_start3A_38 = tpu.memref_slice %arg5[%dma_start3A_37] : memref<576xi32, #tpu.memory_space<vmem>> -> memref<96xi32, #tpu.memory_space<vmem>>
    %dma_start3A_39 = arith.constant 0 : i32
    %dma_start3A_40 = arith.constant 0 : i32
    %dma_start3A_41 = tpu.memref_slice %arg2[%dma_start3A_39, %dma_start3A_40] : memref<8192x256xf32, #tpu.memory_space<hbm>> -> memref<8192x256xf32, #tpu.memory_space<hbm>>
    tpu.enqueue_indirect_dma source(%dma_start3A_41 : memref<8192x256xf32, #tpu.memory_space<hbm>>) target(%arg6 : memref<96x256xf32, #tpu.memory_space<vmem>>) offsets(%dma_start3A_38 : memref<96xi32, #tpu.memory_space<vmem>>) semaphore(%arg8 : memref<!tpu.dma_semaphore, #tpu.memory_space<semaphore_mem>>)
    %dma_wait3A_42 = arith.constant 192 : i32
    %dma_wait3A_43 = tpu.memref_slice %arg5[%dma_wait3A_42] : memref<576xi32, #tpu.memory_space<vmem>> -> memref<96xi32, #tpu.memory_space<vmem>>
    %dma_wait3A_44 = arith.constant 0 : i32
    %dma_wait3A_45 = arith.constant 0 : i32
    %dma_wait3A_46 = tpu.memref_slice %arg2[%dma_wait3A_44, %dma_wait3A_45] : memref<8192x256xf32, #tpu.memory_space<hbm>> -> memref<8192x256xf32, #tpu.memory_space<hbm>>
    tpu.wait_indirect_dma semaphore(%arg8 : memref<!tpu.dma_semaphore, #tpu.memory_space<semaphore_mem>>) src(%dma_wait3A_46 : memref<8192x256xf32, #tpu.memory_space<hbm>>) dst(%arg6 : memref<96x256xf32, #tpu.memory_space<vmem>>)
    %add3A_47 = arith.constant 192 : i32
    %add3A_48 = arith.addi %mul3A_2, %add3A_47 : i32
    %dma_start3A_49 = arith.constant 0 : i32
    %dma_start3A_50 = tpu.memref_slice %arg4[%add3A_48, %dma_start3A_49] : memref<18432x256xf32, #tpu.memory_space<hbm>> -> memref<96x256xf32, #tpu.memory_space<hbm>>
    %dma_start3A_51 = arith.constant 0 : i32
    %dma_start3A_52 = tpu.memref_slice %arg4[%add3A_48, %dma_start3A_51] : memref<18432x256xf32, #tpu.memory_space<hbm>> -> memref<96x256xf32, #tpu.memory_space<hbm>>
    tpu.enqueue_dma source(%arg6 : memref<96x256xf32, #tpu.memory_space<vmem>>) target(%dma_start3A_52 : memref<96x256xf32, #tpu.memory_space<hbm>>) target_semaphore(%arg10 : memref<!tpu.dma_semaphore, #tpu.memory_space<semaphore_mem>>)
    %dma_wait3A_53 = arith.constant 0 : i32
    %dma_wait3A_54 = tpu.memref_slice %arg4[%add3A_28, %dma_wait3A_53] : memref<18432x256xf32, #tpu.memory_space<hbm>> -> memref<96x256xf32, #tpu.memory_space<hbm>>
    %dma_wait3A_55 = arith.constant 0 : i32
    %dma_wait3A_56 = tpu.memref_slice %arg4[%add3A_28, %dma_wait3A_55] : memref<18432x256xf32, #tpu.memory_space<hbm>> -> memref<96x256xf32, #tpu.memory_space<hbm>>
    tpu.wait_dma2 semaphore(%arg11 : memref<!tpu.dma_semaphore, #tpu.memory_space<semaphore_mem>>) src(%arg7 : memref<96x256xf32, #tpu.memory_space<vmem>>) dst(%dma_wait3A_56 : memref<96x256xf32, #tpu.memory_space<hbm>>)
    %dma_start3A_57 = arith.constant 288 : i32
    %dma_start3A_58 = tpu.memref_slice %arg5[%dma_start3A_57] : memref<576xi32, #tpu.memory_space<vmem>> -> memref<96xi32, #tpu.memory_space<vmem>>
    %dma_start3A_59 = arith.constant 0 : i32
    %dma_start3A_60 = arith.constant 0 : i32
    %dma_start3A_61 = tpu.memref_slice %arg2[%dma_start3A_59, %dma_start3A_60] : memref<8192x256xf32, #tpu.memory_space<hbm>> -> memref<8192x256xf32, #tpu.memory_space<hbm>>
    tpu.enqueue_indirect_dma source(%dma_start3A_61 : memref<8192x256xf32, #tpu.memory_space<hbm>>) target(%arg7 : memref<96x256xf32, #tpu.memory_space<vmem>>) offsets(%dma_start3A_58 : memref<96xi32, #tpu.memory_space<vmem>>) semaphore(%arg9 : memref<!tpu.dma_semaphore, #tpu.memory_space<semaphore_mem>>)
    %dma_wait3A_62 = arith.constant 288 : i32
    %dma_wait3A_63 = tpu.memref_slice %arg5[%dma_wait3A_62] : memref<576xi32, #tpu.memory_space<vmem>> -> memref<96xi32, #tpu.memory_space<vmem>>
    %dma_wait3A_64 = arith.constant 0 : i32
    %dma_wait3A_65 = arith.constant 0 : i32
    %dma_wait3A_66 = tpu.memref_slice %arg2[%dma_wait3A_64, %dma_wait3A_65] : memref<8192x256xf32, #tpu.memory_space<hbm>> -> memref<8192x256xf32, #tpu.memory_space<hbm>>
    tpu.wait_indirect_dma semaphore(%arg9 : memref<!tpu.dma_semaphore, #tpu.memory_space<semaphore_mem>>) src(%dma_wait3A_66 : memref<8192x256xf32, #tpu.memory_space<hbm>>) dst(%arg7 : memref<96x256xf32, #tpu.memory_space<vmem>>)
    %add3A_67 = arith.constant 288 : i32
    %add3A_68 = arith.addi %mul3A_2, %add3A_67 : i32
    %dma_start3A_69 = arith.constant 0 : i32
    %dma_start3A_70 = tpu.memref_slice %arg4[%add3A_68, %dma_start3A_69] : memref<18432x256xf32, #tpu.memory_space<hbm>> -> memref<96x256xf32, #tpu.memory_space<hbm>>
    %dma_start3A_71 = arith.constant 0 : i32
    %dma_start3A_72 = tpu.memref_slice %arg4[%add3A_68, %dma_start3A_71] : memref<18432x256xf32, #tpu.memory_space<hbm>> -> memref<96x256xf32, #tpu.memory_space<hbm>>
    tpu.enqueue_dma source(%arg7 : memref<96x256xf32, #tpu.memory_space<vmem>>) target(%dma_start3A_72 : memref<96x256xf32, #tpu.memory_space<hbm>>) target_semaphore(%arg11 : memref<!tpu.dma_semaphore, #tpu.memory_space<semaphore_mem>>)
    %dma_wait3A_73 = arith.constant 0 : i32
    %dma_wait3A_74 = tpu.memref_slice %arg4[%add3A_48, %dma_wait3A_73] : memref<18432x256xf32, #tpu.memory_space<hbm>> -> memref<96x256xf32, #tpu.memory_space<hbm>>
    %dma_wait3A_75 = arith.constant 0 : i32
    %dma_wait3A_76 = tpu.memref_slice %arg4[%add3A_48, %dma_wait3A_75] : memref<18432x256xf32, #tpu.memory_space<hbm>> -> memref<96x256xf32, #tpu.memory_space<hbm>>
    tpu.wait_dma2 semaphore(%arg10 : memref<!tpu.dma_semaphore, #tpu.memory_space<semaphore_mem>>) src(%arg6 : memref<96x256xf32, #tpu.memory_space<vmem>>) dst(%dma_wait3A_76 : memref<96x256xf32, #tpu.memory_space<hbm>>)
    %dma_start3A_77 = arith.constant 384 : i32
    %dma_start3A_78 = tpu.memref_slice %arg5[%dma_start3A_77] : memref<576xi32, #tpu.memory_space<vmem>> -> memref<96xi32, #tpu.memory_space<vmem>>
    %dma_start3A_79 = arith.constant 0 : i32
    %dma_start3A_80 = arith.constant 0 : i32
    %dma_start3A_81 = tpu.memref_slice %arg2[%dma_start3A_79, %dma_start3A_80] : memref<8192x256xf32, #tpu.memory_space<hbm>> -> memref<8192x256xf32, #tpu.memory_space<hbm>>
    tpu.enqueue_indirect_dma source(%dma_start3A_81 : memref<8192x256xf32, #tpu.memory_space<hbm>>) target(%arg6 : memref<96x256xf32, #tpu.memory_space<vmem>>) offsets(%dma_start3A_78 : memref<96xi32, #tpu.memory_space<vmem>>) semaphore(%arg8 : memref<!tpu.dma_semaphore, #tpu.memory_space<semaphore_mem>>)
    %dma_wait3A_82 = arith.constant 384 : i32
    %dma_wait3A_83 = tpu.memref_slice %arg5[%dma_wait3A_82] : memref<576xi32, #tpu.memory_space<vmem>> -> memref<96xi32, #tpu.memory_space<vmem>>
    %dma_wait3A_84 = arith.constant 0 : i32
    %dma_wait3A_85 = arith.constant 0 : i32
    %dma_wait3A_86 = tpu.memref_slice %arg2[%dma_wait3A_84, %dma_wait3A_85] : memref<8192x256xf32, #tpu.memory_space<hbm>> -> memref<8192x256xf32, #tpu.memory_space<hbm>>
    tpu.wait_indirect_dma semaphore(%arg8 : memref<!tpu.dma_semaphore, #tpu.memory_space<semaphore_mem>>) src(%dma_wait3A_86 : memref<8192x256xf32, #tpu.memory_space<hbm>>) dst(%arg6 : memref<96x256xf32, #tpu.memory_space<vmem>>)
    %add3A_87 = arith.constant 384 : i32
    %add3A_88 = arith.addi %mul3A_2, %add3A_87 : i32
    %dma_start3A_89 = arith.constant 0 : i32
    %dma_start3A_90 = tpu.memref_slice %arg4[%add3A_88, %dma_start3A_89] : memref<18432x256xf32, #tpu.memory_space<hbm>> -> memref<96x256xf32, #tpu.memory_space<hbm>>
    %dma_start3A_91 = arith.constant 0 : i32
    %dma_start3A_92 = tpu.memref_slice %arg4[%add3A_88, %dma_start3A_91] : memref<18432x256xf32, #tpu.memory_space<hbm>> -> memref<96x256xf32, #tpu.memory_space<hbm>>
    tpu.enqueue_dma source(%arg6 : memref<96x256xf32, #tpu.memory_space<vmem>>) target(%dma_start3A_92 : memref<96x256xf32, #tpu.memory_space<hbm>>) target_semaphore(%arg10 : memref<!tpu.dma_semaphore, #tpu.memory_space<semaphore_mem>>)
    %dma_wait3A_93 = arith.constant 0 : i32
    %dma_wait3A_94 = tpu.memref_slice %arg4[%add3A_68, %dma_wait3A_93] : memref<18432x256xf32, #tpu.memory_space<hbm>> -> memref<96x256xf32, #tpu.memory_space<hbm>>
    %dma_wait3A_95 = arith.constant 0 : i32
    %dma_wait3A_96 = tpu.memref_slice %arg4[%add3A_68, %dma_wait3A_95] : memref<18432x256xf32, #tpu.memory_space<hbm>> -> memref<96x256xf32, #tpu.memory_space<hbm>>
    tpu.wait_dma2 semaphore(%arg11 : memref<!tpu.dma_semaphore, #tpu.memory_space<semaphore_mem>>) src(%arg7 : memref<96x256xf32, #tpu.memory_space<vmem>>) dst(%dma_wait3A_96 : memref<96x256xf32, #tpu.memory_space<hbm>>)
    %dma_start3A_97 = arith.constant 480 : i32
    %dma_start3A_98 = tpu.memref_slice %arg5[%dma_start3A_97] : memref<576xi32, #tpu.memory_space<vmem>> -> memref<96xi32, #tpu.memory_space<vmem>>
    %dma_start3A_99 = arith.constant 0 : i32
    %dma_start3A_100 = arith.constant 0 : i32
    %dma_start3A_101 = tpu.memref_slice %arg2[%dma_start3A_99, %dma_start3A_100] : memref<8192x256xf32, #tpu.memory_space<hbm>> -> memref<8192x256xf32, #tpu.memory_space<hbm>>
    tpu.enqueue_indirect_dma source(%dma_start3A_101 : memref<8192x256xf32, #tpu.memory_space<hbm>>) target(%arg7 : memref<96x256xf32, #tpu.memory_space<vmem>>) offsets(%dma_start3A_98 : memref<96xi32, #tpu.memory_space<vmem>>) semaphore(%arg9 : memref<!tpu.dma_semaphore, #tpu.memory_space<semaphore_mem>>)
    %dma_wait3A_102 = arith.constant 480 : i32
    %dma_wait3A_103 = tpu.memref_slice %arg5[%dma_wait3A_102] : memref<576xi32, #tpu.memory_space<vmem>> -> memref<96xi32, #tpu.memory_space<vmem>>
    %dma_wait3A_104 = arith.constant 0 : i32
    %dma_wait3A_105 = arith.constant 0 : i32
    %dma_wait3A_106 = tpu.memref_slice %arg2[%dma_wait3A_104, %dma_wait3A_105] : memref<8192x256xf32, #tpu.memory_space<hbm>> -> memref<8192x256xf32, #tpu.memory_space<hbm>>
    tpu.wait_indirect_dma semaphore(%arg9 : memref<!tpu.dma_semaphore, #tpu.memory_space<semaphore_mem>>) src(%dma_wait3A_106 : memref<8192x256xf32, #tpu.memory_space<hbm>>) dst(%arg7 : memref<96x256xf32, #tpu.memory_space<vmem>>)
    %add3A_107 = arith.constant 480 : i32
    %add3A_108 = arith.addi %mul3A_2, %add3A_107 : i32
    %dma_start3A_109 = arith.constant 0 : i32
    %dma_start3A_110 = tpu.memref_slice %arg4[%add3A_108, %dma_start3A_109] : memref<18432x256xf32, #tpu.memory_space<hbm>> -> memref<96x256xf32, #tpu.memory_space<hbm>>
    %dma_start3A_111 = arith.constant 0 : i32
    %dma_start3A_112 = tpu.memref_slice %arg4[%add3A_108, %dma_start3A_111] : memref<18432x256xf32, #tpu.memory_space<hbm>> -> memref<96x256xf32, #tpu.memory_space<hbm>>
    tpu.enqueue_dma source(%arg7 : memref<96x256xf32, #tpu.memory_space<vmem>>) target(%dma_start3A_112 : memref<96x256xf32, #tpu.memory_space<hbm>>) target_semaphore(%arg11 : memref<!tpu.dma_semaphore, #tpu.memory_space<semaphore_mem>>)
    %dma_wait3A_113 = arith.constant 0 : i32
    %dma_wait3A_114 = tpu.memref_slice %arg4[%add3A_88, %dma_wait3A_113] : memref<18432x256xf32, #tpu.memory_space<hbm>> -> memref<96x256xf32, #tpu.memory_space<hbm>>
    %dma_wait3A_115 = arith.constant 0 : i32
    %dma_wait3A_116 = tpu.memref_slice %arg4[%add3A_88, %dma_wait3A_115] : memref<18432x256xf32, #tpu.memory_space<hbm>> -> memref<96x256xf32, #tpu.memory_space<hbm>>
    tpu.wait_dma2 semaphore(%arg10 : memref<!tpu.dma_semaphore, #tpu.memory_space<semaphore_mem>>) src(%arg6 : memref<96x256xf32, #tpu.memory_space<vmem>>) dst(%dma_wait3A_116 : memref<96x256xf32, #tpu.memory_space<hbm>>)
    %dma_wait3A_117 = arith.constant 0 : i32
    %dma_wait3A_118 = tpu.memref_slice %arg4[%add3A_108, %dma_wait3A_117] : memref<18432x256xf32, #tpu.memory_space<hbm>> -> memref<96x256xf32, #tpu.memory_space<hbm>>
    %dma_wait3A_119 = arith.constant 0 : i32
    %dma_wait3A_120 = tpu.memref_slice %arg4[%add3A_108, %dma_wait3A_119] : memref<18432x256xf32, #tpu.memory_space<hbm>> -> memref<96x256xf32, #tpu.memory_space<hbm>>
    tpu.wait_dma2 semaphore(%arg11 : memref<!tpu.dma_semaphore, #tpu.memory_space<semaphore_mem>>) src(%arg7 : memref<96x256xf32, #tpu.memory_space<vmem>>) dst(%dma_wait3A_120 : memref<96x256xf32, #tpu.memory_space<hbm>>)
    return
  }
}

#map = affine_map<(d0, d1) -> (0)>
#map1 = affine_map<(d0, d1) -> (0, 0)>
module attributes {stable_mosaic.version = 14 : i64} {
  func.func @_counts_body(%arg0: i32, %arg1: i32, %arg2: memref<18432xi32, #tpu.memory_space<hbm>>, %arg3: memref<8192x128xf32, #tpu.memory_space<hbm>>, %arg4: memref<8192x128xf32, #tpu.memory_space<hbm>>, %arg5: memref<9x128xi32, #tpu.memory_space<vmem>>, %arg6: memref<128x128xf32, #tpu.memory_space<vmem>>, %arg7: memref<8x128xf32, #tpu.memory_space<vmem>>, %arg8: memref<8192x128xf32, #tpu.memory_space<vmem_shared>>) attributes {dimension_semantics = [#tpu.dimension_semantics<core_parallel>, #tpu.dimension_semantics<subcore_parallel>], iteration_bounds = array<i64: 2, 16>, scalar_prefetch = 0 : i64, scratch_operands = 4 : i64, tpu.core_type = #tpu.core_type<sc_vector_subcore>, window_params = [{transform_indices = #map}, {transform_indices = #map1}, {transform_indices = #map1}]} {
    %scan3A = arith.constant 0 : i32
    %scan3A_0 = arith.constant 0 : i32
    %scan3A_1 = arith.constant 128 : i32
    %scan3A_2 = arith.addi %scan3A_0, %scan3A_1 : i32
    %scan3A_3 = arith.constant 1 : i32
    %scan3A_4 = scf.for %scan3A_47 = %scan3A_0 to %scan3A_2 step %scan3A_3 iter_args(%scan3A_48 = %scan3A) -> (i32)  : i32 {
      %broadcast_in_dim3A = arith.constant 1.000000e+00 : f32
      %broadcast_in_dim3A_49 = vector.broadcast %broadcast_in_dim3A : f32 to vector<16xf32>
      %swap3A = arith.index_cast %scan3A_47 : i32 to index
      %swap3A_50 = arith.constant 0 : index
      %swap3A_51 = tpu.vector_load %arg6[%swap3A, %swap3A_50] {strides = array<i32>} : memref<128x128xf32, #tpu.memory_space<vmem>>, vector<1x16xf32>,
      %swap3A_52 = vector.shape_cast %swap3A_51 : vector<1x16xf32> to vector<16xf32>
      %swap3A_53 = vector.shape_cast %broadcast_in_dim3A_49 : vector<16xf32> to vector<1x16xf32>
      tpu.vector_store %arg6[%swap3A, %swap3A_50], %swap3A_53 {strides = array<i32>} : memref<128x128xf32, #tpu.memory_space<vmem>>, vector<1x16xf32>,
      %broadcast_in_dim3A_54 = arith.constant 1.000000e+00 : f32
      %broadcast_in_dim3A_55 = vector.broadcast %broadcast_in_dim3A_54 : f32 to vector<16xf32>
      %swap3A_56 = arith.index_cast %scan3A_47 : i32 to index
      %swap3A_57 = arith.constant 16 : index
      %swap3A_58 = tpu.vector_load %arg6[%swap3A_56, %swap3A_57] {strides = array<i32>} : memref<128x128xf32, #tpu.memory_space<vmem>>, vector<1x16xf32>,
      %swap3A_59 = vector.shape_cast %swap3A_58 : vector<1x16xf32> to vector<16xf32>
      %swap3A_60 = vector.shape_cast %broadcast_in_dim3A_55 : vector<16xf32> to vector<1x16xf32>
      tpu.vector_store %arg6[%swap3A_56, %swap3A_57], %swap3A_60 {strides = array<i32>} : memref<128x128xf32, #tpu.memory_space<vmem>>, vector<1x16xf32>,
      %broadcast_in_dim3A_61 = arith.constant 1.000000e+00 : f32
      %broadcast_in_dim3A_62 = vector.broadcast %broadcast_in_dim3A_61 : f32 to vector<16xf32>
      %swap3A_63 = arith.index_cast %scan3A_47 : i32 to index
      %swap3A_64 = arith.constant 32 : index
      %swap3A_65 = tpu.vector_load %arg6[%swap3A_63, %swap3A_64] {strides = array<i32>} : memref<128x128xf32, #tpu.memory_space<vmem>>, vector<1x16xf32>,
      %swap3A_66 = vector.shape_cast %swap3A_65 : vector<1x16xf32> to vector<16xf32>
      %swap3A_67 = vector.shape_cast %broadcast_in_dim3A_62 : vector<16xf32> to vector<1x16xf32>
      tpu.vector_store %arg6[%swap3A_63, %swap3A_64], %swap3A_67 {strides = array<i32>} : memref<128x128xf32, #tpu.memory_space<vmem>>, vector<1x16xf32>,
      %broadcast_in_dim3A_68 = arith.constant 1.000000e+00 : f32
      %broadcast_in_dim3A_69 = vector.broadcast %broadcast_in_dim3A_68 : f32 to vector<16xf32>
      %swap3A_70 = arith.index_cast %scan3A_47 : i32 to index
      %swap3A_71 = arith.constant 48 : index
      %swap3A_72 = tpu.vector_load %arg6[%swap3A_70, %swap3A_71] {strides = array<i32>} : memref<128x128xf32, #tpu.memory_space<vmem>>, vector<1x16xf32>,
      %swap3A_73 = vector.shape_cast %swap3A_72 : vector<1x16xf32> to vector<16xf32>
      %swap3A_74 = vector.shape_cast %broadcast_in_dim3A_69 : vector<16xf32> to vector<1x16xf32>
      tpu.vector_store %arg6[%swap3A_70, %swap3A_71], %swap3A_74 {strides = array<i32>} : memref<128x128xf32, #tpu.memory_space<vmem>>, vector<1x16xf32>,
      %broadcast_in_dim3A_75 = arith.constant 1.000000e+00 : f32
      %broadcast_in_dim3A_76 = vector.broadcast %broadcast_in_dim3A_75 : f32 to vector<16xf32>
      %swap3A_77 = arith.index_cast %scan3A_47 : i32 to index
      %swap3A_78 = arith.constant 64 : index
      %swap3A_79 = tpu.vector_load %arg6[%swap3A_77, %swap3A_78] {strides = array<i32>} : memref<128x128xf32, #tpu.memory_space<vmem>>, vector<1x16xf32>,
      %swap3A_80 = vector.shape_cast %swap3A_79 : vector<1x16xf32> to vector<16xf32>
      %swap3A_81 = vector.shape_cast %broadcast_in_dim3A_76 : vector<16xf32> to vector<1x16xf32>
      tpu.vector_store %arg6[%swap3A_77, %swap3A_78], %swap3A_81 {strides = array<i32>} : memref<128x128xf32, #tpu.memory_space<vmem>>, vector<1x16xf32>,
      %broadcast_in_dim3A_82 = arith.constant 1.000000e+00 : f32
      %broadcast_in_dim3A_83 = vector.broadcast %broadcast_in_dim3A_82 : f32 to vector<16xf32>
      %swap3A_84 = arith.index_cast %scan3A_47 : i32 to index
      %swap3A_85 = arith.constant 80 : index
      %swap3A_86 = tpu.vector_load %arg6[%swap3A_84, %swap3A_85] {strides = array<i32>} : memref<128x128xf32, #tpu.memory_space<vmem>>, vector<1x16xf32>,
      %swap3A_87 = vector.shape_cast %swap3A_86 : vector<1x16xf32> to vector<16xf32>
      %swap3A_88 = vector.shape_cast %broadcast_in_dim3A_83 : vector<16xf32> to vector<1x16xf32>
      tpu.vector_store %arg6[%swap3A_84, %swap3A_85], %swap3A_88 {strides = array<i32>} : memref<128x128xf32, #tpu.memory_space<vmem>>, vector<1x16xf32>,
      %broadcast_in_dim3A_89 = arith.constant 1.000000e+00 : f32
      %broadcast_in_dim3A_90 = vector.broadcast %broadcast_in_dim3A_89 : f32 to vector<16xf32>
      %swap3A_91 = arith.index_cast %scan3A_47 : i32 to index
      %swap3A_92 = arith.constant 96 : index
      %swap3A_93 = tpu.vector_load %arg6[%swap3A_91, %swap3A_92] {strides = array<i32>} : memref<128x128xf32, #tpu.memory_space<vmem>>, vector<1x16xf32>,
      %swap3A_94 = vector.shape_cast %swap3A_93 : vector<1x16xf32> to vector<16xf32>
      %swap3A_95 = vector.shape_cast %broadcast_in_dim3A_90 : vector<16xf32> to vector<1x16xf32>
      tpu.vector_store %arg6[%swap3A_91, %swap3A_92], %swap3A_95 {strides = array<i32>} : memref<128x128xf32, #tpu.memory_space<vmem>>, vector<1x16xf32>,
      %broadcast_in_dim3A_96 = arith.constant 1.000000e+00 : f32
      %broadcast_in_dim3A_97 = vector.broadcast %broadcast_in_dim3A_96 : f32 to vector<16xf32>
      %swap3A_98 = arith.index_cast %scan3A_47 : i32 to index
      %swap3A_99 = arith.constant 112 : index
      %swap3A_100 = tpu.vector_load %arg6[%swap3A_98, %swap3A_99] {strides = array<i32>} : memref<128x128xf32, #tpu.memory_space<vmem>>, vector<1x16xf32>,
      %swap3A_101 = vector.shape_cast %swap3A_100 : vector<1x16xf32> to vector<16xf32>
      %swap3A_102 = vector.shape_cast %broadcast_in_dim3A_97 : vector<16xf32> to vector<1x16xf32>
      tpu.vector_store %arg6[%swap3A_98, %swap3A_99], %swap3A_102 {strides = array<i32>} : memref<128x128xf32, #tpu.memory_space<vmem>>, vector<1x16xf32>,
      %scan3A_103 = arith.constant 0 : i32
      scf.yield %scan3A_103 : i32
    }
    %scan3A_5 = arith.constant 128 : i32
    %scan3A_6 = arith.constant 0 : i32
    %scan3A_7 = arith.constant 0 : i32
    %scan3A_8 = arith.constant 8 : i32
    %scan3A_9 = arith.addi %scan3A_7, %scan3A_8 : i32
    %scan3A_10 = arith.constant 1 : i32
    %scan3A_11 = scf.for %scan3A_47 = %scan3A_7 to %scan3A_9 step %scan3A_10 iter_args(%scan3A_48 = %scan3A_6) -> (i32)  : i32 {
      %broadcast_in_dim3A = arith.constant 0.000000e+00 : f32
      %broadcast_in_dim3A_49 = vector.broadcast %broadcast_in_dim3A : f32 to vector<16xf32>
      %swap3A = arith.index_cast %scan3A_47 : i32 to index
      %swap3A_50 = arith.constant 0 : index
      %swap3A_51 = tpu.vector_load %arg7[%swap3A, %swap3A_50] {strides = array<i32>} : memref<8x128xf32, #tpu.memory_space<vmem>>, vector<1x16xf32>,
      %swap3A_52 = vector.shape_cast %swap3A_51 : vector<1x16xf32> to vector<16xf32>
      %swap3A_53 = vector.shape_cast %broadcast_in_dim3A_49 : vector<16xf32> to vector<1x16xf32>
      tpu.vector_store %arg7[%swap3A, %swap3A_50], %swap3A_53 {strides = array<i32>} : memref<8x128xf32, #tpu.memory_space<vmem>>, vector<1x16xf32>,
      %broadcast_in_dim3A_54 = arith.constant 0.000000e+00 : f32
      %broadcast_in_dim3A_55 = vector.broadcast %broadcast_in_dim3A_54 : f32 to vector<16xf32>
      %swap3A_56 = arith.index_cast %scan3A_47 : i32 to index
      %swap3A_57 = arith.constant 16 : index
      %swap3A_58 = tpu.vector_load %arg7[%swap3A_56, %swap3A_57] {strides = array<i32>} : memref<8x128xf32, #tpu.memory_space<vmem>>, vector<1x16xf32>,
      %swap3A_59 = vector.shape_cast %swap3A_58 : vector<1x16xf32> to vector<16xf32>
      %swap3A_60 = vector.shape_cast %broadcast_in_dim3A_55 : vector<16xf32> to vector<1x16xf32>
      tpu.vector_store %arg7[%swap3A_56, %swap3A_57], %swap3A_60 {strides = array<i32>} : memref<8x128xf32, #tpu.memory_space<vmem>>, vector<1x16xf32>,
      %broadcast_in_dim3A_61 = arith.constant 0.000000e+00 : f32
      %broadcast_in_dim3A_62 = vector.broadcast %broadcast_in_dim3A_61 : f32 to vector<16xf32>
      %swap3A_63 = arith.index_cast %scan3A_47 : i32 to index
      %swap3A_64 = arith.constant 32 : index
      %swap3A_65 = tpu.vector_load %arg7[%swap3A_63, %swap3A_64] {strides = array<i32>} : memref<8x128xf32, #tpu.memory_space<vmem>>, vector<1x16xf32>,
      %swap3A_66 = vector.shape_cast %swap3A_65 : vector<1x16xf32> to vector<16xf32>
      %swap3A_67 = vector.shape_cast %broadcast_in_dim3A_62 : vector<16xf32> to vector<1x16xf32>
      tpu.vector_store %arg7[%swap3A_63, %swap3A_64], %swap3A_67 {strides = array<i32>} : memref<8x128xf32, #tpu.memory_space<vmem>>, vector<1x16xf32>,
      %broadcast_in_dim3A_68 = arith.constant 0.000000e+00 : f32
      %broadcast_in_dim3A_69 = vector.broadcast %broadcast_in_dim3A_68 : f32 to vector<16xf32>
      %swap3A_70 = arith.index_cast %scan3A_47 : i32 to index
      %swap3A_71 = arith.constant 48 : index
      %swap3A_72 = tpu.vector_load %arg7[%swap3A_70, %swap3A_71] {strides = array<i32>} : memref<8x128xf32, #tpu.memory_space<vmem>>, vector<1x16xf32>,
      %swap3A_73 = vector.shape_cast %swap3A_72 : vector<1x16xf32> to vector<16xf32>
      %swap3A_74 = vector.shape_cast %broadcast_in_dim3A_69 : vector<16xf32> to vector<1x16xf32>
      tpu.vector_store %arg7[%swap3A_70, %swap3A_71], %swap3A_74 {strides = array<i32>} : memref<8x128xf32, #tpu.memory_space<vmem>>, vector<1x16xf32>,
      %broadcast_in_dim3A_75 = arith.constant 0.000000e+00 : f32
      %broadcast_in_dim3A_76 = vector.broadcast %broadcast_in_dim3A_75 : f32 to vector<16xf32>
      %swap3A_77 = arith.index_cast %scan3A_47 : i32 to index
      %swap3A_78 = arith.constant 64 : index
      %swap3A_79 = tpu.vector_load %arg7[%swap3A_77, %swap3A_78] {strides = array<i32>} : memref<8x128xf32, #tpu.memory_space<vmem>>, vector<1x16xf32>,
      %swap3A_80 = vector.shape_cast %swap3A_79 : vector<1x16xf32> to vector<16xf32>
      %swap3A_81 = vector.shape_cast %broadcast_in_dim3A_76 : vector<16xf32> to vector<1x16xf32>
      tpu.vector_store %arg7[%swap3A_77, %swap3A_78], %swap3A_81 {strides = array<i32>} : memref<8x128xf32, #tpu.memory_space<vmem>>, vector<1x16xf32>,
      %broadcast_in_dim3A_82 = arith.constant 0.000000e+00 : f32
      %broadcast_in_dim3A_83 = vector.broadcast %broadcast_in_dim3A_82 : f32 to vector<16xf32>
      %swap3A_84 = arith.index_cast %scan3A_47 : i32 to index
      %swap3A_85 = arith.constant 80 : index
      %swap3A_86 = tpu.vector_load %arg7[%swap3A_84, %swap3A_85] {strides = array<i32>} : memref<8x128xf32, #tpu.memory_space<vmem>>, vector<1x16xf32>,
      %swap3A_87 = vector.shape_cast %swap3A_86 : vector<1x16xf32> to vector<16xf32>
      %swap3A_88 = vector.shape_cast %broadcast_in_dim3A_83 : vector<16xf32> to vector<1x16xf32>
      tpu.vector_store %arg7[%swap3A_84, %swap3A_85], %swap3A_88 {strides = array<i32>} : memref<8x128xf32, #tpu.memory_space<vmem>>, vector<1x16xf32>,
      %broadcast_in_dim3A_89 = arith.constant 0.000000e+00 : f32
      %broadcast_in_dim3A_90 = vector.broadcast %broadcast_in_dim3A_89 : f32 to vector<16xf32>
      %swap3A_91 = arith.index_cast %scan3A_47 : i32 to index
      %swap3A_92 = arith.constant 96 : index
      %swap3A_93 = tpu.vector_load %arg7[%swap3A_91, %swap3A_92] {strides = array<i32>} : memref<8x128xf32, #tpu.memory_space<vmem>>, vector<1x16xf32>,
      %swap3A_94 = vector.shape_cast %swap3A_93 : vector<1x16xf32> to vector<16xf32>
      %swap3A_95 = vector.shape_cast %broadcast_in_dim3A_90 : vector<16xf32> to vector<1x16xf32>
      tpu.vector_store %arg7[%swap3A_91, %swap3A_92], %swap3A_95 {strides = array<i32>} : memref<8x128xf32, #tpu.memory_space<vmem>>, vector<1x16xf32>,
      %broadcast_in_dim3A_96 = arith.constant 0.000000e+00 : f32
      %broadcast_in_dim3A_97 = vector.broadcast %broadcast_in_dim3A_96 : f32 to vector<16xf32>
      %swap3A_98 = arith.index_cast %scan3A_47 : i32 to index
      %swap3A_99 = arith.constant 112 : index
      %swap3A_100 = tpu.vector_load %arg7[%swap3A_98, %swap3A_99] {strides = array<i32>} : memref<8x128xf32, #tpu.memory_space<vmem>>, vector<1x16xf32>,
      %swap3A_101 = vector.shape_cast %swap3A_100 : vector<1x16xf32> to vector<16xf32>
      %swap3A_102 = vector.shape_cast %broadcast_in_dim3A_97 : vector<16xf32> to vector<1x16xf32>
      tpu.vector_store %arg7[%swap3A_98, %swap3A_99], %swap3A_102 {strides = array<i32>} : memref<8x128xf32, #tpu.memory_space<vmem>>, vector<1x16xf32>,
      %scan3A_103 = arith.constant 0 : i32
      scf.yield %scan3A_103 : i32
    }
    %scan3A_12 = arith.constant 8 : i32
    %scan3A_13 = arith.constant 0 : i32
    %scan3A_14 = arith.constant 0 : i32
    %scan3A_15 = arith.constant 64 : i32
    %scan3A_16 = arith.addi %scan3A_14, %scan3A_15 : i32
    %scan3A_17 = arith.constant 1 : i32
    %scan3A_18 = scf.for %scan3A_47 = %scan3A_14 to %scan3A_16 step %scan3A_17 iter_args(%scan3A_48 = %scan3A_13) -> (i32)  : i32 {
      %mul3A_49 = arith.constant 512 : i32
      %mul3A_50 = arith.muli %arg1, %mul3A_49 : i32
      %mul3A_51 = arith.constant 8 : i32
      %mul3A_52 = arith.muli %scan3A_47, %mul3A_51 : i32
      %add3A = arith.addi %mul3A_50, %mul3A_52 : i32
      "tpu.region"() ({
        %run_scoped3A = tpu.sem_alloc : memref<!tpu.dma_semaphore, #tpu.memory_space<semaphore_mem>>
        %dma_start3A = arith.constant 0 : i32
        %dma_start3A_54 = tpu.memref_slice %arg8[%add3A, %dma_start3A] : memref<8192x128xf32, #tpu.memory_space<vmem_shared>> -> memref<8x128xf32, #tpu.memory_space<vmem_shared>>
        %dma_start3A_55 = arith.constant 0 : i32
        %dma_start3A_56 = tpu.memref_slice %arg8[%add3A, %dma_start3A_55] : memref<8192x128xf32, #tpu.memory_space<vmem_shared>> -> memref<8x128xf32, #tpu.memory_space<vmem_shared>>
        tpu.enqueue_dma source(%arg7 : memref<8x128xf32, #tpu.memory_space<vmem>>) target(%dma_start3A_56 : memref<8x128xf32, #tpu.memory_space<vmem_shared>>) target_semaphore(%run_scoped3A : memref<!tpu.dma_semaphore, #tpu.memory_space<semaphore_mem>>)
        %dma_wait3A = arith.constant 0 : i32
        %dma_wait3A_57 = tpu.memref_slice %arg8[%add3A, %dma_wait3A] : memref<8192x128xf32, #tpu.memory_space<vmem_shared>> -> memref<8x128xf32, #tpu.memory_space<vmem_shared>>
        %dma_wait3A_58 = arith.constant 0 : i32
        %dma_wait3A_59 = tpu.memref_slice %arg8[%add3A, %dma_wait3A_58] : memref<8192x128xf32, #tpu.memory_space<vmem_shared>> -> memref<8x128xf32, #tpu.memory_space<vmem_shared>>
        tpu.wait_dma2 semaphore(%run_scoped3A : memref<!tpu.dma_semaphore, #tpu.memory_space<semaphore_mem>>) src(%arg7 : memref<8x128xf32, #tpu.memory_space<vmem>>) dst(%dma_wait3A_59 : memref<8x128xf32, #tpu.memory_space<vmem_shared>>)
        tpu.yield
      }) : () -> ()
      %scan3A_53 = arith.constant 0 : i32
      scf.yield %scan3A_53 : i32
    }
    %scan3A_19 = arith.constant 64 : i32
    %barrier3A = arith.constant 0 : index
    tpu.barrier barrier_id(%barrier3A)
    %mul3A = arith.constant 1152 : i32
    %mul3A_20 = arith.muli %arg1, %mul3A : i32
    %eq3A = arith.constant 0 : i32
    %eq3A_21 = arith.cmpi eq, %arg0, %eq3A : i32
    %jit3A = arith.constant 0 : i32
    %jit3A_22 = arith.constant 5 : i32
    %select_n3A = arith.select %eq3A_21, %jit3A, %jit3A_22 : i32
    %eq3A_23 = arith.constant 0 : i32
    %eq3A_24 = arith.cmpi eq, %arg0, %eq3A_23 : i32
    %jit3A_25 = arith.constant 5 : i32
    %jit3A_26 = arith.constant 9 : i32
    %select_n3A_27 = arith.select %eq3A_24, %jit3A_25, %jit3A_26 : i32
    %while3A = arith.constant 0 : i32
    %while3A_28 = arith.subi %select_n3A_27, %select_n3A : i32
    %while3A_29 = arith.addi %select_n3A, %while3A_28 : i32
    %while3A_30 = arith.constant 1 : i32
    %while3A_31 = arith.divsi %while3A_28, %while3A_30 : i32
    %while3A_32 = arith.muli %while3A_31, %while3A_30 : i32
    %while3A_33 = arith.addi %select_n3A, %while3A_32 : i32
    %while3A_34 = arith.constant 1 : i32
    %while3A_35 = scf.for %while3A_47 = %select_n3A to %while3A_33 step %while3A_34 iter_args(%while3A_48 = %while3A) -> (i32)  : i32 {
      %mul3A_49 = arith.constant 128 : i32
      %mul3A_50 = arith.muli %while3A_47, %mul3A_49 : i32
      %add3A = arith.addi %mul3A_20, %mul3A_50 : i32
      "tpu.region"() ({
        %run_scoped3A = tpu.sem_alloc : memref<!tpu.dma_semaphore, #tpu.memory_space<semaphore_mem>>
        %dma_start3A = arith.constant 0 : i32
        %dma_start3A_52 = tpu.memref_slice %arg5[%while3A_47, %dma_start3A] : memref<9x128xi32, #tpu.memory_space<vmem>> -> memref<1x128xi32, #tpu.memory_space<vmem>>
        %dma_start3A_53 = tpu.memref_squeeze %dma_start3A_52 : memref<1x128xi32, #tpu.memory_space<vmem>> -> memref<128xi32, #tpu.memory_space<vmem>>
        %dma_start3A_54 = tpu.memref_slice %arg2[%add3A] : memref<18432xi32, #tpu.memory_space<hbm>> -> memref<128xi32, #tpu.memory_space<hbm>>
        %dma_start3A_55 = arith.constant 0 : i32
        %dma_start3A_56 = tpu.memref_slice %arg5[%while3A_47, %dma_start3A_55] : memref<9x128xi32, #tpu.memory_space<vmem>> -> memref<1x128xi32, #tpu.memory_space<vmem>>
        %dma_start3A_57 = tpu.memref_squeeze %dma_start3A_56 : memref<1x128xi32, #tpu.memory_space<vmem>> -> memref<128xi32, #tpu.memory_space<vmem>>
        %dma_start3A_58 = tpu.memref_slice %arg2[%add3A] : memref<18432xi32, #tpu.memory_space<hbm>> -> memref<128xi32, #tpu.memory_space<hbm>>
        tpu.enqueue_dma source(%dma_start3A_58 : memref<128xi32, #tpu.memory_space<hbm>>) target(%dma_start3A_57 : memref<128xi32, #tpu.memory_space<vmem>>) target_semaphore(%run_scoped3A : memref<!tpu.dma_semaphore, #tpu.memory_space<semaphore_mem>>)
        %dma_wait3A = arith.constant 0 : i32
        %dma_wait3A_59 = tpu.memref_slice %arg5[%while3A_47, %dma_wait3A] : memref<9x128xi32, #tpu.memory_space<vmem>> -> memref<1x128xi32, #tpu.memory_space<vmem>>
        %dma_wait3A_60 = tpu.memref_squeeze %dma_wait3A_59 : memref<1x128xi32, #tpu.memory_space<vmem>> -> memref<128xi32, #tpu.memory_space<vmem>>
        %dma_wait3A_61 = tpu.memref_slice %arg2[%add3A] : memref<18432xi32, #tpu.memory_space<hbm>> -> memref<128xi32, #tpu.memory_space<hbm>>
        %dma_wait3A_62 = arith.constant 0 : i32
        %dma_wait3A_63 = tpu.memref_slice %arg5[%while3A_47, %dma_wait3A_62] : memref<9x128xi32, #tpu.memory_space<vmem>> -> memref<1x128xi32, #tpu.memory_space<vmem>>
        %dma_wait3A_64 = tpu.memref_squeeze %dma_wait3A_63 : memref<1x128xi32, #tpu.memory_space<vmem>> -> memref<128xi32, #tpu.memory_space<vmem>>
        %dma_wait3A_65 = tpu.memref_slice %arg2[%add3A] : memref<18432xi32, #tpu.memory_space<hbm>> -> memref<128xi32, #tpu.memory_space<hbm>>
        tpu.wait_dma2 semaphore(%run_scoped3A : memref<!tpu.dma_semaphore, #tpu.memory_space<semaphore_mem>>) src(%dma_wait3A_65 : memref<128xi32, #tpu.memory_space<hbm>>) dst(%dma_wait3A_64 : memref<128xi32, #tpu.memory_space<vmem>>)
        tpu.yield
      }) : () -> ()
      "tpu.region"() ({
        %run_scoped3A = tpu.sem_alloc : memref<!tpu.dma_semaphore, #tpu.memory_space<semaphore_mem>>
        %dma_start3A = arith.constant 0 : i32
        %dma_start3A_52 = tpu.memref_slice %arg5[%while3A_47, %dma_start3A] : memref<9x128xi32, #tpu.memory_space<vmem>> -> memref<1x128xi32, #tpu.memory_space<vmem>>
        %dma_start3A_53 = tpu.memref_squeeze %dma_start3A_52 : memref<1x128xi32, #tpu.memory_space<vmem>> -> memref<128xi32, #tpu.memory_space<vmem>>
        %dma_start3A_54 = arith.constant 0 : i32
        %dma_start3A_55 = arith.constant 0 : i32
        %dma_start3A_56 = tpu.memref_slice %arg8[%dma_start3A_54, %dma_start3A_55] : memref<8192x128xf32, #tpu.memory_space<vmem_shared>> -> memref<8192x128xf32, #tpu.memory_space<vmem_shared>>
        tpu.enqueue_indirect_dma source(%arg6 : memref<128x128xf32, #tpu.memory_space<vmem>>) target(%dma_start3A_56 : memref<8192x128xf32, #tpu.memory_space<vmem_shared>>) offsets(%dma_start3A_53 : memref<128xi32, #tpu.memory_space<vmem>>) semaphore(%run_scoped3A : memref<!tpu.dma_semaphore, #tpu.memory_space<semaphore_mem>>) {add = true}
        %dma_wait3A = arith.constant 0 : i32
        %dma_wait3A_57 = tpu.memref_slice %arg5[%while3A_47, %dma_wait3A] : memref<9x128xi32, #tpu.memory_space<vmem>> -> memref<1x128xi32, #tpu.memory_space<vmem>>
        %dma_wait3A_58 = tpu.memref_squeeze %dma_wait3A_57 : memref<1x128xi32, #tpu.memory_space<vmem>> -> memref<128xi32, #tpu.memory_space<vmem>>
        %dma_wait3A_59 = arith.constant 0 : i32
        %dma_wait3A_60 = arith.constant 0 : i32
        %dma_wait3A_61 = tpu.memref_slice %arg8[%dma_wait3A_59, %dma_wait3A_60] : memref<8192x128xf32, #tpu.memory_space<vmem_shared>> -> memref<8192x128xf32, #tpu.memory_space<vmem_shared>>
        tpu.wait_indirect_dma semaphore(%run_scoped3A : memref<!tpu.dma_semaphore, #tpu.memory_space<semaphore_mem>>) src(%arg6 : memref<128x128xf32, #tpu.memory_space<vmem>>) dst(%dma_wait3A_61 : memref<8192x128xf32, #tpu.memory_space<vmem_shared>>)
        tpu.yield
      }) : () -> ()
      %while3A_51 = arith.constant 0 : i32
      scf.yield %while3A_51 : i32
    }
    %while3A_36 = arith.constant 1 : i32
    %while3A_37 = scf.for %while3A_47 = %while3A_33 to %while3A_29 step %while3A_36 iter_args(%while3A_48 = %while3A_35) -> (i32)  : i32 {
      %mul3A_49 = arith.constant 128 : i32
      %mul3A_50 = arith.muli %while3A_47, %mul3A_49 : i32
      %add3A = arith.addi %mul3A_20, %mul3A_50 : i32
      "tpu.region"() ({
        %run_scoped3A = tpu.sem_alloc : memref<!tpu.dma_semaphore, #tpu.memory_space<semaphore_mem>>
        %dma_start3A = arith.constant 0 : i32
        %dma_start3A_52 = tpu.memref_slice %arg5[%while3A_47, %dma_start3A] : memref<9x128xi32, #tpu.memory_space<vmem>> -> memref<1x128xi32, #tpu.memory_space<vmem>>
        %dma_start3A_53 = tpu.memref_squeeze %dma_start3A_52 : memref<1x128xi32, #tpu.memory_space<vmem>> -> memref<128xi32, #tpu.memory_space<vmem>>
        %dma_start3A_54 = tpu.memref_slice %arg2[%add3A] : memref<18432xi32, #tpu.memory_space<hbm>> -> memref<128xi32, #tpu.memory_space<hbm>>
        %dma_start3A_55 = arith.constant 0 : i32
        %dma_start3A_56 = tpu.memref_slice %arg5[%while3A_47, %dma_start3A_55] : memref<9x128xi32, #tpu.memory_space<vmem>> -> memref<1x128xi32, #tpu.memory_space<vmem>>
        %dma_start3A_57 = tpu.memref_squeeze %dma_start3A_56 : memref<1x128xi32, #tpu.memory_space<vmem>> -> memref<128xi32, #tpu.memory_space<vmem>>
        %dma_start3A_58 = tpu.memref_slice %arg2[%add3A] : memref<18432xi32, #tpu.memory_space<hbm>> -> memref<128xi32, #tpu.memory_space<hbm>>
        tpu.enqueue_dma source(%dma_start3A_58 : memref<128xi32, #tpu.memory_space<hbm>>) target(%dma_start3A_57 : memref<128xi32, #tpu.memory_space<vmem>>) target_semaphore(%run_scoped3A : memref<!tpu.dma_semaphore, #tpu.memory_space<semaphore_mem>>)
        %dma_wait3A = arith.constant 0 : i32
        %dma_wait3A_59 = tpu.memref_slice %arg5[%while3A_47, %dma_wait3A] : memref<9x128xi32, #tpu.memory_space<vmem>> -> memref<1x128xi32, #tpu.memory_space<vmem>>
        %dma_wait3A_60 = tpu.memref_squeeze %dma_wait3A_59 : memref<1x128xi32, #tpu.memory_space<vmem>> -> memref<128xi32, #tpu.memory_space<vmem>>
        %dma_wait3A_61 = tpu.memref_slice %arg2[%add3A] : memref<18432xi32, #tpu.memory_space<hbm>> -> memref<128xi32, #tpu.memory_space<hbm>>
        %dma_wait3A_62 = arith.constant 0 : i32
        %dma_wait3A_63 = tpu.memref_slice %arg5[%while3A_47, %dma_wait3A_62] : memref<9x128xi32, #tpu.memory_space<vmem>> -> memref<1x128xi32, #tpu.memory_space<vmem>>
        %dma_wait3A_64 = tpu.memref_squeeze %dma_wait3A_63 : memref<1x128xi32, #tpu.memory_space<vmem>> -> memref<128xi32, #tpu.memory_space<vmem>>
        %dma_wait3A_65 = tpu.memref_slice %arg2[%add3A] : memref<18432xi32, #tpu.memory_space<hbm>> -> memref<128xi32, #tpu.memory_space<hbm>>
        tpu.wait_dma2 semaphore(%run_scoped3A : memref<!tpu.dma_semaphore, #tpu.memory_space<semaphore_mem>>) src(%dma_wait3A_65 : memref<128xi32, #tpu.memory_space<hbm>>) dst(%dma_wait3A_64 : memref<128xi32, #tpu.memory_space<vmem>>)
        tpu.yield
      }) : () -> ()
      "tpu.region"() ({
        %run_scoped3A = tpu.sem_alloc : memref<!tpu.dma_semaphore, #tpu.memory_space<semaphore_mem>>
        %dma_start3A = arith.constant 0 : i32
        %dma_start3A_52 = tpu.memref_slice %arg5[%while3A_47, %dma_start3A] : memref<9x128xi32, #tpu.memory_space<vmem>> -> memref<1x128xi32, #tpu.memory_space<vmem>>
        %dma_start3A_53 = tpu.memref_squeeze %dma_start3A_52 : memref<1x128xi32, #tpu.memory_space<vmem>> -> memref<128xi32, #tpu.memory_space<vmem>>
        %dma_start3A_54 = arith.constant 0 : i32
        %dma_start3A_55 = arith.constant 0 : i32
        %dma_start3A_56 = tpu.memref_slice %arg8[%dma_start3A_54, %dma_start3A_55] : memref<8192x128xf32, #tpu.memory_space<vmem_shared>> -> memref<8192x128xf32, #tpu.memory_space<vmem_shared>>
        tpu.enqueue_indirect_dma source(%arg6 : memref<128x128xf32, #tpu.memory_space<vmem>>) target(%dma_start3A_56 : memref<8192x128xf32, #tpu.memory_space<vmem_shared>>) offsets(%dma_start3A_53 : memref<128xi32, #tpu.memory_space<vmem>>) semaphore(%run_scoped3A : memref<!tpu.dma_semaphore, #tpu.memory_space<semaphore_mem>>) {add = true}
        %dma_wait3A = arith.constant 0 : i32
        %dma_wait3A_57 = tpu.memref_slice %arg5[%while3A_47, %dma_wait3A] : memref<9x128xi32, #tpu.memory_space<vmem>> -> memref<1x128xi32, #tpu.memory_space<vmem>>
        %dma_wait3A_58 = tpu.memref_squeeze %dma_wait3A_57 : memref<1x128xi32, #tpu.memory_space<vmem>> -> memref<128xi32, #tpu.memory_space<vmem>>
        %dma_wait3A_59 = arith.constant 0 : i32
        %dma_wait3A_60 = arith.constant 0 : i32
        %dma_wait3A_61 = tpu.memref_slice %arg8[%dma_wait3A_59, %dma_wait3A_60] : memref<8192x128xf32, #tpu.memory_space<vmem_shared>> -> memref<8192x128xf32, #tpu.memory_space<vmem_shared>>
        tpu.wait_indirect_dma semaphore(%run_scoped3A : memref<!tpu.dma_semaphore, #tpu.memory_space<semaphore_mem>>) src(%arg6 : memref<128x128xf32, #tpu.memory_space<vmem>>) dst(%dma_wait3A_61 : memref<8192x128xf32, #tpu.memory_space<vmem_shared>>)
        tpu.yield
      }) : () -> ()
      %while3A_51 = arith.constant 0 : i32
      scf.yield %while3A_51 : i32
    }
    %barrier3A_38 = arith.constant 0 : index
    tpu.barrier barrier_id(%barrier3A_38)
    %eq3A_39 = arith.constant 0 : i32
    %eq3A_40 = arith.cmpi eq, %arg0, %eq3A_39 : i32
    %convert_element_type3A = arith.extui %eq3A_40 : i1 to i32
    %cond3A = arith.constant 0 : i32
    %cond3A_41 = arith.cmpi ne, %convert_element_type3A, %cond3A : i32
    scf.if %cond3A_41 {
      %mul3A_47 = arith.constant 512 : i32
      %mul3A_48 = arith.muli %arg1, %mul3A_47 : i32
      %mul3A_49 = arith.constant 512 : i32
      %mul3A_50 = arith.muli %arg1, %mul3A_49 : i32
      "tpu.region"() ({
        %run_scoped3A = tpu.sem_alloc : memref<!tpu.dma_semaphore, #tpu.memory_space<semaphore_mem>>
        %dma_start3A = arith.constant 0 : i32
        %dma_start3A_51 = tpu.memref_slice %arg3[%mul3A_50, %dma_start3A] : memref<8192x128xf32, #tpu.memory_space<hbm>> -> memref<512x128xf32, #tpu.memory_space<hbm>>
        %dma_start3A_52 = arith.constant 0 : i32
        %dma_start3A_53 = tpu.memref_slice %arg8[%mul3A_48, %dma_start3A_52] : memref<8192x128xf32, #tpu.memory_space<vmem_shared>> -> memref<512x128xf32, #tpu.memory_space<vmem_shared>>
        tpu.enqueue_dma source(%dma_start3A_53 : memref<512x128xf32, #tpu.memory_space<vmem_shared>>) target(%dma_start3A_51 : memref<512x128xf32, #tpu.memory_space<hbm>>) target_semaphore(%run_scoped3A : memref<!tpu.dma_semaphore, #tpu.memory_space<semaphore_mem>>)
        %dma_wait3A = arith.constant 0 : i32
        %dma_wait3A_54 = tpu.memref_slice %arg3[%mul3A_50, %dma_wait3A] : memref<8192x128xf32, #tpu.memory_space<hbm>> -> memref<512x128xf32, #tpu.memory_space<hbm>>
        %dma_wait3A_55 = arith.constant 0 : i32
        %dma_wait3A_56 = tpu.memref_slice %arg8[%mul3A_48, %dma_wait3A_55] : memref<8192x128xf32, #tpu.memory_space<vmem_shared>> -> memref<512x128xf32, #tpu.memory_space<vmem_shared>>
        tpu.wait_dma2 semaphore(%run_scoped3A : memref<!tpu.dma_semaphore, #tpu.memory_space<semaphore_mem>>) src(%dma_wait3A_56 : memref<512x128xf32, #tpu.memory_space<vmem_shared>>) dst(%dma_wait3A_54 : memref<512x128xf32, #tpu.memory_space<hbm>>)
        tpu.yield
      }) : () -> ()
    } else {
    }
    %eq3A_42 = arith.constant 1 : i32
    %eq3A_43 = arith.cmpi eq, %arg0, %eq3A_42 : i32
    %convert_element_type3A_44 = arith.extui %eq3A_43 : i1 to i32
    %cond3A_45 = arith.constant 0 : i32
    %cond3A_46 = arith.cmpi ne, %convert_element_type3A_44, %cond3A_45 : i32
    scf.if %cond3A_46 {
      %mul3A_47 = arith.constant 512 : i32
      %mul3A_48 = arith.muli %arg1, %mul3A_47 : i32
      %mul3A_49 = arith.constant 512 : i32
      %mul3A_50 = arith.muli %arg1, %mul3A_49 : i32
      "tpu.region"() ({
        %run_scoped3A = tpu.sem_alloc : memref<!tpu.dma_semaphore, #tpu.memory_space<semaphore_mem>>
        %dma_start3A = arith.constant 0 : i32
        %dma_start3A_51 = tpu.memref_slice %arg4[%mul3A_50, %dma_start3A] : memref<8192x128xf32, #tpu.memory_space<hbm>> -> memref<512x128xf32, #tpu.memory_space<hbm>>
        %dma_start3A_52 = arith.constant 0 : i32
        %dma_start3A_53 = tpu.memref_slice %arg8[%mul3A_48, %dma_start3A_52] : memref<8192x128xf32, #tpu.memory_space<vmem_shared>> -> memref<512x128xf32, #tpu.memory_space<vmem_shared>>
        tpu.enqueue_dma source(%dma_start3A_53 : memref<512x128xf32, #tpu.memory_space<vmem_shared>>) target(%dma_start3A_51 : memref<512x128xf32, #tpu.memory_space<hbm>>) target_semaphore(%run_scoped3A : memref<!tpu.dma_semaphore, #tpu.memory_space<semaphore_mem>>)
        %dma_wait3A = arith.constant 0 : i32
        %dma_wait3A_54 = tpu.memref_slice %arg4[%mul3A_50, %dma_wait3A] : memref<8192x128xf32, #tpu.memory_space<hbm>> -> memref<512x128xf32, #tpu.memory_space<hbm>>
        %dma_wait3A_55 = arith.constant 0 : i32
        %dma_wait3A_56 = tpu.memref_slice %arg8[%mul3A_48, %dma_wait3A_55] : memref<8192x128xf32, #tpu.memory_space<vmem_shared>> -> memref<512x128xf32, #tpu.memory_space<vmem_shared>>
        tpu.wait_dma2 semaphore(%run_scoped3A : memref<!tpu.dma_semaphore, #tpu.memory_space<semaphore_mem>>) src(%dma_wait3A_56 : memref<512x128xf32, #tpu.memory_space<vmem_shared>>) dst(%dma_wait3A_54 : memref<512x128xf32, #tpu.memory_space<hbm>>)
        tpu.yield
      }) : () -> ()
    } else {
    }
    return
  }
}

module attributes {stable_mosaic.version = 14 : i64} {
  func.func @_e2_body(%arg0: i32, %arg1: memref<1024x256xf32, #tpu.memory_space<vmem>>, %arg2: memref<8x8x128xf32, #tpu.memory_space<vmem>>) attributes {dimension_semantics = [#tpu.dimension_semantics<arbitrary>], iteration_bounds = array<i64: 8>, scalar_prefetch = 0 : i64, scratch_operands = 0 : i64, tpu.core_type = #tpu.core_type<tc>, window_params = [{transform_indices = @transform_0, window_bounds = array<i64: 1024, 256>}, {transform_indices = @transform_1, window_bounds = array<i64: 8, 8, 128>}]} {
    %get3A = arith.constant 0 : index
    %get3A_0 = arith.constant 0 : index
    %get3A_1 = vector.load %arg1[%get3A, %get3A_0] : memref<1024x256xf32, #tpu.memory_space<vmem>>, vector<1024x256xf32>
    %reshape3A = vector.shape_cast %get3A_1 : vector<1024x256xf32> to vector<8x128x256xf32>
    %mul3A = arith.mulf %reshape3A, %reshape3A : vector<8x128x256xf32>
    %reduce_sum3A = arith.constant dense<0.000000e+00> : vector<8x128xf32>
    %reduce_sum3A_2 = vector.multi_reduction <add>, %mul3A, %reduce_sum3A [2] : vector<8x128x256xf32> to vector<8x128xf32>
    %broadcast_in_dim3A = vector.shape_cast %reduce_sum3A_2 : vector<8x128xf32> to vector<8x1x128xf32>
    %broadcast_in_dim3A_3 = vector.shape_cast %broadcast_in_dim3A : vector<8x1x128xf32> to vector<8x1x128xf32>
    %broadcast_in_dim3A_4 = vector.broadcast %broadcast_in_dim3A_3 : vector<8x1x128xf32> to vector<8x8x128xf32>
    %swap3A = arith.constant 0 : index
    %swap3A_5 = arith.constant 0 : index
    %swap3A_6 = arith.constant 0 : index
    %swap3A_7 = vector.load %arg2[%swap3A, %swap3A_5, %swap3A_6] : memref<8x8x128xf32, #tpu.memory_space<vmem>>, vector<8x8x128xf32>
    tpu.vector_store %arg2[%swap3A, %swap3A_5, %swap3A_6], %broadcast_in_dim3A_4 {strides = array<i32>} : memref<8x8x128xf32, #tpu.memory_space<vmem>>, vector<8x8x128xf32>,
    return
  }
  func.func @transform_0(%arg0: i32) -> (i32, i32) {
    %c0_i32 = arith.constant 0 : i32
    %c0_i32_0 = arith.constant 0 : i32
    return %arg0, %c0_i32 : i32, i32
  }
  func.func @transform_1(%arg0: i32) -> (i32, i32, i32) {
    %c0_i32 = arith.constant 0 : i32
    %c0_i32_0 = arith.constant 0 : i32
    %c0_i32_1 = arith.constant 0 : i32
    return %arg0, %c0_i32, %c0_i32_0 : i32, i32, i32
  }
}

module attributes {stable_mosaic.version = 14 : i64} {
  func.func @_norm_body(%arg0: memref<8192xf32, #tpu.memory_space<vmem>>, %arg1: memref<8192xf32, #tpu.memory_space<vmem>>, %arg2: memref<8192xf32, #tpu.memory_space<vmem>>, %arg3: memref<8192x256xf32, #tpu.memory_space<vmem>>, %arg4: memref<8192x256xf32, #tpu.memory_space<vmem>>, %arg5: memref<8192x256xf32, #tpu.memory_space<vmem>>) attributes {dimension_semantics = [], scalar_prefetch = 0 : i64, scratch_operands = 0 : i64, tpu.core_type = #tpu.core_type<tc>} {
    %get3A = arith.constant 0 : index
    %get3A_0 = vector.load %arg1[%get3A] : memref<8192xf32, #tpu.memory_space<vmem>>, vector<8192xf32>
    %get3A_1 = arith.constant 0 : index
    %get3A_2 = vector.load %arg2[%get3A_1] : memref<8192xf32, #tpu.memory_space<vmem>>, vector<8192xf32>
    %add3A = arith.addf %get3A_0, %get3A_2 : vector<8192xf32>
    %get3A_3 = arith.constant 0 : index
    %get3A_4 = vector.load %arg0[%get3A_3] : memref<8192xf32, #tpu.memory_space<vmem>>, vector<8192xf32>
    %mul3A = arith.constant 1.000000e-01 : f32
    %mul3A_5 = vector.broadcast %mul3A : f32 to vector<8192xf32>
    %mul3A_6 = arith.mulf %get3A_4, %mul3A_5 : vector<8192xf32>
    %mul3A_7 = arith.constant 0.899999976 : f32
    %mul3A_8 = vector.broadcast %mul3A_7 : f32 to vector<8192xf32>
    %mul3A_9 = arith.mulf %add3A, %mul3A_8 : vector<8192xf32>
    %add3A_10 = arith.addf %mul3A_6, %mul3A_9 : vector<8192xf32>
    %reduce_sum3A = vector.shape_cast %add3A_10 : vector<8192xf32> to vector<1x8192xf32>
    %reduce_sum3A_11 = arith.constant dense<0.000000e+00> : vector<1xf32>
    %reduce_sum3A_12 = vector.multi_reduction <add>, %reduce_sum3A, %reduce_sum3A_11 [1] : vector<1x8192xf32> to vector<1xf32>
    %reduce_sum3A_13 = vector.shape_cast %reduce_sum3A_12 : vector<1xf32> to vector<1x1xf32>
    %reduce_sum3A_14 = vector.extract %reduce_sum3A_13[0, 0] : f32 from vector<1x1xf32>
    %add3A_15 = arith.constant 9.99999974E-6 : f32
    %add3A_16 = vector.broadcast %add3A_15 : f32 to vector<8192xf32>
    %add3A_17 = arith.addf %add3A_10, %add3A_16 : vector<8192xf32>
    %add3A_18 = arith.constant 0.0819199979 : f32
    %add3A_19 = arith.addf %reduce_sum3A_14, %add3A_18 : f32
    %div3A = vector.broadcast %add3A_19 : f32 to vector<8192xf32>
    %div3A_20 = arith.divf %add3A_17, %div3A : vector<8192xf32>
    %mul3A_21 = vector.broadcast %reduce_sum3A_14 : f32 to vector<8192xf32>
    %mul3A_22 = arith.mulf %div3A_20, %mul3A_21 : vector<8192xf32>
    %get3A_23 = arith.constant 0 : index
    %get3A_24 = arith.constant 0 : index
    %get3A_25 = vector.load %arg3[%get3A_23, %get3A_24] : memref<8192x256xf32, #tpu.memory_space<vmem>>, vector<8192x256xf32>
    %mul3A_26 = arith.constant 1.000000e-01 : f32
    %mul3A_27 = vector.broadcast %mul3A_26 : f32 to vector<8192x256xf32>
    %mul3A_28 = arith.mulf %get3A_25, %mul3A_27 : vector<8192x256xf32>
    %get3A_29 = arith.constant 0 : index
    %get3A_30 = arith.constant 0 : index
    %get3A_31 = vector.load %arg4[%get3A_29, %get3A_30] : memref<8192x256xf32, #tpu.memory_space<vmem>>, vector<8192x256xf32>
    %mul3A_32 = arith.constant 0.899999976 : f32
    %mul3A_33 = vector.broadcast %mul3A_32 : f32 to vector<8192x256xf32>
    %mul3A_34 = arith.mulf %get3A_31, %mul3A_33 : vector<8192x256xf32>
    %add3A_35 = arith.addf %mul3A_28, %mul3A_34 : vector<8192x256xf32>
    %broadcast_in_dim3A = vector.shape_cast %mul3A_22 : vector<8192xf32> to vector<8192x1xf32>
    %div3A_36 = vector.broadcast %broadcast_in_dim3A : vector<8192x1xf32> to vector<8192x256xf32>
    %div3A_37 = arith.divf %add3A_35, %div3A_36 : vector<8192x256xf32>
    %swap3A = arith.constant 0 : index
    %swap3A_38 = arith.constant 0 : index
    %swap3A_39 = vector.load %arg5[%swap3A, %swap3A_38] : memref<8192x256xf32, #tpu.memory_space<vmem>>, vector<8192x256xf32>
    tpu.vector_store %arg5[%swap3A, %swap3A_38], %div3A_37 {strides = array<i32>} : memref<8192x256xf32, #tpu.memory_space<vmem>>, vector<8192x256xf32>,
    return
  }
}

module attributes {stable_mosaic.version = 14 : i64} {
  func.func @_argmin_body(%arg0: i32, %arg1: i32, %arg2: memref<512x256xf32, #tpu.memory_space<vmem>>, %arg3: memref<1024x256xf32, #tpu.memory_space<vmem>>, %arg4: memref<8x8x128xf32, #tpu.memory_space<vmem>>, %arg5: memref<512xi32, #tpu.memory_space<vmem>>, %arg6: memref<512x128xf32, #tpu.memory_space<vmem>>, %arg7: memref<512x128xi32, #tpu.memory_space<vmem>>) attributes {dimension_semantics = [#tpu.dimension_semantics<arbitrary>, #tpu.dimension_semantics<arbitrary>], iteration_bounds = array<i64: 36, 8>, scalar_prefetch = 0 : i64, scratch_operands = 2 : i64, tpu.core_type = #tpu.core_type<tc>, window_params = [{transform_indices = @transform_0, window_bounds = array<i64: 512, 256>}, {transform_indices = @transform_1, window_bounds = array<i64: 1024, 256>}, {transform_indices = @transform_2, window_bounds = array<i64: 8, 8, 128>}, {transform_indices = @transform_3, window_bounds = array<i64: 512>}]} {
    %eq3A = arith.constant 0 : i32
    %eq3A_0 = arith.cmpi eq, %arg1, %eq3A : i32
    %convert_element_type3A = arith.extui %eq3A_0 : i1 to i32
    %cond3A = arith.constant 0 : i32
    %cond3A_1 = arith.cmpi ne, %convert_element_type3A, %cond3A : i32
    scf.if %cond3A_1 {
      %broadcast_in_dim3A_203 = arith.constant 0x7F800000 : f32
      %broadcast_in_dim3A_204 = vector.broadcast %broadcast_in_dim3A_203 : f32 to vector<512x128xf32>
      %swap3A_205 = arith.constant 0 : index
      %swap3A_206 = arith.constant 0 : index
      %swap3A_207 = vector.load %arg6[%swap3A_205, %swap3A_206] : memref<512x128xf32, #tpu.memory_space<vmem>>, vector<512x128xf32>
      tpu.vector_store %arg6[%swap3A_205, %swap3A_206], %broadcast_in_dim3A_204 {strides = array<i32>} : memref<512x128xf32, #tpu.memory_space<vmem>>, vector<512x128xf32>,
      %broadcast_in_dim3A_208 = arith.constant 0 : i32
      %broadcast_in_dim3A_209 = vector.broadcast %broadcast_in_dim3A_208 : i32 to vector<512x128xi32>
      %swap3A_210 = arith.constant 0 : index
      %swap3A_211 = arith.constant 0 : index
      %swap3A_212 = vector.load %arg7[%swap3A_210, %swap3A_211] : memref<512x128xi32, #tpu.memory_space<vmem>>, vector<512x128xi32>
      tpu.vector_store %arg7[%swap3A_210, %swap3A_211], %broadcast_in_dim3A_209 {strides = array<i32>} : memref<512x128xi32, #tpu.memory_space<vmem>>, vector<512x128xi32>,
    } else {
    }
    %iota3A = tpu.iota {dimensions = array<i32: 1>} : vector<512x128xi32>
    %get3A = arith.constant 0 : index
    %get3A_2 = arith.constant 0 : index
    %get3A_3 = vector.load %arg2[%get3A, %get3A_2] : memref<512x256xf32, #tpu.memory_space<vmem>>, vector<512x256xf32>
    %get3A_4 = arith.constant 0 : index
    %get3A_5 = arith.constant 0 : index
    %get3A_6 = vector.load %arg6[%get3A_4, %get3A_5] : memref<512x128xf32, #tpu.memory_space<vmem>>, vector<512x128xf32>
    %get3A_7 = arith.constant 0 : index
    %get3A_8 = arith.constant 0 : index
    %get3A_9 = vector.load %arg7[%get3A_7, %get3A_8] : memref<512x128xi32, #tpu.memory_space<vmem>>, vector<512x128xi32>
    %get3A_10 = arith.constant 0 : index
    %get3A_11 = arith.constant 0 : index
    %get3A_12 = vector.load %arg3[%get3A_10, %get3A_11] : memref<1024x256xf32, #tpu.memory_space<vmem>>, vector<256x256xf32>
    %dot_general3A = arith.constant dense<0.000000e+00> : vector<512x256xf32>
    %dot_general3A_13 = tpu.matmul %get3A_3, %get3A_12, %dot_general3A {dimension_numbers = #tpu.dot_dimension_numbers<[1], [1], [0], [0], [0, 0, 1, 0], [], []>, transpose_lhs_hint = false} : vector<512x256xf32>, vector<256x256xf32>, vector<512x256xf32> -> vector<512x256xf32>
    %mul3A = arith.constant -2.000000e+00 : f32
    %mul3A_14 = vector.broadcast %mul3A : f32 to vector<512x256xf32>
    %mul3A_15 = arith.mulf %mul3A_14, %dot_general3A_13 : vector<512x256xf32>
    %get3A_16 = arith.constant 0 : index
    %get3A_17 = arith.constant 0 : index
    %get3A_18 = arith.constant 0 : index
    %get3A_19 = vector.load %arg4[%get3A_16, %get3A_17, %get3A_18] : memref<8x8x128xf32, #tpu.memory_space<vmem>>, vector<1x8x128xf32>
    %get3A_20 = vector.shape_cast %get3A_19 : vector<1x8x128xf32> to vector<8x128xf32>
    %slice3A = vector.extract_strided_slice %mul3A_15 {offsets = [0, 0], sizes = [512, 128], strides = [1, 1]} : vector<512x256xf32> to vector<512x128xf32>
    %reshape3A = vector.shape_cast %slice3A : vector<512x128xf32> to vector<64x8x128xf32>
    %broadcast_in_dim3A = vector.shape_cast %get3A_20 : vector<8x128xf32> to vector<1x8x128xf32>
    %add3A = vector.broadcast %broadcast_in_dim3A : vector<1x8x128xf32> to vector<64x8x128xf32>
    %add3A_21 = arith.addf %reshape3A, %add3A : vector<64x8x128xf32>
    %reshape3A_22 = vector.shape_cast %add3A_21 : vector<64x8x128xf32> to vector<512x128xf32>
    %mul3A_23 = arith.constant 1024 : i32
    %mul3A_24 = arith.muli %arg1, %mul3A_23 : i32
    %add3A_25 = arith.constant 0 : i32
    %add3A_26 = arith.addi %mul3A_24, %add3A_25 : i32
    %add3A_27 = vector.broadcast %add3A_26 : i32 to vector<512x128xi32>
    %add3A_28 = arith.addi %iota3A, %add3A_27 : vector<512x128xi32>
    %lt3A = arith.cmpf olt, %reshape3A_22, %get3A_6 : vector<512x128xf32>
    %min3A = arith.minimumf %get3A_6, %reshape3A_22 : vector<512x128xf32>
    %select_n3A = arith.select %lt3A, %add3A_28, %get3A_9 : vector<512x128xi1>, vector<512x128xi32>
    %get3A_29 = arith.constant 1 : index
    %get3A_30 = arith.constant 0 : index
    %get3A_31 = arith.constant 0 : index
    %get3A_32 = vector.load %arg4[%get3A_29, %get3A_30, %get3A_31] : memref<8x8x128xf32, #tpu.memory_space<vmem>>, vector<1x8x128xf32>
    %get3A_33 = vector.shape_cast %get3A_32 : vector<1x8x128xf32> to vector<8x128xf32>
    %slice3A_34 = vector.extract_strided_slice %mul3A_15 {offsets = [0, 128], sizes = [512, 128], strides = [1, 1]} : vector<512x256xf32> to vector<512x128xf32>
    %reshape3A_35 = vector.shape_cast %slice3A_34 : vector<512x128xf32> to vector<64x8x128xf32>
    %broadcast_in_dim3A_36 = vector.shape_cast %get3A_33 : vector<8x128xf32> to vector<1x8x128xf32>
    %add3A_37 = vector.broadcast %broadcast_in_dim3A_36 : vector<1x8x128xf32> to vector<64x8x128xf32>
    %add3A_38 = arith.addf %reshape3A_35, %add3A_37 : vector<64x8x128xf32>
    %reshape3A_39 = vector.shape_cast %add3A_38 : vector<64x8x128xf32> to vector<512x128xf32>
    %mul3A_40 = arith.constant 1024 : i32
    %mul3A_41 = arith.muli %arg1, %mul3A_40 : i32
    %add3A_42 = arith.constant 128 : i32
    %add3A_43 = arith.addi %mul3A_41, %add3A_42 : i32
    %add3A_44 = vector.broadcast %add3A_43 : i32 to vector<512x128xi32>
    %add3A_45 = arith.addi %iota3A, %add3A_44 : vector<512x128xi32>
    %lt3A_46 = arith.cmpf olt, %reshape3A_39, %min3A : vector<512x128xf32>
    %min3A_47 = arith.minimumf %min3A, %reshape3A_39 : vector<512x128xf32>
    %select_n3A_48 = arith.select %lt3A_46, %add3A_45, %select_n3A : vector<512x128xi1>, vector<512x128xi32>
    %get3A_49 = arith.constant 256 : index
    %get3A_50 = arith.constant 0 : index
    %get3A_51 = vector.load %arg3[%get3A_49, %get3A_50] : memref<1024x256xf32, #tpu.memory_space<vmem>>, vector<256x256xf32>
    %dot_general3A_52 = arith.constant dense<0.000000e+00> : vector<512x256xf32>
    %dot_general3A_53 = tpu.matmul %get3A_3, %get3A_51, %dot_general3A_52 {dimension_numbers = #tpu.dot_dimension_numbers<[1], [1], [0], [0], [0, 0, 1, 0], [], []>, transpose_lhs_hint = false} : vector<512x256xf32>, vector<256x256xf32>, vector<512x256xf32> -> vector<512x256xf32>
    %mul3A_54 = arith.constant -2.000000e+00 : f32
    %mul3A_55 = vector.broadcast %mul3A_54 : f32 to vector<512x256xf32>
    %mul3A_56 = arith.mulf %mul3A_55, %dot_general3A_53 : vector<512x256xf32>
    %get3A_57 = arith.constant 2 : index
    %get3A_58 = arith.constant 0 : index
    %get3A_59 = arith.constant 0 : index
    %get3A_60 = vector.load %arg4[%get3A_57, %get3A_58, %get3A_59] : memref<8x8x128xf32, #tpu.memory_space<vmem>>, vector<1x8x128xf32>
    %get3A_61 = vector.shape_cast %get3A_60 : vector<1x8x128xf32> to vector<8x128xf32>
    %slice3A_62 = vector.extract_strided_slice %mul3A_56 {offsets = [0, 0], sizes = [512, 128], strides = [1, 1]} : vector<512x256xf32> to vector<512x128xf32>
    %reshape3A_63 = vector.shape_cast %slice3A_62 : vector<512x128xf32> to vector<64x8x128xf32>
    %broadcast_in_dim3A_64 = vector.shape_cast %get3A_61 : vector<8x128xf32> to vector<1x8x128xf32>
    %add3A_65 = vector.broadcast %broadcast_in_dim3A_64 : vector<1x8x128xf32> to vector<64x8x128xf32>
    %add3A_66 = arith.addf %reshape3A_63, %add3A_65 : vector<64x8x128xf32>
    %reshape3A_67 = vector.shape_cast %add3A_66 : vector<64x8x128xf32> to vector<512x128xf32>
    %mul3A_68 = arith.constant 1024 : i32
    %mul3A_69 = arith.muli %arg1, %mul3A_68 : i32
    %add3A_70 = arith.constant 256 : i32
    %add3A_71 = arith.addi %mul3A_69, %add3A_70 : i32
    %add3A_72 = vector.broadcast %add3A_71 : i32 to vector<512x128xi32>
    %add3A_73 = arith.addi %iota3A, %add3A_72 : vector<512x128xi32>
    %lt3A_74 = arith.cmpf olt, %reshape3A_67, %min3A_47 : vector<512x128xf32>
    %min3A_75 = arith.minimumf %min3A_47, %reshape3A_67 : vector<512x128xf32>
    %select_n3A_76 = arith.select %lt3A_74, %add3A_73, %select_n3A_48 : vector<512x128xi1>, vector<512x128xi32>
    %get3A_77 = arith.constant 3 : index
    %get3A_78 = arith.constant 0 : index
    %get3A_79 = arith.constant 0 : index
    %get3A_80 = vector.load %arg4[%get3A_77, %get3A_78, %get3A_79] : memref<8x8x128xf32, #tpu.memory_space<vmem>>, vector<1x8x128xf32>
    %get3A_81 = vector.shape_cast %get3A_80 : vector<1x8x128xf32> to vector<8x128xf32>
    %slice3A_82 = vector.extract_strided_slice %mul3A_56 {offsets = [0, 128], sizes = [512, 128], strides = [1, 1]} : vector<512x256xf32> to vector<512x128xf32>
    %reshape3A_83 = vector.shape_cast %slice3A_82 : vector<512x128xf32> to vector<64x8x128xf32>
    %broadcast_in_dim3A_84 = vector.shape_cast %get3A_81 : vector<8x128xf32> to vector<1x8x128xf32>
    %add3A_85 = vector.broadcast %broadcast_in_dim3A_84 : vector<1x8x128xf32> to vector<64x8x128xf32>
    %add3A_86 = arith.addf %reshape3A_83, %add3A_85 : vector<64x8x128xf32>
    %reshape3A_87 = vector.shape_cast %add3A_86 : vector<64x8x128xf32> to vector<512x128xf32>
    %mul3A_88 = arith.constant 1024 : i32
    %mul3A_89 = arith.muli %arg1, %mul3A_88 : i32
    %add3A_90 = arith.constant 384 : i32
    %add3A_91 = arith.addi %mul3A_89, %add3A_90 : i32
    %add3A_92 = vector.broadcast %add3A_91 : i32 to vector<512x128xi32>
    %add3A_93 = arith.addi %iota3A, %add3A_92 : vector<512x128xi32>
    %lt3A_94 = arith.cmpf olt, %reshape3A_87, %min3A_75 : vector<512x128xf32>
    %min3A_95 = arith.minimumf %min3A_75, %reshape3A_87 : vector<512x128xf32>
    %select_n3A_96 = arith.select %lt3A_94, %add3A_93, %select_n3A_76 : vector<512x128xi1>, vector<512x128xi32>
    %get3A_97 = arith.constant 512 : index
    %get3A_98 = arith.constant 0 : index
    %get3A_99 = vector.load %arg3[%get3A_97, %get3A_98] : memref<1024x256xf32, #tpu.memory_space<vmem>>, vector<256x256xf32>
    %dot_general3A_100 = arith.constant dense<0.000000e+00> : vector<512x256xf32>
    %dot_general3A_101 = tpu.matmul %get3A_3, %get3A_99, %dot_general3A_100 {dimension_numbers = #tpu.dot_dimension_numbers<[1], [1], [0], [0], [0, 0, 1, 0], [], []>, transpose_lhs_hint = false} : vector<512x256xf32>, vector<256x256xf32>, vector<512x256xf32> -> vector<512x256xf32>
    %mul3A_102 = arith.constant -2.000000e+00 : f32
    %mul3A_103 = vector.broadcast %mul3A_102 : f32 to vector<512x256xf32>
    %mul3A_104 = arith.mulf %mul3A_103, %dot_general3A_101 : vector<512x256xf32>
    %get3A_105 = arith.constant 4 : index
    %get3A_106 = arith.constant 0 : index
    %get3A_107 = arith.constant 0 : index
    %get3A_108 = vector.load %arg4[%get3A_105, %get3A_106, %get3A_107] : memref<8x8x128xf32, #tpu.memory_space<vmem>>, vector<1x8x128xf32>
    %get3A_109 = vector.shape_cast %get3A_108 : vector<1x8x128xf32> to vector<8x128xf32>
    %slice3A_110 = vector.extract_strided_slice %mul3A_104 {offsets = [0, 0], sizes = [512, 128], strides = [1, 1]} : vector<512x256xf32> to vector<512x128xf32>
    %reshape3A_111 = vector.shape_cast %slice3A_110 : vector<512x128xf32> to vector<64x8x128xf32>
    %broadcast_in_dim3A_112 = vector.shape_cast %get3A_109 : vector<8x128xf32> to vector<1x8x128xf32>
    %add3A_113 = vector.broadcast %broadcast_in_dim3A_112 : vector<1x8x128xf32> to vector<64x8x128xf32>
    %add3A_114 = arith.addf %reshape3A_111, %add3A_113 : vector<64x8x128xf32>
    %reshape3A_115 = vector.shape_cast %add3A_114 : vector<64x8x128xf32> to vector<512x128xf32>
    %mul3A_116 = arith.constant 1024 : i32
    %mul3A_117 = arith.muli %arg1, %mul3A_116 : i32
    %add3A_118 = arith.constant 512 : i32
    %add3A_119 = arith.addi %mul3A_117, %add3A_118 : i32
    %add3A_120 = vector.broadcast %add3A_119 : i32 to vector<512x128xi32>
    %add3A_121 = arith.addi %iota3A, %add3A_120 : vector<512x128xi32>
    %lt3A_122 = arith.cmpf olt, %reshape3A_115, %min3A_95 : vector<512x128xf32>
    %min3A_123 = arith.minimumf %min3A_95, %reshape3A_115 : vector<512x128xf32>
    %select_n3A_124 = arith.select %lt3A_122, %add3A_121, %select_n3A_96 : vector<512x128xi1>, vector<512x128xi32>
    %get3A_125 = arith.constant 5 : index
    %get3A_126 = arith.constant 0 : index
    %get3A_127 = arith.constant 0 : index
    %get3A_128 = vector.load %arg4[%get3A_125, %get3A_126, %get3A_127] : memref<8x8x128xf32, #tpu.memory_space<vmem>>, vector<1x8x128xf32>
    %get3A_129 = vector.shape_cast %get3A_128 : vector<1x8x128xf32> to vector<8x128xf32>
    %slice3A_130 = vector.extract_strided_slice %mul3A_104 {offsets = [0, 128], sizes = [512, 128], strides = [1, 1]} : vector<512x256xf32> to vector<512x128xf32>
    %reshape3A_131 = vector.shape_cast %slice3A_130 : vector<512x128xf32> to vector<64x8x128xf32>
    %broadcast_in_dim3A_132 = vector.shape_cast %get3A_129 : vector<8x128xf32> to vector<1x8x128xf32>
    %add3A_133 = vector.broadcast %broadcast_in_dim3A_132 : vector<1x8x128xf32> to vector<64x8x128xf32>
    %add3A_134 = arith.addf %reshape3A_131, %add3A_133 : vector<64x8x128xf32>
    %reshape3A_135 = vector.shape_cast %add3A_134 : vector<64x8x128xf32> to vector<512x128xf32>
    %mul3A_136 = arith.constant 1024 : i32
    %mul3A_137 = arith.muli %arg1, %mul3A_136 : i32
    %add3A_138 = arith.constant 640 : i32
    %add3A_139 = arith.addi %mul3A_137, %add3A_138 : i32
    %add3A_140 = vector.broadcast %add3A_139 : i32 to vector<512x128xi32>
    %add3A_141 = arith.addi %iota3A, %add3A_140 : vector<512x128xi32>
    %lt3A_142 = arith.cmpf olt, %reshape3A_135, %min3A_123 : vector<512x128xf32>
    %min3A_143 = arith.minimumf %min3A_123, %reshape3A_135 : vector<512x128xf32>
    %select_n3A_144 = arith.select %lt3A_142, %add3A_141, %select_n3A_124 : vector<512x128xi1>, vector<512x128xi32>
    %get3A_145 = arith.constant 768 : index
    %get3A_146 = arith.constant 0 : index
    %get3A_147 = vector.load %arg3[%get3A_145, %get3A_146] : memref<1024x256xf32, #tpu.memory_space<vmem>>, vector<256x256xf32>
    %dot_general3A_148 = arith.constant dense<0.000000e+00> : vector<512x256xf32>
    %dot_general3A_149 = tpu.matmul %get3A_3, %get3A_147, %dot_general3A_148 {dimension_numbers = #tpu.dot_dimension_numbers<[1], [1], [0], [0], [0, 0, 1, 0], [], []>, transpose_lhs_hint = false} : vector<512x256xf32>, vector<256x256xf32>, vector<512x256xf32> -> vector<512x256xf32>
    %mul3A_150 = arith.constant -2.000000e+00 : f32
    %mul3A_151 = vector.broadcast %mul3A_150 : f32 to vector<512x256xf32>
    %mul3A_152 = arith.mulf %mul3A_151, %dot_general3A_149 : vector<512x256xf32>
    %get3A_153 = arith.constant 6 : index
    %get3A_154 = arith.constant 0 : index
    %get3A_155 = arith.constant 0 : index
    %get3A_156 = vector.load %arg4[%get3A_153, %get3A_154, %get3A_155] : memref<8x8x128xf32, #tpu.memory_space<vmem>>, vector<1x8x128xf32>
    %get3A_157 = vector.shape_cast %get3A_156 : vector<1x8x128xf32> to vector<8x128xf32>
    %slice3A_158 = vector.extract_strided_slice %mul3A_152 {offsets = [0, 0], sizes = [512, 128], strides = [1, 1]} : vector<512x256xf32> to vector<512x128xf32>
    %reshape3A_159 = vector.shape_cast %slice3A_158 : vector<512x128xf32> to vector<64x8x128xf32>
    %broadcast_in_dim3A_160 = vector.shape_cast %get3A_157 : vector<8x128xf32> to vector<1x8x128xf32>
    %add3A_161 = vector.broadcast %broadcast_in_dim3A_160 : vector<1x8x128xf32> to vector<64x8x128xf32>
    %add3A_162 = arith.addf %reshape3A_159, %add3A_161 : vector<64x8x128xf32>
    %reshape3A_163 = vector.shape_cast %add3A_162 : vector<64x8x128xf32> to vector<512x128xf32>
    %mul3A_164 = arith.constant 1024 : i32
    %mul3A_165 = arith.muli %arg1, %mul3A_164 : i32
    %add3A_166 = arith.constant 768 : i32
    %add3A_167 = arith.addi %mul3A_165, %add3A_166 : i32
    %add3A_168 = vector.broadcast %add3A_167 : i32 to vector<512x128xi32>
    %add3A_169 = arith.addi %iota3A, %add3A_168 : vector<512x128xi32>
    %lt3A_170 = arith.cmpf olt, %reshape3A_163, %min3A_143 : vector<512x128xf32>
    %min3A_171 = arith.minimumf %min3A_143, %reshape3A_163 : vector<512x128xf32>
    %select_n3A_172 = arith.select %lt3A_170, %add3A_169, %select_n3A_144 : vector<512x128xi1>, vector<512x128xi32>
    %get3A_173 = arith.constant 7 : index
    %get3A_174 = arith.constant 0 : index
    %get3A_175 = arith.constant 0 : index
    %get3A_176 = vector.load %arg4[%get3A_173, %get3A_174, %get3A_175] : memref<8x8x128xf32, #tpu.memory_space<vmem>>, vector<1x8x128xf32>
    %get3A_177 = vector.shape_cast %get3A_176 : vector<1x8x128xf32> to vector<8x128xf32>
    %slice3A_178 = vector.extract_strided_slice %mul3A_152 {offsets = [0, 128], sizes = [512, 128], strides = [1, 1]} : vector<512x256xf32> to vector<512x128xf32>
    %reshape3A_179 = vector.shape_cast %slice3A_178 : vector<512x128xf32> to vector<64x8x128xf32>
    %broadcast_in_dim3A_180 = vector.shape_cast %get3A_177 : vector<8x128xf32> to vector<1x8x128xf32>
    %add3A_181 = vector.broadcast %broadcast_in_dim3A_180 : vector<1x8x128xf32> to vector<64x8x128xf32>
    %add3A_182 = arith.addf %reshape3A_179, %add3A_181 : vector<64x8x128xf32>
    %reshape3A_183 = vector.shape_cast %add3A_182 : vector<64x8x128xf32> to vector<512x128xf32>
    %mul3A_184 = arith.constant 1024 : i32
    %mul3A_185 = arith.muli %arg1, %mul3A_184 : i32
    %add3A_186 = arith.constant 896 : i32
    %add3A_187 = arith.addi %mul3A_185, %add3A_186 : i32
    %add3A_188 = vector.broadcast %add3A_187 : i32 to vector<512x128xi32>
    %add3A_189 = arith.addi %iota3A, %add3A_188 : vector<512x128xi32>
    %lt3A_190 = arith.cmpf olt, %reshape3A_183, %min3A_171 : vector<512x128xf32>
    %min3A_191 = arith.minimumf %min3A_171, %reshape3A_183 : vector<512x128xf32>
    %select_n3A_192 = arith.select %lt3A_190, %add3A_189, %select_n3A_172 : vector<512x128xi1>, vector<512x128xi32>
    %swap3A = arith.constant 0 : index
    %swap3A_193 = arith.constant 0 : index
    %swap3A_194 = vector.load %arg6[%swap3A, %swap3A_193] : memref<512x128xf32, #tpu.memory_space<vmem>>, vector<512x128xf32>
    tpu.vector_store %arg6[%swap3A, %swap3A_193], %min3A_191 {strides = array<i32>} : memref<512x128xf32, #tpu.memory_space<vmem>>, vector<512x128xf32>,
    %swap3A_195 = arith.constant 0 : index
    %swap3A_196 = arith.constant 0 : index
    %swap3A_197 = vector.load %arg7[%swap3A_195, %swap3A_196] : memref<512x128xi32, #tpu.memory_space<vmem>>, vector<512x128xi32>
    tpu.vector_store %arg7[%swap3A_195, %swap3A_196], %select_n3A_192 {strides = array<i32>} : memref<512x128xi32, #tpu.memory_space<vmem>>, vector<512x128xi32>,
    %eq3A_198 = arith.constant 7 : i32
    %eq3A_199 = arith.cmpi eq, %arg1, %eq3A_198 : i32
    %convert_element_type3A_200 = arith.extui %eq3A_199 : i1 to i32
    %cond3A_201 = arith.constant 0 : i32
    %cond3A_202 = arith.cmpi ne, %convert_element_type3A_200, %cond3A_201 : i32
    scf.if %cond3A_202 {
      %get3A_203 = arith.constant 0 : index
      %get3A_204 = arith.constant 0 : index
      %get3A_205 = vector.load %arg6[%get3A_203, %get3A_204] : memref<512x128xf32, #tpu.memory_space<vmem>>, vector<512x128xf32>
      %get3A_206 = arith.constant 0 : index
      %get3A_207 = arith.constant 0 : index
      %get3A_208 = vector.load %arg7[%get3A_206, %get3A_207] : memref<512x128xi32, #tpu.memory_space<vmem>>, vector<512x128xi32>
      %reduce_min3A = arith.constant dense<0x7F800000> : vector<512xf32>
      %reduce_min3A_209 = vector.multi_reduction <minimumf>, %get3A_205, %reduce_min3A [1] : vector<512x128xf32> to vector<512xf32>
      %broadcast_in_dim3A_210 = vector.shape_cast %reduce_min3A_209 : vector<512xf32> to vector<512x1xf32>
      %eq3A_211 = vector.broadcast %broadcast_in_dim3A_210 : vector<512x1xf32> to vector<512x128xf32>
      %eq3A_212 = arith.cmpf oeq, %get3A_205, %eq3A_211 : vector<512x128xf32>
      %jit3A = arith.constant 8192 : i32
      %broadcast_in_dim3A_213 = vector.broadcast %jit3A : i32 to vector<512x128xi32>
      %select_n3A_214 = arith.select %eq3A_212, %get3A_208, %broadcast_in_dim3A_213 : vector<512x128xi1>, vector<512x128xi32>
      %reduce_min3A_215 = arith.constant dense<2147483647> : vector<512xi32>
      %reduce_min3A_216 = vector.multi_reduction <minsi>, %select_n3A_214, %reduce_min3A_215 [1] : vector<512x128xi32> to vector<512xi32>
      %swap3A_217 = arith.constant 0 : index
      %swap3A_218 = vector.load %arg5[%swap3A_217] : memref<512xi32, #tpu.memory_space<vmem>>, vector<512xi32>
      tpu.vector_store %arg5[%swap3A_217], %reduce_min3A_216 {strides = array<i32>} : memref<512xi32, #tpu.memory_space<vmem>>, vector<512xi32>,
    } else {
    }
    return
  }
  func.func @transform_0(%arg0: i32, %arg1: i32) -> (i32, i32) {
    %c0_i32 = arith.constant 0 : i32
    %c0_i32_0 = arith.constant 0 : i32
    return %arg0, %c0_i32 : i32, i32
  }
  func.func @transform_1(%arg0: i32, %arg1: i32) -> (i32, i32) {
    %c0_i32 = arith.constant 0 : i32
    %c0_i32_0 = arith.constant 0 : i32
    return %arg1, %c0_i32 : i32, i32
  }
  func.func @transform_2(%arg0: i32, %arg1: i32) -> (i32, i32, i32) {
    %c0_i32 = arith.constant 0 : i32
    %c0_i32_0 = arith.constant 0 : i32
    %c0_i32_1 = arith.constant 0 : i32
    return %arg1, %c0_i32, %c0_i32_0 : i32, i32, i32
  }
  func.func @transform_3(%arg0: i32, %arg1: i32) -> i32 {
    %c0_i32 = arith.constant 0 : i32
    return %arg0 : i32
  }
}

</mosaic_0001>

<sc_bundles>
// kernel: kernel.11.cloned.1.call-start
scs
__scs_entry_jumppad:
0x0: {  	(pc) =	sbr.rel $0x88, $3  }
0x1: {  	(tag) =	ssettag $0x0;
	lr =	simm.s32 $0x1  }
0x2: {  	[smem:$0x3F9D] =	sst lr;
	_ =	strace $0xD0000000  }
0x3: {  	_ = 	snop  }
0x4: {  	_ = 	snop  }
0x5: {  	_ = 	snop  }
0x6: {  	_ = 	snop  }
0x7: {  	_ = 	snop  }
__scs_overlays_trampoline_lowered:
0x8: {  	[smem:$0x3FAC] =	sst s0  }
0x9: {  	[smem:$0x3FAD] =	sst s1  }
0xa: {  	[smem:$0x3FAE] =	sst s2  }
0xb: {  	[smem:$0x3FAF] =	sst s3  }
0xc: {  	[smem:$0x3FB0] =	sst s4  }
0xd: {  	[smem:$0x3FB1] =	sst s5  }
0xe: {  	[smem:$0x3FB2] =	sst s6  }
0xf: {  	[smem:$0x3FB3] =	sst s7  }
0x10: {  	[smem:$0x3FB4] =	sst s8  }
0x11: {  	[smem:$0x3FB5] =	sst s9;
	s0 =	simm.s32 @!p0 $0x0  }
0x12: {  	s1 =	sld [smem:$0x3F9B];
	s0 =	simm.s32 @p0 $0x1  }
0x13: {  	[smem:$0x3FB6] =	sst s0;
	s0 =	simm.s32 @!p1 $0x0  }
0x14: {  	s2 =	sld [smem:$0x3F9A];
	s0 =	simm.s32 @p1 $0x1  }
0x15: {  	[smem:$0x3FB7] =	sst s0;
	s0 =	simm.s32 @!p2 $0x0  }
0x16: {  	s3 =	sld [smem:$0x3FDB];
	s0 =	simm.s32 @p2 $0x1  }
0x17: {  	s4 =	simm.s32 $0x1BF5;
	[smem:$0x3FB9] =	sst s0  }
0x18: {  	s0 =	sld [smem:$0x3F9C];
	_ =	swait.ge [sflag:s4], $0x0  }
0x19: {  	s7 =	sld [smem:$0x3F9D]  }
0x1a: {  	s8 =	sadd.s32 $0xFFFFE003, lr  }
0x1b: {  	s9 =	sadd.s32 $0xFFFFFEF7, lr;
	s5 =	simm.s32 $0xFFFFFFFF;
	p2 =	slt.u32 s8, $0xFFFFF086  }
0x1c: {  	p1 =	slt.u32 s9, $0xF7A;
	s5 =	simm.s32 @!p2 $0x0  }
0x1d: {  	s5 =	simm.s32 @p1 $0x1;
	p0 =	seq.s32 s7, s2  }
0x1e: {  	s7 =	smul.u32 @!p0 $0xF7A, s2;
	p2 =	seq.s32 @!p0 s5, $0x0  }
0x1f: {  	s9 =	smul.u32 $0xF7A, s1;
	s8 =	simm.s32 @!p0 $0x1BF5;
	p2 =	por !p2, p0  }
0x20: {  	[sflag:s8] =	ssyncset.s32 @!p0 $0xFFFFF086;
	s6 =	sadd.s32 @!p0 s3, s7;
	s7 =	simm.s32 @!p0 $0x108  }
0x21: {  	s3 =	sadd.s32 s3, s9;
	s6 =	sadd.s32 @!p0 $0x88, s6;
	s7 =	simm.s32 @p2 $0x1082  }
0x22: {  	[simem:s7], [sflag:s8] =	dma.local @!p0 [hbm:s6], $0xF7A  }
0x23: {  	s9 =	sor.u32 $0xD0000000, s2;
	s6 =	simm.s32 $0x108;
	_ =	swait.ge @!p0 [sflag:s8], $0x0  }
0x24: {  	s3 =	sadd.s32 $0x88, s3;
	s6 =	simm.s32 @!p1 $0x1082;
	[sflag:s4] =	ssyncset.s32 $0xFFFFF086  }
0x25: {  	[simem:s6], [sflag:s4] =	dma.local [hbm:s3], $0xF7A  }
0x26: {  	[smem:$0x3F9D] =	sst s1;
	(tag) =	ssettag s2;
	_ =	strace s9  }
0x27: {  	s1 =	sld [smem:$0x3FAD]  }
0x28: {  	s2 =	sld [smem:$0x3FAE]  }
0x29: {  	s4 =	sld [smem:$0x3FB0]  }
0x2a: {  	p0 =	seq.s32 s5, $0x0;
	s5 =	sld [smem:$0x3FB1]  }
0x2b: {  	s6 =	sld [smem:$0x3FB2]  }
0x2c: {  	s7 =	sld [smem:$0x3FB3]  }
0x2d: {  	s3 =	simm.s32 $0x108;
	s8 =	sld [smem:$0x3FB4]  }
0x2e: {  	s3 =	simm.s32 @!p0 $0x1082;
	s9 =	sld [smem:$0x3FB5]  }
0x2f: {  	lr =	sadd.s32 s0, s3;
	s0 =	sld [smem:$0x3FAC]  }
0x30: {  	s3 =	sld [smem:$0x3FAF]  }
0x31: {  	[smem:$0x3FB8] =	sst s10  }
0x32: {  	s10 =	sld [smem:$0x3FB6];
	_ =	sdelay $0x3  }
0x33: {  	p0 =	seq.s32 s10, $0x1;
	s10 =	sld [smem:$0x3FB8];
	_ =	sdelay $0x3  }
0x34: {  	[smem:$0x3FB8] =	sst s10  }
0x35: {  	s10 =	sld [smem:$0x3FB7];
	_ =	sdelay $0x3  }
0x36: {  	p1 =	seq.s32 s10, $0x1;
	s10 =	sld [smem:$0x3FB8];
	_ =	sdelay $0x3  }
0x37: {  	[smem:$0x3FB8] =	sst s10  }
0x38: {  	s10 =	sld [smem:$0x3FB9]  }
0x39: {  	_ = 	snop;
	(pc) =	sbr.ind lr, $3  }
0x3a: {  	_ = 	snop  }
0x3b: {  	_ = 	snop  }
0x3c: {  	p2 =	seq.s32 s10, $0x1;
	s10 =	sld [smem:$0x3FB8]  }
0x3d: {  	_ =	shalt  }
0x3e: {  	_ =	shalt  }
0x3f: {  	_ =	shalt  }
0x40: {  	_ =	shalt  }
0x41: {  	_ =	shalt  }
0x42: {  	_ =	shalt  }
0x43: {  	_ =	shalt  }
0x44: {  	_ =	shalt  }
0x45: {  	_ =	shalt  }
0x46: {  	_ =	shalt  }
0x47: {  	_ =	shalt  }
0x48: {  	_ =	shalt  }
0x49: {  	_ =	shalt  }
0x4a: {  	_ =	shalt  }
0x4b: {  	_ =	shalt  }
0x4c: {  	_ =	shalt  }
0x4d: {  	_ =	shalt  }
0x4e: {  	_ =	shalt  }
0x4f: {  	_ =	shalt  }
0x50: {  	_ =	shalt  }
0x51: {  	_ =	shalt  }
0x52: {  	_ =	shalt  }
0x53: {  	_ =	shalt  }
0x54: {  	_ =	shalt  }
0x55: {  	_ =	shalt  }
0x56: {  	_ =	shalt  }
0x57: {  	_ =	shalt  }
0x58: {  	_ =	shalt  }
0x59: {  	_ =	shalt  }
0x5a: {  	_ =	shalt  }
0x5b: {  	_ =	shalt  }
0x5c: {  	_ =	shalt  }
0x5d: {  	_ =	shalt  }
0x5e: {  	_ =	shalt  }
0x5f: {  	_ =	shalt  }
0x60: {  	_ =	shalt  }
0x61: {  	_ =	shalt  }
0x62: {  	_ =	shalt  }
0x63: {  	_ =	shalt  }
0x64: {  	_ =	shalt  }
0x65: {  	_ =	shalt  }
0x66: {  	_ =	shalt  }
0x67: {  	_ =	shalt  }
0x68: {  	_ =	shalt  }
0x69: {  	_ =	shalt  }
0x6a: {  	_ =	shalt  }
0x6b: {  	_ =	shalt  }
0x6c: {  	_ =	shalt  }
0x6d: {  	_ =	shalt  }
0x6e: {  	_ =	shalt  }
0x6f: {  	_ =	shalt  }
0x70: {  	_ =	shalt  }
0x71: {  	_ =	shalt  }
0x72: {  	_ =	shalt  }
0x73: {  	_ =	shalt  }
0x74: {  	_ =	shalt  }
0x75: {  	_ =	shalt  }
0x76: {  	_ =	shalt  }
0x77: {  	_ =	shalt  }
0x78: {  	_ =	shalt  }
0x79: {  	_ =	shalt  }
0x7a: {  	_ =	shalt  }
0x7b: {  	_ =	shalt  }
0x7c: {  	_ =	shalt  }
0x7d: {  	_ =	shalt  }
0x7e: {  	_ =	shalt  }
0x7f: {  	_ =	shalt  }
0x80: {  	_ =	shalt  }
0x81: {  	_ =	shalt  }
0x82: {  	_ =	shalt  }
0x83: {  	_ =	shalt  }
0x84: {  	_ =	shalt  }
0x85: {  	_ =	shalt  }
0x86: {  	_ =	shalt  }
0x87: {  	_ =	shalt  }
.Lfunc_end0:
.L_simem_size_0:
called_computation.1_lowered:
.L_overlay_start_0:
0x88: {  	s2 =	sld [smem:$0x3FD9]  }
0x89: {  	s3 =	sld [smem:$0x3FFE];
	_ =	sdelay $0x1  }
0x8a: {  	s1 =	srdreg.scid  }
0x8b: {  	s0 =	sand.u32 $0x1, s1  }
0x8c: {  	s14 =	sshll.u32 s0, $0xA;
	s2 =	sadd.s32 s3, s2  }
0x8d: {  	s2 =	sadd.s32 s2, s14  }
0x8e: {  	[smem:$0x3FC4] =	sst s2  }
0x8f: {  	_ = 	snop  }
0x90: {  	s2 =	sld [smem:$0x3FD0];
	_ =	sdelay $0x2  }
0x91: {  	s15 =	simm.s32 $0xB;
	s4 =	simm.s32 $0x10  }
0x92: {  	[smem:s4], [sflag:s15] =	dma.local [hbm:s2], $0x1  }
0x93: {  	_ =	swait.eq [sflag:s15], $0x1  }
0x94: {  	[sflag:s15] =	ssyncset.done $0x0  }
0x95: {  	[sflag:s15] =	ssyncadd.s32 $0xFFFFFFFF  }
0x96: {  	s16 =	sld [smem:$0x11];
	(tm) =	ssettm $0x1  }
0x97: {  	s17 =	sld [smem:$0x3FFB];
	_ =	sdelay $0x3  }
0x98: {  	_ =	strace s17  }
0x99: {  	s3 =	sld [smem:$0x3FFC];
	_ =	sdelay $0x3  }
0x9a: {  	_ =	strace s3  }
0x9b: {  	s3 =	sld [smem:$0x3FFD];
	_ =	sdelay $0x3  }
0x9c: {  	_ =	strace s3  }
0x9d: {  	_ =	strace $0x8FFFFFFF  }
0x9e: {  	s18 =	sld [smem:$0x3FDB];
	_ =	sdelay $0x1  }
0x9f: {  	s19 =	simm.s32 $_scs_section_size  }
0xa0: {  	s5 =	simm.s32 $_size__tile_overlayer_lowered;
	s6 =	simm.s32 $_tile_overlayer_lowered  }
0xa1: {  	s22 =	simm.s32 $0x1BFF;
	s21 =	sshll.u32 s6, $0x1;
	s3 =	sadd.s32 s19, s18  }
0xa2: {  	s7 =	simm.s32 $0x0;
	s20 =	sshll.u32 s5, $0x1;
	s5 =	sadd.s32 s21, s3  }
0xa3: {  	[timem:s7], [sflag:s22] =	dma.local [hbm:s5], s20  }
0xa4: {  	_ =	swait.ge [sflag:s22], s20  }
0xa5: {  	s4 =	ssub.s32 $0x0, s20;
	[sflag:s22] =	ssyncset.done $0x0  }
0xa6: {  	[sflag:s22] =	ssyncadd.s32 s4;
	_ =	sdelay $0x1  }
0xa7: {  	s23 =	simm.s32 $0x1B8B  }
0xa8: {  	_ =	swait.ge [sflag:s23], $0x1  }
0xa9: {  	[sflag:s23] =	ssyncset.done $0x0  }
0xaa: {  	s25 =	simm.s32 $0x1B8E;
	s24 =	sld [smem:$0x3FFE];
	[sflag:s23] =	ssyncadd.s32 $0xFFFFFFFF  }
0xab: {  	s26 =	simm.s32 $execute0_lowered;
	[smem:$0x3FD2] =	sst s25  }
0xac: {  	s5 =	sshll.u32 s26, $0x1;
	_ =	strace $0x80000046;
	[dreg:$0x1] =	wrdreg $0xFFFFFFFF  }
0xad: {  	s28 =	simm.s32 $_size_execute0_lowered;
	s3 =	sadd.s32 s3, s5;
	[dreg:$0x0] =	wrdreg $0x0  }
0xae: {  	s5 =	sshll.u32 s28, $0x1;
	[dreg:$0x2] =	wrdreg s3  }
0xaf: {  	[dreg:$0x3] =	wrdreg s5  }
0xb0: {  	[dreg:$0x4] =	wrdreg $0xC0  }
0xb1: {  	_ =	task [dreg:s7], $0x5FFFF  }
0xb2: {  	[dreg:$0x1] =	wrdreg $0xFFFFFFFF  }
0xb3: {  	[dreg:$0x0] =	wrdreg $0x60  }
0xb4: {  	[dreg:$0x2] =	wrdreg s16  }
0xb5: {  	[dreg:$0x3] =	wrdreg s24  }
0xb6: {  	[dreg:$0x4] =	wrdreg $0x4C000  }
0xb7: {  	[dreg:$0x5] =	wrdreg $0xA  }
0xb8: {  	_ =	task.clear_ibuf [dreg:s7], $0x6FFFF;
	_ =	strace $0x90000046  }
0xb9: {  	s29 =	simm.s32 $0xA;
	_ =	strace $0x80000048  }
0xba: {  	_ =	swait.ge [sflag:s29], $0x1  }
0xbb: {  	[sflag:s29] =	ssyncadd.s32 $0xFFFFFFFF  }
0xbc: {  	_ =	strace $0x90000048  }
0xbd: {  	_ =	sfence  }
0xbe: {  	s30 =	sld [smem:$0x0];
	_ =	sdelay $0x2  }
0xbf: {  	s31 =	sshll.u32 s1, $0xD;
	s1 =	sshrl.u32 s1, $0x2  }
0xc0: {  	s3 =	sand.u32 $0x4000, s31;
	s1 =	sadd.s32 s1, s30  }
0xc1: {  	s0 =	sor.u32 s3, s0;
	s1 =	sshll.u32 s1, $0x11  }
0xc2: {  	s0 =	sor.u32 s1, s0  }
0xc3: {  	s0 =	sadd.s32 $0x8F2B, s0  }
0xc4: {  	[sflag:s0] =	ssyncadd.remote.s32 $0x1  }
0xc5: {  	_ =	sfence.sel $0xFFFF  }
0xc6: {  	[dreg:$0x0] =	wrdreg $0xFFFFFFFF;
	(pc) =	sbr.abs _section_cstart, $3  }
0xc7: {  	[dreg:$0x1] =	wrdreg $0xFFFFFFFF  }
0xc8: {  	_ =	task.clear_ibuf [dreg:s7], $0x2FFFF;
	_ =	strace $0x9FFFFFFF  }
0xc9: {  	(tm) =	ssettm $0x7FFFFFFF  }
tec
execute0_lowered:
.L_overlay_start_1:
0x0: {  	(tag) =	ssettag $0x1  }
0x1: {  	s10 =	rddreg [dreg:$0x0]  }
0x2: {  	s3 =	rddreg [dreg:$0x1]  }
0x3: {  	s1 =	rddreg [dreg:$0x2]  }
0x4: {  	s0 =	rddreg [dreg:$0x3];
	s2 =	simm.s32 $0x0;
	s4 =	srdreg.scid  }
0x5: {  	s14 =	simm.s32 $0x800;
	s17 =	simm.s32 $0x0;
	[smem:$0x7FF] =	sst s2  }
0x6: {  	s4 =	sand.u32 $0x1, s4;
	s8 =	sadd.s32 $0x1600, s3;
	s9 =	sadd.s32 $0x21600, s3  }
0x7: {  	s3 =	stileid.u32;
	_ =	strace $0x80000047;
	s5 =	ssub.s32 $0x2, s4  }
0x8: {  	s6 =	ssub.s32 $0x0, s4;
	s30 =	sshll.u32 s3, $0x10;
	s12 =	smul.u32 $0x480, s3  }
0x9: {  	p0 =	seq.s32 s4, $0x0;
	s13 =	sshll.u32 s3, $0xD;
	s15 =	sshll.u32 s3, $0x6  }
0xa: {  	s7 =	sshrl.u32 s5, $0x1;
	s4 =	sand.u32 $0x5, s6;
	s6 =	sadd.s32 s30, s1  }
0xb: {  	s9 =	smov.u32 @p0 s8;
	s15 =	sor.u32 $0x1C01, s15;
	s11 =	ssub.s32 s5, s7  }
0xc: {  	s5 =	simm.s32 $0x5;
	s7 =	sshll.u32 s4, $0x7;
	s9 =	sadd.s32 s9, s13  }
0xd: {  	s13 =	simm.s32 $0x80;
	s16 =	sshrl.u32 s6, $0x3;
	s12 =	sadd.s32 s7, s12  }
0xe: {  	s5 =	simm.s32 @!p0 $0x9;
	s8 =	smax.u32 s11, $0x1;
	s31 =	sshrl.u32 s12, $0x3  }
0xf: {  	v0 =	vimm.f32 $1.000000000e+00;
	v1 =	vimm.f32 $0.0e+00;
	s11 =	simm.s32 $0x4800;
	s12 =	simm.s32 $0x1;
	s10 =	sadd.s32 s31, s10  }
.LBB2_1:
0x10: {  	s18 =	simm.s32 $0x0;
	s19 =	simm.s32 $0x200  }
.LBB2_2:
0x11: {  	p0 =	sne.s32 s19, $0xFE00;
	[tilespmem:s18+$0x870] =	vst v0  }
0x12: {  	[tilespmem:s18+$0x800] =	vst v0  }
0x13: {  	[tilespmem:s18+$0x810] =	vst v0  }
.Ltmp0:
0x14: {  	[tilespmem:s18+$0x820] =	vst v0;
	(pc) =	sbr.rel @p0 .LBB2_2-.Ltmp0, $4  }
0x15: {  	[tilespmem:s18+$0x830] =	vst v0  }
0x16: {  	[tilespmem:s18+$0x840] =	vst v0  }
0x17: {  	[tilespmem:s18+$0x850] =	vst v0  }
0x18: {  	[tilespmem:s18+$0x860] =	vst v0;
	s18 =	sshra.s32 s19, $0x2;
	s19 =	sadd.s32 $0x200, s19  }
0x19: {  	[tilespmem:s18+$0x870] =	vst v0  }
0x1a: {  	[tilespmem:s18+$0x800] =	vst v0  }
0x1b: {  	[tilespmem:s18+$0x810] =	vst v0  }
0x1c: {  	[tilespmem:s18+$0x820] =	vst v0  }
0x1d: {  	[tilespmem:s18+$0x830] =	vst v0  }
0x1e: {  	[tilespmem:s18+$0x840] =	vst v0  }
0x1f: {  	[tilespmem:s18+$0x850] =	vst v0  }
0x20: {  	[tilespmem:s18+$0x860] =	vst v0  }
0x21: {  	[tilespmem:$0x4800] =	vst v1  }
0x22: {  	[tilespmem:$0x4810] =	vst v1  }
0x23: {  	[tilespmem:$0x4820] =	vst v1  }
0x24: {  	[tilespmem:$0x4830] =	vst v1  }
0x25: {  	[tilespmem:$0x4840] =	vst v1  }
0x26: {  	[tilespmem:$0x4850] =	vst v1  }
0x27: {  	[tilespmem:$0x4860] =	vst v1  }
0x28: {  	[tilespmem:$0x4870] =	vst v1  }
0x29: {  	[tilespmem:$0x4880] =	vst v1  }
0x2a: {  	[tilespmem:$0x4890] =	vst v1  }
0x2b: {  	[tilespmem:$0x48A0] =	vst v1  }
0x2c: {  	[tilespmem:$0x48B0] =	vst v1  }
0x2d: {  	[tilespmem:$0x48C0] =	vst v1  }
0x2e: {  	[tilespmem:$0x48D0] =	vst v1  }
0x2f: {  	[tilespmem:$0x48E0] =	vst v1  }
0x30: {  	[tilespmem:$0x48F0] =	vst v1  }
0x31: {  	[tilespmem:$0x4900] =	vst v1  }
0x32: {  	[tilespmem:$0x4910] =	vst v1  }
0x33: {  	[tilespmem:$0x4920] =	vst v1  }
0x34: {  	[tilespmem:$0x4930] =	vst v1  }
0x35: {  	[tilespmem:$0x4940] =	vst v1  }
0x36: {  	[tilespmem:$0x4950] =	vst v1  }
0x37: {  	[tilespmem:$0x4960] =	vst v1  }
0x38: {  	[tilespmem:$0x4970] =	vst v1  }
0x39: {  	[tilespmem:$0x4980] =	vst v1  }
0x3a: {  	[tilespmem:$0x4990] =	vst v1  }
0x3b: {  	[tilespmem:$0x49A0] =	vst v1  }
0x3c: {  	[tilespmem:$0x49B0] =	vst v1  }
0x3d: {  	[tilespmem:$0x49C0] =	vst v1  }
0x3e: {  	[tilespmem:$0x49D0] =	vst v1  }
0x3f: {  	[tilespmem:$0x49E0] =	vst v1  }
0x40: {  	[tilespmem:$0x49F0] =	vst v1  }
0x41: {  	[tilespmem:$0x4A00] =	vst v1  }
0x42: {  	[tilespmem:$0x4A10] =	vst v1  }
0x43: {  	[tilespmem:$0x4A20] =	vst v1  }
0x44: {  	[tilespmem:$0x4A30] =	vst v1  }
0x45: {  	[tilespmem:$0x4A40] =	vst v1  }
0x46: {  	[tilespmem:$0x4A50] =	vst v1  }
0x47: {  	[tilespmem:$0x4A60] =	vst v1  }
0x48: {  	[tilespmem:$0x4A70] =	vst v1  }
0x49: {  	[tilespmem:$0x4A80] =	vst v1  }
0x4a: {  	[tilespmem:$0x4A90] =	vst v1  }
0x4b: {  	[tilespmem:$0x4AA0] =	vst v1  }
0x4c: {  	[tilespmem:$0x4AB0] =	vst v1  }
0x4d: {  	[tilespmem:$0x4AC0] =	vst v1  }
0x4e: {  	[tilespmem:$0x4AD0] =	vst v1  }
0x4f: {  	[tilespmem:$0x4AE0] =	vst v1  }
0x50: {  	[tilespmem:$0x4AF0] =	vst v1  }
0x51: {  	[tilespmem:$0x4B00] =	vst v1  }
0x52: {  	[tilespmem:$0x4B10] =	vst v1  }
0x53: {  	[tilespmem:$0x4B20] =	vst v1  }
0x54: {  	[tilespmem:$0x4B30] =	vst v1  }
0x55: {  	[tilespmem:$0x4B40] =	vst v1  }
0x56: {  	[tilespmem:$0x4B50] =	vst v1  }
0x57: {  	[tilespmem:$0x4B60] =	vst v1  }
0x58: {  	[tilespmem:$0x4B70] =	vst v1  }
0x59: {  	[tilespmem:$0x4B80] =	vst v1  }
0x5a: {  	[tilespmem:$0x4B90] =	vst v1  }
0x5b: {  	[tilespmem:$0x4BA0] =	vst v1  }
0x5c: {  	[tilespmem:$0x4BB0] =	vst v1  }
0x5d: {  	[tilespmem:$0x4BC0] =	vst v1  }
0x5e: {  	[tilespmem:$0x4BD0] =	vst v1  }
0x5f: {  	[tilespmem:$0x4BE0] =	vst v1  }
0x60: {  	s31 =	sadd.s32 $0x0, s6;
	[tilespmem:$0x4BF0] =	vst v1  }
0x61: {  	[spmem:s31] =	stream.linear.scatter [tilespmem:s11], [sflag:$0x1], $0x400, $0x38;
	[tilespmem:$0x14C00] =	vst v63  }
0x62: {  	s18 =	simm.s32 $0x1000;
	_ =	swait.ge [sflag:s12], $0x400  }
.LBB2_4:
0x63: {  	s19 =	sshra.s32 s18, $0x2;
	[sflag:s12] =	ssyncset.done $0x0;
	p0 =	sne.s32 s18, $0x3F000  }
.Ltmp1:
0x64: {  	s19 =	sadd.s32 s19, s6;
	[sflag:s12] =	ssyncadd.s32 $0xFFFFFC00;
	(pc) =	sbr.rel @p0 .LBB2_4-.Ltmp1, $3  }
0x65: {  	[spmem:s19] =	stream.linear.scatter [tilespmem:s11], [sflag:$0x1], $0x400, $0x38;
	[tilespmem:$0x14C00] =	vst v63  }
0x66: {  	s18 =	sadd.s32 $0x1000, s18;
	_ =	sdelay $0x1  }
0x67: {  	_ =	swait.ge [sflag:s12], $0x400  }
0x68: {  	[sflag:s12] =	ssyncset.done $0x0  }
0x69: {  	[sflag:s12] =	ssyncadd.s32 $0xFFFFFC00  }
0x6a: {  	s18 =	sadd.s32 $0x1, s4;
	[bflag:$0x0] =	sbarrier.arrive $0xFFFF  }
0x6b: {  	[tilespmem:s7], [sflag:$0x1] =	stream.linear.gather [hbm4b:s10+s2], $0x80, $0x38;
	[tilespmem:$0x14C00] =	vst v63  }
0x6c: {  	p0 =	slt.u32 s18, s5;
	_ =	swait.ge [sflag:s12], $0x80  }
.Ltmp2:
0x6d: {  	[sflag:s12] =	ssyncset.done $0x0;
	(pc) =	sbr.rel @!p0 .LBB2_7-.Ltmp2, $4  }
0x6e: {  	[sflag:s12] =	ssyncadd.s32 $0xFFFFFF80  }
0x6f: {  	[spmem:s1] =	stream.indirect.scatter.add.f32 [tilespmem:s14], [sflag:$0x1], $0x80, s7, s13, $0xb8;
	[tilespmem:$0x14C00] =	vst v63  }
0x70: {  	_ =	swait.ge [sflag:s12], $0x4000  }
0x71: {  	s19 =	sadd.s32 $0x80, s7;
	s20 =	smov.u32 s10;
	[sflag:s12] =	ssyncset.done $0x0  }
.LBB2_6:
0x72: {  	s18 =	sadd.s32 $0x1, s18;
	[sflag:s12] =	ssyncadd.s32 $0xFFFFC000;
	s20 =	sadd.s32 $0x10, s20  }
0x73: {  	[tilespmem:s19], [sflag:$0x1] =	stream.linear.gather [hbm4b:s20+s2], $0x80, $0x38;
	[tilespmem:$0x14C00] =	vst v63  }
0x74: {  	p0 =	slt.u32 s18, s5;
	_ =	swait.ge [sflag:s12], $0x80  }
.Ltmp3:
0x75: {  	[sflag:s12] =	ssyncset.done $0x0;
	(pc) =	sbr.rel @p0 .LBB2_6-.Ltmp3, $4  }
0x76: {  	[sflag:s12] =	ssyncadd.s32 $0xFFFFFF80  }
0x77: {  	[spmem:s1] =	stream.indirect.scatter.add.f32 [tilespmem:s14], [sflag:$0x1], $0x80, s19, s13, $0xb8;
	[tilespmem:$0x14C00] =	vst v63  }
0x78: {  	_ =	swait.ge [sflag:s12], $0x4000  }
0x79: {  	s19 =	sadd.s32 $0x80, s19;
	[sflag:s12] =	ssyncset.done $0x0  }
.LBB2_7:
0x7a: {  	s17 =	sadd.s32 $0x1, s17  }
0x7b: {  	[sflag:s12] =	ssyncadd.s32 $0xFFFFC000;
	p0 =	sne.s32 s17, s8  }
.Ltmp4:
0x7c: {  	[bflag:$0x0] =	sbarrier.arrive $0xFFFF;
	(pc) =	sbr.rel @p0 .LBB2_1-.Ltmp4, $4  }
0x7d: {  	[hbm:s9], [sflag:s15] =	dma.local [spmem:s16], $0x2000  }
0x7e: {  	_ =	swait.ge [sflag:s12], $0x2000  }
0x7f: {  	[sflag:s12] =	ssyncset.done $0x0  }
0x80: {  	[sflag:s12] =	ssyncadd.s32 $0xFFFFE000  }
0x81: {  	_ =	sfence.sel $0x180000  }
0x82: {  	[bflag:$0x0] =	sbarrier.arrive $0xFFFF  }
0x83: {  	p0 =	sne.s32 s3, $0x0;
	_ =	strace $0x90000047  }
0x84: {  	s0 =	sadd.s32 @!p0 $0x100000, s0;
	[bflag:$0x2] =	sbarrier.arrive $0xFFFF  }
0x85: {  	[sflag:s0] =	ssyncadd.tile.s32 @!p0 $0x1;
	_ =	shalt  }
.Lfunc_end2:
_tile_overlayer_lowered:
.L_overlay_start_2:
0x86: {  	(tag) =	ssettag $0x2  }
0x87: {  	s0 =	rddreg [dreg:$0x0];
	s2 =	stileid.u32  }
0x88: {  	s1 =	rddreg [dreg:$0x1];
	p0 =	sne.s32 s2, $0x0  }
0x89: {  	s3 =	rddreg [dreg:$0x2];
	[bflag:$0x3] =	sbarrier.arrive $0xFFFF;
	s2 =	simm.s32 @!p0 $0x1C01  }
0x8a: {  	[timem:s3], [sflag:s2] =	dma.local @!p0 [hbm:s0], s1  }
0x8b: {  	s0 =	simm.s32 @!p0 $0x1  }
0x8c: {  	_ =	swait.ge @!p0 [sflag:s0], s1  }
0x8d: {  	s1 =	ssub.s32 @!p0 $0x0, s1;
	[sflag:s0] =	ssyncset.done @!p0 $0x0  }
0x8e: {  	[sflag:s0] =	ssyncadd.s32 @!p0 s1  }
0x8f: {  	[bflag:$0x3] =	sbarrier.arrive $0xFFFF  }
0x90: {  	_ =	shalt  }

// kernel: kernel.14.cloned.1.call-start
scs
__scs_entry_jumppad:
0x0: {  	(pc) =	sbr.rel $0x88, $3  }
0x1: {  	(tag) =	ssettag $0x0;
	lr =	simm.s32 $0x1  }
0x2: {  	[smem:$0x3F9D] =	sst lr;
	_ =	strace $0xD0000000  }
0x3: {  	_ = 	snop  }
0x4: {  	_ = 	snop  }
0x5: {  	_ = 	snop  }
0x6: {  	_ = 	snop  }
0x7: {  	_ = 	snop  }
__scs_overlays_trampoline_lowered:
0x8: {  	[smem:$0x3FAC] =	sst s0  }
0x9: {  	[smem:$0x3FAD] =	sst s1  }
0xa: {  	[smem:$0x3FAE] =	sst s2  }
0xb: {  	[smem:$0x3FAF] =	sst s3  }
0xc: {  	[smem:$0x3FB0] =	sst s4  }
0xd: {  	[smem:$0x3FB1] =	sst s5  }
0xe: {  	[smem:$0x3FB2] =	sst s6  }
0xf: {  	[smem:$0x3FB3] =	sst s7  }
0x10: {  	[smem:$0x3FB4] =	sst s8  }
0x11: {  	[smem:$0x3FB5] =	sst s9;
	s0 =	simm.s32 @!p0 $0x0  }
0x12: {  	s1 =	sld [smem:$0x3F9B];
	s0 =	simm.s32 @p0 $0x1  }
0x13: {  	[smem:$0x3FB6] =	sst s0;
	s0 =	simm.s32 @!p1 $0x0  }
0x14: {  	s2 =	sld [smem:$0x3F9A];
	s0 =	simm.s32 @p1 $0x1  }
0x15: {  	[smem:$0x3FB7] =	sst s0;
	s0 =	simm.s32 @!p2 $0x0  }
0x16: {  	s3 =	sld [smem:$0x3FDB];
	s0 =	simm.s32 @p2 $0x1  }
0x17: {  	s4 =	simm.s32 $0x1BF5;
	[smem:$0x3FB9] =	sst s0  }
0x18: {  	s0 =	sld [smem:$0x3F9C];
	_ =	swait.ge [sflag:s4], $0x0  }
0x19: {  	s7 =	sld [smem:$0x3F9D]  }
0x1a: {  	s8 =	sadd.s32 $0xFFFFE003, lr  }
0x1b: {  	s9 =	sadd.s32 $0xFFFFFEF7, lr;
	s5 =	simm.s32 $0xFFFFFFFF;
	p2 =	slt.u32 s8, $0xFFFFF086  }
0x1c: {  	p1 =	slt.u32 s9, $0xF7A;
	s5 =	simm.s32 @!p2 $0x0  }
0x1d: {  	s5 =	simm.s32 @p1 $0x1;
	p0 =	seq.s32 s7, s2  }
0x1e: {  	s7 =	smul.u32 @!p0 $0xF7A, s2;
	p2 =	seq.s32 @!p0 s5, $0x0  }
0x1f: {  	s9 =	smul.u32 $0xF7A, s1;
	s8 =	simm.s32 @!p0 $0x1BF5;
	p2 =	por !p2, p0  }
0x20: {  	[sflag:s8] =	ssyncset.s32 @!p0 $0xFFFFF086;
	s6 =	sadd.s32 @!p0 s3, s7;
	s7 =	simm.s32 @!p0 $0x108  }
0x21: {  	s3 =	sadd.s32 s3, s9;
	s6 =	sadd.s32 @!p0 $0x88, s6;
	s7 =	simm.s32 @p2 $0x1082  }
0x22: {  	[simem:s7], [sflag:s8] =	dma.local @!p0 [hbm:s6], $0xF7A  }
0x23: {  	s9 =	sor.u32 $0xD0000000, s2;
	s6 =	simm.s32 $0x108;
	_ =	swait.ge @!p0 [sflag:s8], $0x0  }
0x24: {  	s3 =	sadd.s32 $0x88, s3;
	s6 =	simm.s32 @!p1 $0x1082;
	[sflag:s4] =	ssyncset.s32 $0xFFFFF086  }
0x25: {  	[simem:s6], [sflag:s4] =	dma.local [hbm:s3], $0xF7A  }
0x26: {  	[smem:$0x3F9D] =	sst s1;
	(tag) =	ssettag s2;
	_ =	strace s9  }
0x27: {  	s1 =	sld [smem:$0x3FAD]  }
0x28: {  	s2 =	sld [smem:$0x3FAE]  }
0x29: {  	s4 =	sld [smem:$0x3FB0]  }
0x2a: {  	p0 =	seq.s32 s5, $0x0;
	s5 =	sld [smem:$0x3FB1]  }
0x2b: {  	s6 =	sld [smem:$0x3FB2]  }
0x2c: {  	s7 =	sld [smem:$0x3FB3]  }
0x2d: {  	s3 =	simm.s32 $0x108;
	s8 =	sld [smem:$0x3FB4]  }
0x2e: {  	s3 =	simm.s32 @!p0 $0x1082;
	s9 =	sld [smem:$0x3FB5]  }
0x2f: {  	lr =	sadd.s32 s0, s3;
	s0 =	sld [smem:$0x3FAC]  }
0x30: {  	s3 =	sld [smem:$0x3FAF]  }
0x31: {  	[smem:$0x3FB8] =	sst s10  }
0x32: {  	s10 =	sld [smem:$0x3FB6];
	_ =	sdelay $0x3  }
0x33: {  	p0 =	seq.s32 s10, $0x1;
	s10 =	sld [smem:$0x3FB8];
	_ =	sdelay $0x3  }
0x34: {  	[smem:$0x3FB8] =	sst s10  }
0x35: {  	s10 =	sld [smem:$0x3FB7];
	_ =	sdelay $0x3  }
0x36: {  	p1 =	seq.s32 s10, $0x1;
	s10 =	sld [smem:$0x3FB8];
	_ =	sdelay $0x3  }
0x37: {  	[smem:$0x3FB8] =	sst s10  }
0x38: {  	s10 =	sld [smem:$0x3FB9]  }
0x39: {  	_ = 	snop;
	(pc) =	sbr.ind lr, $3  }
0x3a: {  	_ = 	snop  }
0x3b: {  	_ = 	snop  }
0x3c: {  	p2 =	seq.s32 s10, $0x1;
	s10 =	sld [smem:$0x3FB8]  }
0x3d: {  	_ =	shalt  }
0x3e: {  	_ =	shalt  }
0x3f: {  	_ =	shalt  }
0x40: {  	_ =	shalt  }
0x41: {  	_ =	shalt  }
0x42: {  	_ =	shalt  }
0x43: {  	_ =	shalt  }
0x44: {  	_ =	shalt  }
0x45: {  	_ =	shalt  }
0x46: {  	_ =	shalt  }
0x47: {  	_ =	shalt  }
0x48: {  	_ =	shalt  }
0x49: {  	_ =	shalt  }
0x4a: {  	_ =	shalt  }
0x4b: {  	_ =	shalt  }
0x4c: {  	_ =	shalt  }
0x4d: {  	_ =	shalt  }
0x4e: {  	_ =	shalt  }
0x4f: {  	_ =	shalt  }
0x50: {  	_ =	shalt  }
0x51: {  	_ =	shalt  }
0x52: {  	_ =	shalt  }
0x53: {  	_ =	shalt  }
0x54: {  	_ =	shalt  }
0x55: {  	_ =	shalt  }
0x56: {  	_ =	shalt  }
0x57: {  	_ =	shalt  }
0x58: {  	_ =	shalt  }
0x59: {  	_ =	shalt  }
0x5a: {  	_ =	shalt  }
0x5b: {  	_ =	shalt  }
0x5c: {  	_ =	shalt  }
0x5d: {  	_ =	shalt  }
0x5e: {  	_ =	shalt  }
0x5f: {  	_ =	shalt  }
0x60: {  	_ =	shalt  }
0x61: {  	_ =	shalt  }
0x62: {  	_ =	shalt  }
0x63: {  	_ =	shalt  }
0x64: {  	_ =	shalt  }
0x65: {  	_ =	shalt  }
0x66: {  	_ =	shalt  }
0x67: {  	_ =	shalt  }
0x68: {  	_ =	shalt  }
0x69: {  	_ =	shalt  }
0x6a: {  	_ =	shalt  }
0x6b: {  	_ =	shalt  }
0x6c: {  	_ =	shalt  }
0x6d: {  	_ =	shalt  }
0x6e: {  	_ =	shalt  }
0x6f: {  	_ =	shalt  }
0x70: {  	_ =	shalt  }
0x71: {  	_ =	shalt  }
0x72: {  	_ =	shalt  }
0x73: {  	_ =	shalt  }
0x74: {  	_ =	shalt  }
0x75: {  	_ =	shalt  }
0x76: {  	_ =	shalt  }
0x77: {  	_ =	shalt  }
0x78: {  	_ =	shalt  }
0x79: {  	_ =	shalt  }
0x7a: {  	_ =	shalt  }
0x7b: {  	_ =	shalt  }
0x7c: {  	_ =	shalt  }
0x7d: {  	_ =	shalt  }
0x7e: {  	_ =	shalt  }
0x7f: {  	_ =	shalt  }
0x80: {  	_ =	shalt  }
0x81: {  	_ =	shalt  }
0x82: {  	_ =	shalt  }
0x83: {  	_ =	shalt  }
0x84: {  	_ =	shalt  }
0x85: {  	_ =	shalt  }
0x86: {  	_ =	shalt  }
0x87: {  	_ =	shalt  }
.Lfunc_end0:
.L_simem_size_0:
called_computation.2_lowered:
.L_overlay_start_0:
0x88: {  	s2 =	sld [smem:$0x3FD9]  }
0x89: {  	s3 =	sld [smem:$0x3FFE];
	_ =	sdelay $0x1  }
0x8a: {  	s1 =	srdreg.scid  }
0x8b: {  	s0 =	sand.u32 $0x1, s1  }
0x8c: {  	s14 =	sshll.u32 s0, $0xA;
	s2 =	sadd.s32 s3, s2  }
0x8d: {  	s2 =	sadd.s32 s2, s14  }
0x8e: {  	[smem:$0x3FC4] =	sst s2  }
0x8f: {  	_ = 	snop  }
0x90: {  	s2 =	sld [smem:$0x3FD0];
	_ =	sdelay $0x2  }
0x91: {  	s15 =	simm.s32 $0xB;
	s4 =	simm.s32 $0x10  }
0x92: {  	[smem:s4], [sflag:s15] =	dma.local [hbm:s2], $0x1  }
0x93: {  	_ =	swait.eq [sflag:s15], $0x1  }
0x94: {  	[sflag:s15] =	ssyncset.done $0x0  }
0x95: {  	s16 =	sld [smem:$0x10];
	[sflag:s15] =	ssyncadd.s32 $0xFFFFFFFF  }
0x96: {  	s17 =	sld [smem:$0x11];
	(tm) =	ssettm $0x1  }
0x97: {  	s18 =	sld [smem:$0x3FFB];
	_ =	sdelay $0x3  }
0x98: {  	_ =	strace s18  }
0x99: {  	s4 =	sld [smem:$0x3FFC];
	_ =	sdelay $0x3  }
0x9a: {  	_ =	strace s4  }
0x9b: {  	s4 =	sld [smem:$0x3FFD];
	_ =	sdelay $0x3  }
0x9c: {  	_ =	strace s4  }
0x9d: {  	_ =	strace $0x8FFFFFFF  }
0x9e: {  	s19 =	sld [smem:$0x3FDB];
	_ =	sdelay $0x1  }
0x9f: {  	s5 =	simm.s32 $_scs_section_size  }
0xa0: {  	s6 =	simm.s32 $_size__tile_overlayer_lowered;
	s7 =	simm.s32 $_tile_overlayer_lowered  }
0xa1: {  	s22 =	simm.s32 $0x1BFF;
	s21 =	sshll.u32 s7, $0x1;
	s4 =	sadd.s32 s5, s19  }
0xa2: {  	s8 =	simm.s32 $0x0;
	s20 =	sshll.u32 s6, $0x1;
	s6 =	sadd.s32 s21, s4  }
0xa3: {  	[timem:s8], [sflag:s22] =	dma.local [hbm:s6], s20  }
0xa4: {  	_ =	swait.ge [sflag:s22], s20  }
0xa5: {  	s5 =	ssub.s32 $0x0, s20;
	[sflag:s22] =	ssyncset.done $0x0  }
0xa6: {  	[sflag:s22] =	ssyncadd.s32 s5;
	_ =	sdelay $0x1  }
0xa7: {  	s23 =	simm.s32 $0x1B8B  }
0xa8: {  	_ =	swait.ge [sflag:s23], $0x1  }
0xa9: {  	[sflag:s23] =	ssyncset.done $0x0  }
0xaa: {  	s25 =	simm.s32 $0x1B8E;
	s24 =	sld [smem:$0x3FFE];
	[sflag:s23] =	ssyncadd.s32 $0xFFFFFFFF  }
0xab: {  	s26 =	simm.s32 $execute0_lowered;
	[smem:$0x3FD2] =	sst s25  }
0xac: {  	s6 =	sshll.u32 s26, $0x1;
	_ =	strace $0x8000004C;
	[dreg:$0x1] =	wrdreg $0xFFFFFFFF  }
0xad: {  	s28 =	simm.s32 $_size_execute0_lowered;
	s4 =	sadd.s32 s4, s6;
	[dreg:$0x0] =	wrdreg $0x0  }
0xae: {  	s6 =	sshll.u32 s28, $0x1;
	[dreg:$0x2] =	wrdreg s4  }
0xaf: {  	[dreg:$0x3] =	wrdreg s6  }
0xb0: {  	[dreg:$0x4] =	wrdreg $0xC0  }
0xb1: {  	_ =	task [dreg:s8], $0x5FFFF  }
0xb2: {  	[dreg:$0x1] =	wrdreg $0xFFFFFFFF  }
0xb3: {  	[dreg:$0x0] =	wrdreg $0x60  }
0xb4: {  	[dreg:$0x2] =	wrdreg s24  }
0xb5: {  	[dreg:$0x3] =	wrdreg s17  }
0xb6: {  	[dreg:$0x4] =	wrdreg s16  }
0xb7: {  	[dreg:$0x5] =	wrdreg $0x9  }
0xb8: {  	_ =	task.clear_ibuf [dreg:s8], $0x6FFFF;
	_ =	strace $0x9000004C  }
0xb9: {  	s29 =	simm.s32 $0x9;
	_ =	strace $0x8000004E  }
0xba: {  	_ =	swait.ge [sflag:s29], $0x1  }
0xbb: {  	[sflag:s29] =	ssyncadd.s32 $0xFFFFFFFF  }
0xbc: {  	_ =	strace $0x9000004E  }
0xbd: {  	_ =	sfence  }
0xbe: {  	s30 =	sld [smem:$0x0];
	_ =	sdelay $0x2  }
0xbf: {  	s31 =	sshll.u32 s1, $0xD;
	s1 =	sshrl.u32 s1, $0x2  }
0xc0: {  	s3 =	sand.u32 $0x4000, s31;
	s1 =	sadd.s32 s1, s30  }
0xc1: {  	s0 =	sor.u32 s3, s0;
	s1 =	sshll.u32 s1, $0x11  }
0xc2: {  	s0 =	sor.u32 s1, s0  }
0xc3: {  	s0 =	sadd.s32 $0x8F2B, s0  }
0xc4: {  	[sflag:s0] =	ssyncadd.remote.s32 $0x1  }
0xc5: {  	_ =	sfence.sel $0xFFFF  }
0xc6: {  	[dreg:$0x0] =	wrdreg $0xFFFFFFFF;
	(pc) =	sbr.abs _section_cstart, $3  }
0xc7: {  	[dreg:$0x1] =	wrdreg $0xFFFFFFFF  }
0xc8: {  	_ =	task.clear_ibuf [dreg:s8], $0x2FFFF;
	_ =	strace $0x9FFFFFFF  }
0xc9: {  	(tm) =	ssettm $0x7FFFFFFF  }
tec
execute0_lowered:
.L_overlay_start_1:
0x0: {  	(tag) =	ssettag $0x1  }
0x1: {  	s1 =	rddreg [dreg:$0x0]  }
0x2: {  	s0 =	srdreg.scid;
	s3 =	rddreg [dreg:$0x1]  }
0x3: {  	s2 =	stileid.u32;
	s5 =	rddreg [dreg:$0x2]  }
0x4: {  	s18 =	simm.s32 $0x1;
	s8 =	simm.s32 $0xA80;
	s9 =	simm.s32 $0x1280  }
0x5: {  	s10 =	simm.s32 $0x1A80;
	s11 =	simm.s32 $0x2280;
	s12 =	simm.s32 $0x2A80  }
0x6: {  	s13 =	simm.s32 $0x3280;
	s14 =	simm.s32 $0x3A80;
	s15 =	simm.s32 $0x4280  }
0x7: {  	s16 =	simm.s32 $0x4A80;
	s17 =	simm.s32 $0x5280;
	s28 =	simm.s32 $0x9A80  }
0x8: {  	s29 =	simm.s32 $0xA280;
	s0 =	sand.u32 $0x1, s0;
	s2 =	sshll.u32 s2, $0x1  }
0x9: {  	s30 =	simm.s32 $0xAA80;
	s31 =	simm.s32 $0xB280;
	s4 =	sor.u32 s0, s2  }
0xa: {  	s2 =	simm.s32 $0x0;
	s0 =	ssub.s32 $0x2, s0;
	s6 =	smul.u32 $0x48, s4  }
0xb: {  	s7 =	smul.u32 $0x24000, s4;
	[smem:$0x7FF] =	sst s2;
	s26 =	sshrl.u32 s0, $0x1  }
0xc: {  	s4 =	smul.u32 $0x4800, s4;
	_ =	strace $0x8000004D;
	s0 =	ssub.s32 s0, s26  }
0xd: {  	s26 =	simm.s32 $0x9280;
	s3 =	sadd.s32 s3, s6;
	s19 =	sshrl.u32 s7, $0x3  }
0xe: {  	s20 =	sadd.s32 s5, s4;
	[dreg:$0x4] =	wrdreg s3;
	s21 =	sadd.s32 s5, s19  }
0xf: {  	s6 =	simm.s32 $0x6280;
	[dreg:$0x5] =	wrdreg s20;
	s22 =	sadd.s32 $0xC00, s21  }
0x10: {  	s3 =	sadd.s32 $0x1600, s1;
	s23 =	sadd.s32 $0x1800, s21;
	[dreg:$0x6] =	wrdreg s22  }
0x11: {  	s1 =	simm.s32 $0x2;
	s24 =	sadd.s32 $0x2400, s21;
	[dreg:$0x7] =	wrdreg s23  }
0x12: {  	s5 =	simm.s32 $0x4;
	s25 =	sadd.s32 $0x3000, s21;
	[dreg:$0x8] =	wrdreg s24  }
0x13: {  	s19 =	simm.s32 $0x280;
	s4 =	sadd.s32 $0x3C00, s21;
	[dreg:$0x9] =	wrdreg s25  }
0x14: {  	v2 =	vlaneseq.u32;
	s20 =	simm.s32 $0x5A80;
	s21 =	simm.s32 $0x6A80;
	[dreg:$0xa] =	wrdreg s4  }
0x15: {  	vm0 =	vmmov $0xffff;
	v1 =	vshrl.u32 v2, $0x3;
	s4 =	smax.u32 s0, $0x1;
	s0 =	simm.s32 $0x3;
	s22 =	simm.s32 $0x7280  }
0x16: {  	v0 =	vand.u32 $0x7, v2;
	v2 =	vor.u32 $0x8, v2;
	v1 =	vmul.u32 $0x8, v1;
	s23 =	simm.s32 $0x7A80;
	s24 =	simm.s32 $0x8280;
	s25 =	simm.s32 $0x8A80  }
.LBB2_1:
0x17: {  	s7 =	rddreg [dreg:$0x4]  }
0x18: {  	[tilespmem:s2], [sflag:$0x5] =	stream.linear.gather [hbm4b:s7+s2], $0x240, $0x38;
	[tilespmem:$0xC280] =	vst v63  }
0x19: {  	s7 =	simm.s32 $0x5  }
0x1a: {  	_ =	swait.ge [sflag:s7], $0x240  }
0x1b: {  	[sflag:s7] =	ssyncset.done $0x0  }
0x1c: {  	[sflag:s7] =	ssyncadd.s32 $0xFFFFFDC0  }
0x1d: {  	v3 =	vld [tilespmem:$0x0];
	_ =	sdelay $0x4  }
0x1e: {  	v4 =	vshll.u32 v3, $0x1  }
0x1f: {  	v3 =	vand.u32 $0x7, v3;
	v4 =	vand.u32 $0xFFFFFFF0, v4  }
0x20: {  	v3 =	vor.u32 v3, v4  }
0x21: {  	v4 =	vperm.xlane v3, v0;
	_ =	sdelay $0x1  }
0x22: {  	v3 =	vperm.xlane v3, v2;
	v4 =	vadd.s32 v1, v4;
	_ =	sdelay $0x1  }
0x23: {  	v3 =	vadd.s32 v1, v3;
	_ =	sdelay $0x2  }
0x24: {  	[tilespmem:s19], [sflag:$0x1] =	stream.indirect_vreg.gather [hbm4b:s3+s2], $0x80, v4, vm0, $0xb8;
	[tilespmem:$0xC280] =	vst v63  }
0x25: {  	_ = 	snop  }
0x26: {  	[tilespmem:s8], [sflag:$0x1] =	stream.indirect_vreg.gather [hbm4b:s3+s2], $0x80, v3, vm0, $0xb8;
	[tilespmem:$0xC280] =	vst v63  }
0x27: {  	v3 =	vld [tilespmem:$0x10];
	_ =	sdelay $0x4  }
0x28: {  	v29 =	vshll.u32 v3, $0x1  }
0x29: {  	v3 =	vand.u32 $0x7, v3;
	v4 =	vand.u32 $0xFFFFFFF0, v29  }
0x2a: {  	v3 =	vor.u32 v3, v4  }
0x2b: {  	v4 =	vperm.xlane v3, v0;
	_ =	sdelay $0x1  }
0x2c: {  	v3 =	vperm.xlane v3, v2;
	v4 =	vadd.s32 v1, v4;
	_ =	sdelay $0x1  }
0x2d: {  	v3 =	vadd.s32 v1, v3;
	_ =	sdelay $0x2  }
0x2e: {  	[tilespmem:s9], [sflag:$0x1] =	stream.indirect_vreg.gather [hbm4b:s3+s2], $0x80, v4, vm0, $0xb8;
	[tilespmem:$0xC280] =	vst v63  }
0x2f: {  	_ = 	snop  }
0x30: {  	[tilespmem:s10], [sflag:$0x1] =	stream.indirect_vreg.gather [hbm4b:s3+s2], $0x80, v3, vm0, $0xb8;
	[tilespmem:$0xC280] =	vst v63  }
0x31: {  	v3 =	vld [tilespmem:$0x20];
	_ =	sdelay $0x4  }
0x32: {  	v30 =	vshll.u32 v3, $0x1  }
0x33: {  	v3 =	vand.u32 $0x7, v3;
	v4 =	vand.u32 $0xFFFFFFF0, v30  }
0x34: {  	v3 =	vor.u32 v3, v4  }
0x35: {  	v4 =	vperm.xlane v3, v0;
	_ =	sdelay $0x1  }
0x36: {  	v3 =	vperm.xlane v3, v2;
	v4 =	vadd.s32 v1, v4;
	_ =	sdelay $0x1  }
0x37: {  	v3 =	vadd.s32 v1, v3;
	_ =	sdelay $0x2  }
0x38: {  	[tilespmem:s11], [sflag:$0x1] =	stream.indirect_vreg.gather [hbm4b:s3+s2], $0x80, v4, vm0, $0xb8;
	[tilespmem:$0xC280] =	vst v63  }
0x39: {  	_ = 	snop  }
0x3a: {  	[tilespmem:s12], [sflag:$0x1] =	stream.indirect_vreg.gather [hbm4b:s3+s2], $0x80, v3, vm0, $0xb8;
	[tilespmem:$0xC280] =	vst v63  }
0x3b: {  	v3 =	vld [tilespmem:$0x30];
	_ =	sdelay $0x4  }
0x3c: {  	v31 =	vshll.u32 v3, $0x1  }
0x3d: {  	v3 =	vand.u32 $0x7, v3;
	v4 =	vand.u32 $0xFFFFFFF0, v31  }
0x3e: {  	v3 =	vor.u32 v3, v4  }
0x3f: {  	v4 =	vperm.xlane v3, v0;
	_ =	sdelay $0x1  }
0x40: {  	v3 =	vperm.xlane v3, v2;
	v4 =	vadd.s32 v1, v4;
	_ =	sdelay $0x1  }
0x41: {  	v3 =	vadd.s32 v1, v3;
	_ =	sdelay $0x2  }
0x42: {  	[tilespmem:s13], [sflag:$0x1] =	stream.indirect_vreg.gather [hbm4b:s3+s2], $0x80, v4, vm0, $0xb8;
	[tilespmem:$0xC280] =	vst v63  }
0x43: {  	_ = 	snop  }
0x44: {  	[tilespmem:s14], [sflag:$0x1] =	stream.indirect_vreg.gather [hbm4b:s3+s2], $0x80, v3, vm0, $0xb8;
	[tilespmem:$0xC280] =	vst v63  }
0x45: {  	v3 =	vld [tilespmem:$0x40];
	_ =	sdelay $0x4  }
0x46: {  	v32 =	vshll.u32 v3, $0x1  }
0x47: {  	v3 =	vand.u32 $0x7, v3;
	v4 =	vand.u32 $0xFFFFFFF0, v32  }
0x48: {  	v3 =	vor.u32 v3, v4  }
0x49: {  	v4 =	vperm.xlane v3, v0;
	_ =	sdelay $0x1  }
0x4a: {  	v3 =	vperm.xlane v3, v2;
	v4 =	vadd.s32 v1, v4;
	_ =	sdelay $0x1  }
0x4b: {  	v3 =	vadd.s32 v1, v3;
	_ =	sdelay $0x2  }
0x4c: {  	[tilespmem:s15], [sflag:$0x1] =	stream.indirect_vreg.gather [hbm4b:s3+s2], $0x80, v4, vm0, $0xb8;
	[tilespmem:$0xC280] =	vst v63  }
0x4d: {  	_ = 	snop  }
0x4e: {  	[tilespmem:s16], [sflag:$0x1] =	stream.indirect_vreg.gather [hbm4b:s3+s2], $0x80, v3, vm0, $0xb8;
	[tilespmem:$0xC280] =	vst v63  }
0x4f: {  	v3 =	vld [tilespmem:$0x50];
	_ =	sdelay $0x4  }
0x50: {  	v33 =	vshll.u32 v3, $0x1  }
0x51: {  	v3 =	vand.u32 $0x7, v3;
	v4 =	vand.u32 $0xFFFFFFF0, v33  }
0x52: {  	v3 =	vor.u32 v3, v4  }
0x53: {  	v4 =	vperm.xlane v3, v0;
	_ =	sdelay $0x1  }
0x54: {  	v3 =	vperm.xlane v3, v2;
	v4 =	vadd.s32 v1, v4;
	_ =	sdelay $0x1  }
0x55: {  	v3 =	vadd.s32 v1, v3;
	_ =	sdelay $0x2  }
0x56: {  	[tilespmem:s17], [sflag:$0x1] =	stream.indirect_vreg.gather [hbm4b:s3+s2], $0x80, v4, vm0, $0xb8;
	[tilespmem:$0xC280] =	vst v63  }
0x57: {  	_ = 	snop  }
0x58: {  	[tilespmem:s20], [sflag:$0x1] =	stream.indirect_vreg.gather [hbm4b:s3+s2], $0x80, v3, vm0, $0xb8;
	[tilespmem:$0xC280] =	vst v63  }
0x59: {  	_ =	swait.ge [sflag:s18], $0x6000  }
0x5a: {  	[sflag:s18] =	ssyncset.done $0x0  }
0x5b: {  	s7 =	rddreg [dreg:$0x5];
	[sflag:s18] =	ssyncadd.s32 $0xFFFFA000  }
0x5c: {  	[hbm4b:s7+s2] =	stream.linear.scatter [tilespmem:s19], [sflag:$0x3], $0x6000, $0x38;
	[tilespmem:$0xC280] =	vst v63  }
0x5d: {  	v3 =	vld [tilespmem:$0x60];
	_ =	sdelay $0x4  }
0x5e: {  	v34 =	vshll.u32 v3, $0x1  }
0x5f: {  	v3 =	vand.u32 $0x7, v3;
	v4 =	vand.u32 $0xFFFFFFF0, v34  }
0x60: {  	v3 =	vor.u32 v3, v4  }
0x61: {  	v4 =	vperm.xlane v3, v0;
	_ =	sdelay $0x1  }
0x62: {  	v3 =	vperm.xlane v3, v2;
	v4 =	vadd.s32 v1, v4;
	_ =	sdelay $0x1  }
0x63: {  	v3 =	vadd.s32 v1, v3;
	_ =	sdelay $0x2  }
0x64: {  	[tilespmem:s6], [sflag:$0x2] =	stream.indirect_vreg.gather [hbm4b:s3+s2], $0x80, v4, vm0, $0xb8;
	[tilespmem:$0xC280] =	vst v63  }
0x65: {  	_ = 	snop  }
0x66: {  	[tilespmem:s21], [sflag:$0x2] =	stream.indirect_vreg.gather [hbm4b:s3+s2], $0x80, v3, vm0, $0xb8;
	[tilespmem:$0xC280] =	vst v63  }
0x67: {  	v3 =	vld [tilespmem:$0x70];
	_ =	sdelay $0x4  }
0x68: {  	v35 =	vshll.u32 v3, $0x1  }
0x69: {  	v3 =	vand.u32 $0x7, v3;
	v4 =	vand.u32 $0xFFFFFFF0, v35  }
0x6a: {  	v3 =	vor.u32 v3, v4  }
0x6b: {  	v4 =	vperm.xlane v3, v0;
	_ =	sdelay $0x1  }
0x6c: {  	v3 =	vperm.xlane v3, v2;
	v4 =	vadd.s32 v1, v4;
	_ =	sdelay $0x1  }
0x6d: {  	v3 =	vadd.s32 v1, v3;
	_ =	sdelay $0x2  }
0x6e: {  	[tilespmem:s22], [sflag:$0x2] =	stream.indirect_vreg.gather [hbm4b:s3+s2], $0x80, v4, vm0, $0xb8;
	[tilespmem:$0xC280] =	vst v63  }
0x6f: {  	_ = 	snop  }
0x70: {  	[tilespmem:s23], [sflag:$0x2] =	stream.indirect_vreg.gather [hbm4b:s3+s2], $0x80, v3, vm0, $0xb8;
	[tilespmem:$0xC280] =	vst v63  }
0x71: {  	v3 =	vld [tilespmem:$0x80];
	_ =	sdelay $0x4  }
0x72: {  	v36 =	vshll.u32 v3, $0x1  }
0x73: {  	v3 =	vand.u32 $0x7, v3;
	v4 =	vand.u32 $0xFFFFFFF0, v36  }
0x74: {  	v3 =	vor.u32 v3, v4  }
0x75: {  	v4 =	vperm.xlane v3, v0;
	_ =	sdelay $0x1  }
0x76: {  	v3 =	vperm.xlane v3, v2;
	v4 =	vadd.s32 v1, v4;
	_ =	sdelay $0x1  }
0x77: {  	v3 =	vadd.s32 v1, v3;
	_ =	sdelay $0x2  }
0x78: {  	[tilespmem:s24], [sflag:$0x2] =	stream.indirect_vreg.gather [hbm4b:s3+s2], $0x80, v4, vm0, $0xb8;
	[tilespmem:$0xC280] =	vst v63  }
0x79: {  	_ = 	snop  }
0x7a: {  	[tilespmem:s25], [sflag:$0x2] =	stream.indirect_vreg.gather [hbm4b:s3+s2], $0x80, v3, vm0, $0xb8;
	[tilespmem:$0xC280] =	vst v63  }
0x7b: {  	v3 =	vld [tilespmem:$0x90];
	_ =	sdelay $0x4  }
0x7c: {  	v37 =	vshll.u32 v3, $0x1  }
0x7d: {  	v3 =	vand.u32 $0x7, v3;
	v4 =	vand.u32 $0xFFFFFFF0, v37  }
0x7e: {  	v3 =	vor.u32 v3, v4  }
0x7f: {  	v4 =	vperm.xlane v3, v0;
	_ =	sdelay $0x1  }
0x80: {  	v3 =	vperm.xlane v3, v2;
	v4 =	vadd.s32 v1, v4;
	_ =	sdelay $0x1  }
0x81: {  	v3 =	vadd.s32 v1, v3;
	_ =	sdelay $0x2  }
0x82: {  	[tilespmem:s26], [sflag:$0x2] =	stream.indirect_vreg.gather [hbm4b:s3+s2], $0x80, v4, vm0, $0xb8;
	[tilespmem:$0xC280] =	vst v63  }
0x83: {  	_ = 	snop  }
0x84: {  	[tilespmem:s28], [sflag:$0x2] =	stream.indirect_vreg.gather [hbm4b:s3+s2], $0x80, v3, vm0, $0xb8;
	[tilespmem:$0xC280] =	vst v63  }
0x85: {  	v3 =	vld [tilespmem:$0xA0];
	_ =	sdelay $0x4  }
0x86: {  	v38 =	vshll.u32 v3, $0x1  }
0x87: {  	v3 =	vand.u32 $0x7, v3;
	v4 =	vand.u32 $0xFFFFFFF0, v38  }
0x88: {  	v3 =	vor.u32 v3, v4  }
0x89: {  	v4 =	vperm.xlane v3, v0;
	_ =	sdelay $0x1  }
0x8a: {  	v3 =	vperm.xlane v3, v2;
	v4 =	vadd.s32 v1, v4;
	_ =	sdelay $0x1  }
0x8b: {  	v3 =	vadd.s32 v1, v3;
	_ =	sdelay $0x2  }
0x8c: {  	[tilespmem:s29], [sflag:$0x2] =	stream.indirect_vreg.gather [hbm4b:s3+s2], $0x80, v4, vm0, $0xb8;
	[tilespmem:$0xC280] =	vst v63  }
0x8d: {  	_ = 	snop  }
0x8e: {  	[tilespmem:s30], [sflag:$0x2] =	stream.indirect_vreg.gather [hbm4b:s3+s2], $0x80, v3, vm0, $0xb8;
	[tilespmem:$0xC280] =	vst v63  }
0x8f: {  	v3 =	vld [tilespmem:$0xB0];
	_ =	sdelay $0x4  }
0x90: {  	v39 =	vshll.u32 v3, $0x1  }
0x91: {  	v3 =	vand.u32 $0x7, v3;
	v4 =	vand.u32 $0xFFFFFFF0, v39  }
0x92: {  	v3 =	vor.u32 v3, v4  }
0x93: {  	v4 =	vperm.xlane v3, v0;
	_ =	sdelay $0x1  }
0x94: {  	v3 =	vperm.xlane v3, v2;
	v4 =	vadd.s32 v1, v4;
	_ =	sdelay $0x1  }
0x95: {  	v3 =	vadd.s32 v1, v3;
	_ =	sdelay $0x2  }
0x96: {  	[tilespmem:s31], [sflag:$0x2] =	stream.indirect_vreg.gather [hbm4b:s3+s2], $0x80, v4, vm0, $0xb8;
	[tilespmem:$0xC280] =	vst v63  }
0x97: {  	s7 =	simm.s32 $0xBA80  }
0x98: {  	[tilespmem:s7], [sflag:$0x2] =	stream.indirect_vreg.gather [hbm4b:s3+s2], $0x80, v3, vm0, $0xb8;
	[tilespmem:$0xC280] =	vst v63  }
0x99: {  	_ =	swait.ge [sflag:s1], $0x6000  }
0x9a: {  	[sflag:s1] =	ssyncset.done $0x0  }
0x9b: {  	s7 =	rddreg [dreg:$0x6];
	[sflag:s1] =	ssyncadd.s32 $0xFFFFA000  }
0x9c: {  	[hbm4b:s7+s2] =	stream.linear.scatter [tilespmem:s6], [sflag:$0x4], $0x6000, $0x38;
	[tilespmem:$0xC280] =	vst v63  }
0x9d: {  	_ =	swait.ge [sflag:s0], $0x6000  }
0x9e: {  	[sflag:s0] =	ssyncset.done $0x0  }
0x9f: {  	[sflag:s0] =	ssyncadd.s32 $0xFFFFA000  }
0xa0: {  	v3 =	vld [tilespmem:$0xC0];
	_ =	sdelay $0x4  }
0xa1: {  	v40 =	vshll.u32 v3, $0x1  }
0xa2: {  	v3 =	vand.u32 $0x7, v3;
	v4 =	vand.u32 $0xFFFFFFF0, v40  }
0xa3: {  	v3 =	vor.u32 v3, v4  }
0xa4: {  	v4 =	vperm.xlane v3, v0;
	_ =	sdelay $0x1  }
0xa5: {  	v3 =	vperm.xlane v3, v2;
	v4 =	vadd.s32 v1, v4;
	_ =	sdelay $0x1  }
0xa6: {  	v3 =	vadd.s32 v1, v3;
	_ =	sdelay $0x2  }
0xa7: {  	[tilespmem:s19], [sflag:$0x1] =	stream.indirect_vreg.gather [hbm4b:s3+s2], $0x80, v4, vm0, $0xb8;
	[tilespmem:$0xC280] =	vst v63  }
0xa8: {  	_ = 	snop  }
0xa9: {  	[tilespmem:s8], [sflag:$0x1] =	stream.indirect_vreg.gather [hbm4b:s3+s2], $0x80, v3, vm0, $0xb8;
	[tilespmem:$0xC280] =	vst v63  }
0xaa: {  	v3 =	vld [tilespmem:$0xD0];
	_ =	sdelay $0x4  }
0xab: {  	v41 =	vshll.u32 v3, $0x1  }
0xac: {  	v3 =	vand.u32 $0x7, v3;
	v4 =	vand.u32 $0xFFFFFFF0, v41  }
0xad: {  	v3 =	vor.u32 v3, v4  }
0xae: {  	v4 =	vperm.xlane v3, v0;
	_ =	sdelay $0x1  }
0xaf: {  	v3 =	vperm.xlane v3, v2;
	v4 =	vadd.s32 v1, v4;
	_ =	sdelay $0x1  }
0xb0: {  	v3 =	vadd.s32 v1, v3;
	_ =	sdelay $0x2  }
0xb1: {  	[tilespmem:s9], [sflag:$0x1] =	stream.indirect_vreg.gather [hbm4b:s3+s2], $0x80, v4, vm0, $0xb8;
	[tilespmem:$0xC280] =	vst v63  }
0xb2: {  	_ = 	snop  }
0xb3: {  	[tilespmem:s10], [sflag:$0x1] =	stream.indirect_vreg.gather [hbm4b:s3+s2], $0x80, v3, vm0, $0xb8;
	[tilespmem:$0xC280] =	vst v63  }
0xb4: {  	v3 =	vld [tilespmem:$0xE0];
	_ =	sdelay $0x4  }
0xb5: {  	v42 =	vshll.u32 v3, $0x1  }
0xb6: {  	v3 =	vand.u32 $0x7, v3;
	v4 =	vand.u32 $0xFFFFFFF0, v42  }
0xb7: {  	v3 =	vor.u32 v3, v4  }
0xb8: {  	v4 =	vperm.xlane v3, v0;
	_ =	sdelay $0x1  }
0xb9: {  	v3 =	vperm.xlane v3, v2;
	v4 =	vadd.s32 v1, v4;
	_ =	sdelay $0x1  }
0xba: {  	v3 =	vadd.s32 v1, v3;
	_ =	sdelay $0x2  }
0xbb: {  	[tilespmem:s11], [sflag:$0x1] =	stream.indirect_vreg.gather [hbm4b:s3+s2], $0x80, v4, vm0, $0xb8;
	[tilespmem:$0xC280] =	vst v63  }
0xbc: {  	_ = 	snop  }
0xbd: {  	[tilespmem:s12], [sflag:$0x1] =	stream.indirect_vreg.gather [hbm4b:s3+s2], $0x80, v3, vm0, $0xb8;
	[tilespmem:$0xC280] =	vst v63  }
0xbe: {  	v3 =	vld [tilespmem:$0xF0];
	_ =	sdelay $0x4  }
0xbf: {  	v43 =	vshll.u32 v3, $0x1  }
0xc0: {  	v3 =	vand.u32 $0x7, v3;
	v4 =	vand.u32 $0xFFFFFFF0, v43  }
0xc1: {  	v3 =	vor.u32 v3, v4  }
0xc2: {  	v4 =	vperm.xlane v3, v0;
	_ =	sdelay $0x1  }
0xc3: {  	v3 =	vperm.xlane v3, v2;
	v4 =	vadd.s32 v1, v4;
	_ =	sdelay $0x1  }
0xc4: {  	v3 =	vadd.s32 v1, v3;
	_ =	sdelay $0x2  }
0xc5: {  	[tilespmem:s13], [sflag:$0x1] =	stream.indirect_vreg.gather [hbm4b:s3+s2], $0x80, v4, vm0, $0xb8;
	[tilespmem:$0xC280] =	vst v63  }
0xc6: {  	_ = 	snop  }
0xc7: {  	[tilespmem:s14], [sflag:$0x1] =	stream.indirect_vreg.gather [hbm4b:s3+s2], $0x80, v3, vm0, $0xb8;
	[tilespmem:$0xC280] =	vst v63  }
0xc8: {  	v3 =	vld [tilespmem:$0x100];
	_ =	sdelay $0x4  }
0xc9: {  	v44 =	vshll.u32 v3, $0x1  }
0xca: {  	v3 =	vand.u32 $0x7, v3;
	v4 =	vand.u32 $0xFFFFFFF0, v44  }
0xcb: {  	v3 =	vor.u32 v3, v4  }
0xcc: {  	v4 =	vperm.xlane v3, v0;
	_ =	sdelay $0x1  }
0xcd: {  	v3 =	vperm.xlane v3, v2;
	v4 =	vadd.s32 v1, v4;
	_ =	sdelay $0x1  }
0xce: {  	v3 =	vadd.s32 v1, v3;
	_ =	sdelay $0x2  }
0xcf: {  	[tilespmem:s15], [sflag:$0x1] =	stream.indirect_vreg.gather [hbm4b:s3+s2], $0x80, v4, vm0, $0xb8;
	[tilespmem:$0xC280] =	vst v63  }
0xd0: {  	_ = 	snop  }
0xd1: {  	[tilespmem:s16], [sflag:$0x1] =	stream.indirect_vreg.gather [hbm4b:s3+s2], $0x80, v3, vm0, $0xb8;
	[tilespmem:$0xC280] =	vst v63  }
0xd2: {  	v3 =	vld [tilespmem:$0x110];
	_ =	sdelay $0x4  }
0xd3: {  	v45 =	vshll.u32 v3, $0x1  }
0xd4: {  	v3 =	vand.u32 $0x7, v3;
	v4 =	vand.u32 $0xFFFFFFF0, v45  }
0xd5: {  	v3 =	vor.u32 v3, v4  }
0xd6: {  	v4 =	vperm.xlane v3, v0;
	_ =	sdelay $0x1  }
0xd7: {  	v3 =	vperm.xlane v3, v2;
	v4 =	vadd.s32 v1, v4;
	_ =	sdelay $0x1  }
0xd8: {  	v3 =	vadd.s32 v1, v3;
	_ =	sdelay $0x2  }
0xd9: {  	[tilespmem:s17], [sflag:$0x1] =	stream.indirect_vreg.gather [hbm4b:s3+s2], $0x80, v4, vm0, $0xb8;
	[tilespmem:$0xC280] =	vst v63  }
0xda: {  	_ = 	snop  }
0xdb: {  	[tilespmem:s20], [sflag:$0x1] =	stream.indirect_vreg.gather [hbm4b:s3+s2], $0x80, v3, vm0, $0xb8;
	[tilespmem:$0xC280] =	vst v63  }
0xdc: {  	_ =	swait.ge [sflag:s18], $0x6000  }
0xdd: {  	[sflag:s18] =	ssyncset.done $0x0  }
0xde: {  	s7 =	rddreg [dreg:$0x7];
	[sflag:s18] =	ssyncadd.s32 $0xFFFFA000  }
0xdf: {  	[hbm4b:s7+s2] =	stream.linear.scatter [tilespmem:s19], [sflag:$0x3], $0x6000, $0x38;
	[tilespmem:$0xC280] =	vst v63  }
0xe0: {  	_ =	swait.ge [sflag:s5], $0x6000  }
0xe1: {  	[sflag:s5] =	ssyncset.done $0x0  }
0xe2: {  	[sflag:s5] =	ssyncadd.s32 $0xFFFFA000  }
0xe3: {  	v3 =	vld [tilespmem:$0x120];
	_ =	sdelay $0x4  }
0xe4: {  	v46 =	vshll.u32 v3, $0x1  }
0xe5: {  	v3 =	vand.u32 $0x7, v3;
	v4 =	vand.u32 $0xFFFFFFF0, v46  }
0xe6: {  	v3 =	vor.u32 v3, v4  }
0xe7: {  	v4 =	vperm.xlane v3, v0;
	_ =	sdelay $0x1  }
0xe8: {  	v3 =	vperm.xlane v3, v2;
	v4 =	vadd.s32 v1, v4;
	_ =	sdelay $0x1  }
0xe9: {  	v3 =	vadd.s32 v1, v3;
	_ =	sdelay $0x2  }
0xea: {  	[tilespmem:s6], [sflag:$0x2] =	stream.indirect_vreg.gather [hbm4b:s3+s2], $0x80, v4, vm0, $0xb8;
	[tilespmem:$0xC280] =	vst v63  }
0xeb: {  	_ = 	snop  }
0xec: {  	[tilespmem:s21], [sflag:$0x2] =	stream.indirect_vreg.gather [hbm4b:s3+s2], $0x80, v3, vm0, $0xb8;
	[tilespmem:$0xC280] =	vst v63  }
0xed: {  	v3 =	vld [tilespmem:$0x130];
	_ =	sdelay $0x4  }
0xee: {  	v47 =	vshll.u32 v3, $0x1  }
0xef: {  	v3 =	vand.u32 $0x7, v3;
	v4 =	vand.u32 $0xFFFFFFF0, v47  }
0xf0: {  	v3 =	vor.u32 v3, v4  }
0xf1: {  	v4 =	vperm.xlane v3, v0;
	_ =	sdelay $0x1  }
0xf2: {  	v3 =	vperm.xlane v3, v2;
	v4 =	vadd.s32 v1, v4;
	_ =	sdelay $0x1  }
0xf3: {  	v3 =	vadd.s32 v1, v3;
	_ =	sdelay $0x2  }
0xf4: {  	[tilespmem:s22], [sflag:$0x2] =	stream.indirect_vreg.gather [hbm4b:s3+s2], $0x80, v4, vm0, $0xb8;
	[tilespmem:$0xC280] =	vst v63  }
0xf5: {  	_ = 	snop  }
0xf6: {  	[tilespmem:s23], [sflag:$0x2] =	stream.indirect_vreg.gather [hbm4b:s3+s2], $0x80, v3, vm0, $0xb8;
	[tilespmem:$0xC280] =	vst v63  }
0xf7: {  	v3 =	vld [tilespmem:$0x140];
	_ =	sdelay $0x4  }
0xf8: {  	v48 =	vshll.u32 v3, $0x1  }
0xf9: {  	v3 =	vand.u32 $0x7, v3;
	v4 =	vand.u32 $0xFFFFFFF0, v48  }
0xfa: {  	v3 =	vor.u32 v3, v4  }
0xfb: {  	v4 =	vperm.xlane v3, v0;
	_ =	sdelay $0x1  }
0xfc: {  	v3 =	vperm.xlane v3, v2;
	v4 =	vadd.s32 v1, v4;
	_ =	sdelay $0x1  }
0xfd: {  	v3 =	vadd.s32 v1, v3;
	_ =	sdelay $0x2  }
0xfe: {  	[tilespmem:s24], [sflag:$0x2] =	stream.indirect_vreg.gather [hbm4b:s3+s2], $0x80, v4, vm0, $0xb8;
	[tilespmem:$0xC280] =	vst v63  }
0xff: {  	_ = 	snop  }
0x100: {  	[tilespmem:s25], [sflag:$0x2] =	stream.indirect_vreg.gather [hbm4b:s3+s2], $0x80, v3, vm0, $0xb8;
	[tilespmem:$0xC280] =	vst v63  }
0x101: {  	v3 =	vld [tilespmem:$0x150];
	_ =	sdelay $0x4  }
0x102: {  	v49 =	vshll.u32 v3, $0x1  }
0x103: {  	v3 =	vand.u32 $0x7, v3;
	v4 =	vand.u32 $0xFFFFFFF0, v49  }
0x104: {  	v3 =	vor.u32 v3, v4  }
0x105: {  	v4 =	vperm.xlane v3, v0;
	_ =	sdelay $0x1  }
0x106: {  	v3 =	vperm.xlane v3, v2;
	v4 =	vadd.s32 v1, v4;
	_ =	sdelay $0x1  }
0x107: {  	v3 =	vadd.s32 v1, v3;
	_ =	sdelay $0x2  }
0x108: {  	[tilespmem:s26], [sflag:$0x2] =	stream.indirect_vreg.gather [hbm4b:s3+s2], $0x80, v4, vm0, $0xb8;
	[tilespmem:$0xC280] =	vst v63  }
0x109: {  	_ = 	snop  }
0x10a: {  	[tilespmem:s28], [sflag:$0x2] =	stream.indirect_vreg.gather [hbm4b:s3+s2], $0x80, v3, vm0, $0xb8;
	[tilespmem:$0xC280] =	vst v63  }
0x10b: {  	v3 =	vld [tilespmem:$0x160];
	_ =	sdelay $0x4  }
0x10c: {  	v50 =	vshll.u32 v3, $0x1  }
0x10d: {  	v3 =	vand.u32 $0x7, v3;
	v4 =	vand.u32 $0xFFFFFFF0, v50  }
0x10e: {  	v3 =	vor.u32 v3, v4  }
0x10f: {  	v4 =	vperm.xlane v3, v0;
	_ =	sdelay $0x1  }
0x110: {  	v3 =	vperm.xlane v3, v2;
	v4 =	vadd.s32 v1, v4;
	_ =	sdelay $0x1  }
0x111: {  	v3 =	vadd.s32 v1, v3;
	_ =	sdelay $0x2  }
0x112: {  	[tilespmem:s29], [sflag:$0x2] =	stream.indirect_vreg.gather [hbm4b:s3+s2], $0x80, v4, vm0, $0xb8;
	[tilespmem:$0xC280] =	vst v63  }
0x113: {  	_ = 	snop  }
0x114: {  	[tilespmem:s30], [sflag:$0x2] =	stream.indirect_vreg.gather [hbm4b:s3+s2], $0x80, v3, vm0, $0xb8;
	[tilespmem:$0xC280] =	vst v63  }
0x115: {  	v3 =	vld [tilespmem:$0x170];
	_ =	sdelay $0x4  }
0x116: {  	v51 =	vshll.u32 v3, $0x1  }
0x117: {  	v3 =	vand.u32 $0x7, v3;
	v4 =	vand.u32 $0xFFFFFFF0, v51  }
0x118: {  	v3 =	vor.u32 v3, v4  }
0x119: {  	v4 =	vperm.xlane v3, v0;
	_ =	sdelay $0x1  }
0x11a: {  	v3 =	vperm.xlane v3, v2;
	v4 =	vadd.s32 v1, v4;
	_ =	sdelay $0x1  }
0x11b: {  	v3 =	vadd.s32 v1, v3;
	_ =	sdelay $0x2  }
0x11c: {  	[tilespmem:s31], [sflag:$0x2] =	stream.indirect_vreg.gather [hbm4b:s3+s2], $0x80, v4, vm0, $0xb8;
	[tilespmem:$0xC280] =	vst v63  }
0x11d: {  	s7 =	simm.s32 $0xBA80  }
0x11e: {  	[tilespmem:s7], [sflag:$0x2] =	stream.indirect_vreg.gather [hbm4b:s3+s2], $0x80, v3, vm0, $0xb8;
	[tilespmem:$0xC280] =	vst v63  }
0x11f: {  	_ =	swait.ge [sflag:s1], $0x6000  }
0x120: {  	[sflag:s1] =	ssyncset.done $0x0  }
0x121: {  	s7 =	rddreg [dreg:$0x8];
	[sflag:s1] =	ssyncadd.s32 $0xFFFFA000  }
0x122: {  	[hbm4b:s7+s2] =	stream.linear.scatter [tilespmem:s6], [sflag:$0x4], $0x6000, $0x38;
	[tilespmem:$0xC280] =	vst v63  }
0x123: {  	_ =	swait.ge [sflag:s0], $0x6000  }
0x124: {  	[sflag:s0] =	ssyncset.done $0x0  }
0x125: {  	[sflag:s0] =	ssyncadd.s32 $0xFFFFA000  }
0x126: {  	v3 =	vld [tilespmem:$0x180];
	_ =	sdelay $0x4  }
0x127: {  	v52 =	vshll.u32 v3, $0x1  }
0x128: {  	v3 =	vand.u32 $0x7, v3;
	v4 =	vand.u32 $0xFFFFFFF0, v52  }
0x129: {  	v3 =	vor.u32 v3, v4  }
0x12a: {  	v4 =	vperm.xlane v3, v0;
	_ =	sdelay $0x1  }
0x12b: {  	v3 =	vperm.xlane v3, v2;
	v4 =	vadd.s32 v1, v4;
	_ =	sdelay $0x1  }
0x12c: {  	v3 =	vadd.s32 v1, v3;
	_ =	sdelay $0x2  }
0x12d: {  	[tilespmem:s19], [sflag:$0x1] =	stream.indirect_vreg.gather [hbm4b:s3+s2], $0x80, v4, vm0, $0xb8;
	[tilespmem:$0xC280] =	vst v63  }
0x12e: {  	_ = 	snop  }
0x12f: {  	[tilespmem:s8], [sflag:$0x1] =	stream.indirect_vreg.gather [hbm4b:s3+s2], $0x80, v3, vm0, $0xb8;
	[tilespmem:$0xC280] =	vst v63  }
0x130: {  	v3 =	vld [tilespmem:$0x190];
	_ =	sdelay $0x4  }
0x131: {  	v53 =	vshll.u32 v3, $0x1  }
0x132: {  	v3 =	vand.u32 $0x7, v3;
	v4 =	vand.u32 $0xFFFFFFF0, v53  }
0x133: {  	v3 =	vor.u32 v3, v4  }
0x134: {  	v4 =	vperm.xlane v3, v0;
	_ =	sdelay $0x1  }
0x135: {  	v3 =	vperm.xlane v3, v2;
	v4 =	vadd.s32 v1, v4;
	_ =	sdelay $0x1  }
0x136: {  	v3 =	vadd.s32 v1, v3;
	_ =	sdelay $0x2  }
0x137: {  	[tilespmem:s9], [sflag:$0x1] =	stream.indirect_vreg.gather [hbm4b:s3+s2], $0x80, v4, vm0, $0xb8;
	[tilespmem:$0xC280] =	vst v63  }
0x138: {  	_ = 	snop  }
0x139: {  	[tilespmem:s10], [sflag:$0x1] =	stream.indirect_vreg.gather [hbm4b:s3+s2], $0x80, v3, vm0, $0xb8;
	[tilespmem:$0xC280] =	vst v63  }
0x13a: {  	v3 =	vld [tilespmem:$0x1A0];
	_ =	sdelay $0x4  }
0x13b: {  	v54 =	vshll.u32 v3, $0x1  }
0x13c: {  	v3 =	vand.u32 $0x7, v3;
	v4 =	vand.u32 $0xFFFFFFF0, v54  }
0x13d: {  	v3 =	vor.u32 v3, v4  }
0x13e: {  	v4 =	vperm.xlane v3, v0;
	_ =	sdelay $0x1  }
0x13f: {  	v3 =	vperm.xlane v3, v2;
	v4 =	vadd.s32 v1, v4;
	_ =	sdelay $0x1  }
0x140: {  	v3 =	vadd.s32 v1, v3;
	_ =	sdelay $0x2  }
0x141: {  	[tilespmem:s11], [sflag:$0x1] =	stream.indirect_vreg.gather [hbm4b:s3+s2], $0x80, v4, vm0, $0xb8;
	[tilespmem:$0xC280] =	vst v63  }
0x142: {  	_ = 	snop  }
0x143: {  	[tilespmem:s12], [sflag:$0x1] =	stream.indirect_vreg.gather [hbm4b:s3+s2], $0x80, v3, vm0, $0xb8;
	[tilespmem:$0xC280] =	vst v63  }
0x144: {  	v3 =	vld [tilespmem:$0x1B0];
	_ =	sdelay $0x4  }
0x145: {  	v55 =	vshll.u32 v3, $0x1  }
0x146: {  	v3 =	vand.u32 $0x7, v3;
	v4 =	vand.u32 $0xFFFFFFF0, v55  }
0x147: {  	v3 =	vor.u32 v3, v4  }
0x148: {  	v4 =	vperm.xlane v3, v0;
	_ =	sdelay $0x1  }
0x149: {  	v3 =	vperm.xlane v3, v2;
	v4 =	vadd.s32 v1, v4;
	_ =	sdelay $0x1  }
0x14a: {  	v3 =	vadd.s32 v1, v3;
	_ =	sdelay $0x2  }
0x14b: {  	[tilespmem:s13], [sflag:$0x1] =	stream.indirect_vreg.gather [hbm4b:s3+s2], $0x80, v4, vm0, $0xb8;
	[tilespmem:$0xC280] =	vst v63  }
0x14c: {  	_ = 	snop  }
0x14d: {  	[tilespmem:s14], [sflag:$0x1] =	stream.indirect_vreg.gather [hbm4b:s3+s2], $0x80, v3, vm0, $0xb8;
	[tilespmem:$0xC280] =	vst v63  }
0x14e: {  	v3 =	vld [tilespmem:$0x1C0];
	_ =	sdelay $0x4  }
0x14f: {  	v56 =	vshll.u32 v3, $0x1  }
0x150: {  	v3 =	vand.u32 $0x7, v3;
	v4 =	vand.u32 $0xFFFFFFF0, v56  }
0x151: {  	v3 =	vor.u32 v3, v4  }
0x152: {  	v4 =	vperm.xlane v3, v0;
	_ =	sdelay $0x1  }
0x153: {  	v3 =	vperm.xlane v3, v2;
	v4 =	vadd.s32 v1, v4;
	_ =	sdelay $0x1  }
0x154: {  	v3 =	vadd.s32 v1, v3;
	_ =	sdelay $0x2  }
0x155: {  	[tilespmem:s15], [sflag:$0x1] =	stream.indirect_vreg.gather [hbm4b:s3+s2], $0x80, v4, vm0, $0xb8;
	[tilespmem:$0xC280] =	vst v63  }
0x156: {  	_ = 	snop  }
0x157: {  	[tilespmem:s16], [sflag:$0x1] =	stream.indirect_vreg.gather [hbm4b:s3+s2], $0x80, v3, vm0, $0xb8;
	[tilespmem:$0xC280] =	vst v63  }
0x158: {  	v3 =	vld [tilespmem:$0x1D0];
	_ =	sdelay $0x4  }
0x159: {  	v57 =	vshll.u32 v3, $0x1  }
0x15a: {  	v3 =	vand.u32 $0x7, v3;
	v4 =	vand.u32 $0xFFFFFFF0, v57  }
0x15b: {  	v3 =	vor.u32 v3, v4  }
0x15c: {  	v4 =	vperm.xlane v3, v0;
	_ =	sdelay $0x1  }
0x15d: {  	v3 =	vperm.xlane v3, v2;
	v4 =	vadd.s32 v1, v4;
	_ =	sdelay $0x1  }
0x15e: {  	v3 =	vadd.s32 v1, v3;
	_ =	sdelay $0x2  }
0x15f: {  	[tilespmem:s17], [sflag:$0x1] =	stream.indirect_vreg.gather [hbm4b:s3+s2], $0x80, v4, vm0, $0xb8;
	[tilespmem:$0xC280] =	vst v63  }
0x160: {  	_ = 	snop  }
0x161: {  	[tilespmem:s20], [sflag:$0x1] =	stream.indirect_vreg.gather [hbm4b:s3+s2], $0x80, v3, vm0, $0xb8;
	[tilespmem:$0xC280] =	vst v63  }
0x162: {  	_ =	swait.ge [sflag:s18], $0x6000  }
0x163: {  	[sflag:s18] =	ssyncset.done $0x0  }
0x164: {  	s7 =	rddreg [dreg:$0x9];
	[sflag:s18] =	ssyncadd.s32 $0xFFFFA000  }
0x165: {  	[hbm4b:s7+s2] =	stream.linear.scatter [tilespmem:s19], [sflag:$0x3], $0x6000, $0x38;
	[tilespmem:$0xC280] =	vst v63  }
0x166: {  	_ =	swait.ge [sflag:s5], $0x6000  }
0x167: {  	[sflag:s5] =	ssyncset.done $0x0  }
0x168: {  	[sflag:s5] =	ssyncadd.s32 $0xFFFFA000  }
0x169: {  	v3 =	vld [tilespmem:$0x1E0];
	_ =	sdelay $0x4  }
0x16a: {  	v58 =	vshll.u32 v3, $0x1  }
0x16b: {  	v3 =	vand.u32 $0x7, v3;
	v4 =	vand.u32 $0xFFFFFFF0, v58  }
0x16c: {  	v3 =	vor.u32 v3, v4  }
0x16d: {  	v4 =	vperm.xlane v3, v0;
	_ =	sdelay $0x1  }
0x16e: {  	v3 =	vperm.xlane v3, v2;
	v4 =	vadd.s32 v1, v4;
	_ =	sdelay $0x1  }
0x16f: {  	v3 =	vadd.s32 v1, v3;
	_ =	sdelay $0x2  }
0x170: {  	[tilespmem:s6], [sflag:$0x2] =	stream.indirect_vreg.gather [hbm4b:s3+s2], $0x80, v4, vm0, $0xb8;
	[tilespmem:$0xC280] =	vst v63  }
0x171: {  	_ = 	snop  }
0x172: {  	[tilespmem:s21], [sflag:$0x2] =	stream.indirect_vreg.gather [hbm4b:s3+s2], $0x80, v3, vm0, $0xb8;
	[tilespmem:$0xC280] =	vst v63  }
0x173: {  	v3 =	vld [tilespmem:$0x1F0];
	_ =	sdelay $0x4  }
0x174: {  	v59 =	vshll.u32 v3, $0x1  }
0x175: {  	v3 =	vand.u32 $0x7, v3;
	v4 =	vand.u32 $0xFFFFFFF0, v59  }
0x176: {  	v3 =	vor.u32 v3, v4  }
0x177: {  	v4 =	vperm.xlane v3, v0;
	_ =	sdelay $0x1  }
0x178: {  	v3 =	vperm.xlane v3, v2;
	v4 =	vadd.s32 v1, v4;
	_ =	sdelay $0x1  }
0x179: {  	v3 =	vadd.s32 v1, v3;
	_ =	sdelay $0x2  }
0x17a: {  	[tilespmem:s22], [sflag:$0x2] =	stream.indirect_vreg.gather [hbm4b:s3+s2], $0x80, v4, vm0, $0xb8;
	[tilespmem:$0xC280] =	vst v63  }
0x17b: {  	_ = 	snop  }
0x17c: {  	[tilespmem:s23], [sflag:$0x2] =	stream.indirect_vreg.gather [hbm4b:s3+s2], $0x80, v3, vm0, $0xb8;
	[tilespmem:$0xC280] =	vst v63  }
0x17d: {  	v3 =	vld [tilespmem:$0x200];
	_ =	sdelay $0x4  }
0x17e: {  	v60 =	vshll.u32 v3, $0x1  }
0x17f: {  	v3 =	vand.u32 $0x7, v3;
	v4 =	vand.u32 $0xFFFFFFF0, v60  }
0x180: {  	v3 =	vor.u32 v3, v4  }
0x181: {  	v4 =	vperm.xlane v3, v0;
	_ =	sdelay $0x1  }
0x182: {  	v3 =	vperm.xlane v3, v2;
	v4 =	vadd.s32 v1, v4;
	_ =	sdelay $0x1  }
0x183: {  	v3 =	vadd.s32 v1, v3;
	_ =	sdelay $0x2  }
0x184: {  	[tilespmem:s24], [sflag:$0x2] =	stream.indirect_vreg.gather [hbm4b:s3+s2], $0x80, v4, vm0, $0xb8;
	[tilespmem:$0xC280] =	vst v63  }
0x185: {  	_ = 	snop  }
0x186: {  	[tilespmem:s25], [sflag:$0x2] =	stream.indirect_vreg.gather [hbm4b:s3+s2], $0x80, v3, vm0, $0xb8;
	[tilespmem:$0xC280] =	vst v63  }
0x187: {  	v3 =	vld [tilespmem:$0x210];
	_ =	sdelay $0x4  }
0x188: {  	v61 =	vshll.u32 v3, $0x1  }
0x189: {  	v3 =	vand.u32 $0x7, v3;
	v4 =	vand.u32 $0xFFFFFFF0, v61  }
0x18a: {  	v3 =	vor.u32 v3, v4  }
0x18b: {  	v4 =	vperm.xlane v3, v0;
	_ =	sdelay $0x1  }
0x18c: {  	v3 =	vperm.xlane v3, v2;
	v4 =	vadd.s32 v1, v4;
	_ =	sdelay $0x1  }
0x18d: {  	v3 =	vadd.s32 v1, v3;
	_ =	sdelay $0x2  }
0x18e: {  	[tilespmem:s26], [sflag:$0x2] =	stream.indirect_vreg.gather [hbm4b:s3+s2], $0x80, v4, vm0, $0xb8;
	[tilespmem:$0xC280] =	vst v63  }
0x18f: {  	_ = 	snop  }
0x190: {  	[tilespmem:s28], [sflag:$0x2] =	stream.indirect_vreg.gather [hbm4b:s3+s2], $0x80, v3, vm0, $0xb8;
	[tilespmem:$0xC280] =	vst v63  }
0x191: {  	v3 =	vld [tilespmem:$0x220];
	_ =	sdelay $0x4  }
0x192: {  	v62 =	vshll.u32 v3, $0x1  }
0x193: {  	v3 =	vand.u32 $0x7, v3;
	v4 =	vand.u32 $0xFFFFFFF0, v62  }
0x194: {  	v3 =	vor.u32 v3, v4  }
0x195: {  	v4 =	vperm.xlane v3, v0;
	_ =	sdelay $0x1  }
0x196: {  	v3 =	vperm.xlane v3, v2;
	v4 =	vadd.s32 v1, v4;
	_ =	sdelay $0x1  }
0x197: {  	v3 =	vadd.s32 v1, v3;
	_ =	sdelay $0x2  }
0x198: {  	[tilespmem:s29], [sflag:$0x2] =	stream.indirect_vreg.gather [hbm4b:s3+s2], $0x80, v4, vm0, $0xb8;
	[tilespmem:$0xC280] =	vst v63  }
0x199: {  	_ = 	snop  }
0x19a: {  	[tilespmem:s30], [sflag:$0x2] =	stream.indirect_vreg.gather [hbm4b:s3+s2], $0x80, v3, vm0, $0xb8;
	[tilespmem:$0xC280] =	vst v63  }
0x19b: {  	v3 =	vld [tilespmem:$0x230];
	_ =	sdelay $0x4  }
0x19c: {  	v63 =	vshll.u32 v3, $0x1  }
0x19d: {  	v3 =	vand.u32 $0x7, v3;
	v4 =	vand.u32 $0xFFFFFFF0, v63  }
0x19e: {  	v3 =	vor.u32 v3, v4  }
0x19f: {  	v4 =	vperm.xlane v3, v0;
	_ =	sdelay $0x1  }
0x1a0: {  	v3 =	vperm.xlane v3, v2;
	v4 =	vadd.s32 v1, v4;
	_ =	sdelay $0x1  }
0x1a1: {  	v3 =	vadd.s32 v1, v3;
	_ =	sdelay $0x2  }
0x1a2: {  	[tilespmem:s31], [sflag:$0x2] =	stream.indirect_vreg.gather [hbm4b:s3+s2], $0x80, v4, vm0, $0xb8;
	[tilespmem:$0xC280] =	vst v63  }
0x1a3: {  	s7 =	simm.s32 $0xBA80  }
0x1a4: {  	[tilespmem:s7], [sflag:$0x2] =	stream.indirect_vreg.gather [hbm4b:s3+s2], $0x80, v3, vm0, $0xb8;
	[tilespmem:$0xC280] =	vst v63  }
0x1a5: {  	_ =	swait.ge [sflag:s1], $0x6000  }
0x1a6: {  	[sflag:s1] =	ssyncset.done $0x0  }
0x1a7: {  	s7 =	rddreg [dreg:$0xa];
	[sflag:s1] =	ssyncadd.s32 $0xFFFFA000  }
0x1a8: {  	[hbm4b:s7+s2] =	stream.linear.scatter [tilespmem:s6], [sflag:$0x4], $0x6000, $0x38;
	[tilespmem:$0xC280] =	vst v63  }
0x1a9: {  	p0 =	sne.s32 s4, $0x1;
	_ =	swait.ge [sflag:s0], $0x6000  }
.Ltmp0:
0x1aa: {  	[sflag:s0] =	ssyncset.done $0x0;
	(pc) =	sbr.rel @p0 .LBB2_1-.Ltmp0, $4  }
0x1ab: {  	[sflag:s0] =	ssyncadd.s32 $0xFFFFA000  }
0x1ac: {  	_ =	swait.ge [sflag:s5], $0x6000  }
0x1ad: {  	[sflag:s5] =	ssyncset.done $0x0  }
0x1ae: {  	s4 =	sadd.s32 $0xFFFFFFFF, s4;
	[sflag:s5] =	ssyncadd.s32 $0xFFFFA000  }
0x1af: {  	_ =	sfence.sel $0x180000  }
0x1b0: {  	[bflag:$0x0] =	sbarrier.arrive $0xFFFF  }
0x1b1: {  	_ =	strace $0x9000004D  }
0x1b2: {  	s0 =	stileid.u32;
	[bflag:$0x2] =	sbarrier.arrive $0xFFFF  }
0x1b3: {  	p0 =	sne.s32 s0, $0x0;
	s0 =	rddreg [dreg:$0x3]  }
0x1b4: {  	s0 =	sadd.s32 @!p0 $0x100000, s0  }
0x1b5: {  	[sflag:s0] =	ssyncadd.tile.s32 @!p0 $0x1;
	_ =	shalt  }
.Lfunc_end2:
_tile_overlayer_lowered:
.L_overlay_start_2:
0x1b6: {  	(tag) =	ssettag $0x2  }
0x1b7: {  	s0 =	rddreg [dreg:$0x0];
	s2 =	stileid.u32  }
0x1b8: {  	s1 =	rddreg [dreg:$0x1];
	p0 =	sne.s32 s2, $0x0  }
0x1b9: {  	s3 =	rddreg [dreg:$0x2];
	[bflag:$0x3] =	sbarrier.arrive $0xFFFF;
	s2 =	simm.s32 @!p0 $0x1C05  }
0x1ba: {  	[timem:s3], [sflag:s2] =	dma.local @!p0 [hbm:s0], s1  }
0x1bb: {  	s0 =	simm.s32 @!p0 $0x5  }
0x1bc: {  	_ =	swait.ge @!p0 [sflag:s0], s1  }
0x1bd: {  	s1 =	ssub.s32 @!p0 $0x0, s1;
	[sflag:s0] =	ssyncset.done @!p0 $0x0  }
0x1be: {  	[sflag:s0] =	ssyncadd.s32 @!p0 s1  }
0x1bf: {  	[bflag:$0x3] =	sbarrier.arrive $0xFFFF  }
0x1c0: {  	_ =	shalt  }

// kernel: kernel.8.cloned.1.call-start
scs
__scs_entry_jumppad:
0x0: {  	(pc) =	sbr.rel $0x88, $3  }
0x1: {  	(tag) =	ssettag $0x0;
	lr =	simm.s32 $0x1  }
0x2: {  	[smem:$0x3F9D] =	sst lr;
	_ =	strace $0xD0000000  }
0x3: {  	_ = 	snop  }
0x4: {  	_ = 	snop  }
0x5: {  	_ = 	snop  }
0x6: {  	_ = 	snop  }
0x7: {  	_ = 	snop  }
__scs_overlays_trampoline_lowered:
0x8: {  	[smem:$0x3FAC] =	sst s0  }
0x9: {  	[smem:$0x3FAD] =	sst s1  }
0xa: {  	[smem:$0x3FAE] =	sst s2  }
0xb: {  	[smem:$0x3FAF] =	sst s3  }
0xc: {  	[smem:$0x3FB0] =	sst s4  }
0xd: {  	[smem:$0x3FB1] =	sst s5  }
0xe: {  	[smem:$0x3FB2] =	sst s6  }
0xf: {  	[smem:$0x3FB3] =	sst s7  }
0x10: {  	[smem:$0x3FB4] =	sst s8  }
0x11: {  	[smem:$0x3FB5] =	sst s9;
	s0 =	simm.s32 @!p0 $0x0  }
0x12: {  	s1 =	sld [smem:$0x3F9B];
	s0 =	simm.s32 @p0 $0x1  }
0x13: {  	[smem:$0x3FB6] =	sst s0;
	s0 =	simm.s32 @!p1 $0x0  }
0x14: {  	s2 =	sld [smem:$0x3F9A];
	s0 =	simm.s32 @p1 $0x1  }
0x15: {  	[smem:$0x3FB7] =	sst s0;
	s0 =	simm.s32 @!p2 $0x0  }
0x16: {  	s3 =	sld [smem:$0x3FDB];
	s0 =	simm.s32 @p2 $0x1  }
0x17: {  	s4 =	simm.s32 $0x1BF5;
	[smem:$0x3FB9] =	sst s0  }
0x18: {  	s0 =	sld [smem:$0x3F9C];
	_ =	swait.ge [sflag:s4], $0x0  }
0x19: {  	s7 =	sld [smem:$0x3F9D]  }
0x1a: {  	s8 =	sadd.s32 $0xFFFFE003, lr  }
0x1b: {  	s9 =	sadd.s32 $0xFFFFFEF7, lr;
	s5 =	simm.s32 $0xFFFFFFFF;
	p2 =	slt.u32 s8, $0xFFFFF086  }
0x1c: {  	p1 =	slt.u32 s9, $0xF7A;
	s5 =	simm.s32 @!p2 $0x0  }
0x1d: {  	s5 =	simm.s32 @p1 $0x1;
	p0 =	seq.s32 s7, s2  }
0x1e: {  	s7 =	smul.u32 @!p0 $0xF7A, s2;
	p2 =	seq.s32 @!p0 s5, $0x0  }
0x1f: {  	s9 =	smul.u32 $0xF7A, s1;
	s8 =	simm.s32 @!p0 $0x1BF5;
	p2 =	por !p2, p0  }
0x20: {  	[sflag:s8] =	ssyncset.s32 @!p0 $0xFFFFF086;
	s6 =	sadd.s32 @!p0 s3, s7;
	s7 =	simm.s32 @!p0 $0x108  }
0x21: {  	s3 =	sadd.s32 s3, s9;
	s6 =	sadd.s32 @!p0 $0x88, s6;
	s7 =	simm.s32 @p2 $0x1082  }
0x22: {  	[simem:s7], [sflag:s8] =	dma.local @!p0 [hbm:s6], $0xF7A  }
0x23: {  	s9 =	sor.u32 $0xD0000000, s2;
	s6 =	simm.s32 $0x108;
	_ =	swait.ge @!p0 [sflag:s8], $0x0  }
0x24: {  	s3 =	sadd.s32 $0x88, s3;
	s6 =	simm.s32 @!p1 $0x1082;
	[sflag:s4] =	ssyncset.s32 $0xFFFFF086  }
0x25: {  	[simem:s6], [sflag:s4] =	dma.local [hbm:s3], $0xF7A  }
0x26: {  	[smem:$0x3F9D] =	sst s1;
	(tag) =	ssettag s2;
	_ =	strace s9  }
0x27: {  	s1 =	sld [smem:$0x3FAD]  }
0x28: {  	s2 =	sld [smem:$0x3FAE]  }
0x29: {  	s4 =	sld [smem:$0x3FB0]  }
0x2a: {  	p0 =	seq.s32 s5, $0x0;
	s5 =	sld [smem:$0x3FB1]  }
0x2b: {  	s6 =	sld [smem:$0x3FB2]  }
0x2c: {  	s7 =	sld [smem:$0x3FB3]  }
0x2d: {  	s3 =	simm.s32 $0x108;
	s8 =	sld [smem:$0x3FB4]  }
0x2e: {  	s3 =	simm.s32 @!p0 $0x1082;
	s9 =	sld [smem:$0x3FB5]  }
0x2f: {  	lr =	sadd.s32 s0, s3;
	s0 =	sld [smem:$0x3FAC]  }
0x30: {  	s3 =	sld [smem:$0x3FAF]  }
0x31: {  	[smem:$0x3FB8] =	sst s10  }
0x32: {  	s10 =	sld [smem:$0x3FB6];
	_ =	sdelay $0x3  }
0x33: {  	p0 =	seq.s32 s10, $0x1;
	s10 =	sld [smem:$0x3FB8];
	_ =	sdelay $0x3  }
0x34: {  	[smem:$0x3FB8] =	sst s10  }
0x35: {  	s10 =	sld [smem:$0x3FB7];
	_ =	sdelay $0x3  }
0x36: {  	p1 =	seq.s32 s10, $0x1;
	s10 =	sld [smem:$0x3FB8];
	_ =	sdelay $0x3  }
0x37: {  	[smem:$0x3FB8] =	sst s10  }
0x38: {  	s10 =	sld [smem:$0x3FB9]  }
0x39: {  	_ = 	snop;
	(pc) =	sbr.ind lr, $3  }
0x3a: {  	_ = 	snop  }
0x3b: {  	_ = 	snop  }
0x3c: {  	p2 =	seq.s32 s10, $0x1;
	s10 =	sld [smem:$0x3FB8]  }
0x3d: {  	_ =	shalt  }
0x3e: {  	_ =	shalt  }
0x3f: {  	_ =	shalt  }
0x40: {  	_ =	shalt  }
0x41: {  	_ =	shalt  }
0x42: {  	_ =	shalt  }
0x43: {  	_ =	shalt  }
0x44: {  	_ =	shalt  }
0x45: {  	_ =	shalt  }
0x46: {  	_ =	shalt  }
0x47: {  	_ =	shalt  }
0x48: {  	_ =	shalt  }
0x49: {  	_ =	shalt  }
0x4a: {  	_ =	shalt  }
0x4b: {  	_ =	shalt  }
0x4c: {  	_ =	shalt  }
0x4d: {  	_ =	shalt  }
0x4e: {  	_ =	shalt  }
0x4f: {  	_ =	shalt  }
0x50: {  	_ =	shalt  }
0x51: {  	_ =	shalt  }
0x52: {  	_ =	shalt  }
0x53: {  	_ =	shalt  }
0x54: {  	_ =	shalt  }
0x55: {  	_ =	shalt  }
0x56: {  	_ =	shalt  }
0x57: {  	_ =	shalt  }
0x58: {  	_ =	shalt  }
0x59: {  	_ =	shalt  }
0x5a: {  	_ =	shalt  }
0x5b: {  	_ =	shalt  }
0x5c: {  	_ =	shalt  }
0x5d: {  	_ =	shalt  }
0x5e: {  	_ =	shalt  }
0x5f: {  	_ =	shalt  }
0x60: {  	_ =	shalt  }
0x61: {  	_ =	shalt  }
0x62: {  	_ =	shalt  }
0x63: {  	_ =	shalt  }
0x64: {  	_ =	shalt  }
0x65: {  	_ =	shalt  }
0x66: {  	_ =	shalt  }
0x67: {  	_ =	shalt  }
0x68: {  	_ =	shalt  }
0x69: {  	_ =	shalt  }
0x6a: {  	_ =	shalt  }
0x6b: {  	_ =	shalt  }
0x6c: {  	_ =	shalt  }
0x6d: {  	_ =	shalt  }
0x6e: {  	_ =	shalt  }
0x6f: {  	_ =	shalt  }
0x70: {  	_ =	shalt  }
0x71: {  	_ =	shalt  }
0x72: {  	_ =	shalt  }
0x73: {  	_ =	shalt  }
0x74: {  	_ =	shalt  }
0x75: {  	_ =	shalt  }
0x76: {  	_ =	shalt  }
0x77: {  	_ =	shalt  }
0x78: {  	_ =	shalt  }
0x79: {  	_ =	shalt  }
0x7a: {  	_ =	shalt  }
0x7b: {  	_ =	shalt  }
0x7c: {  	_ =	shalt  }
0x7d: {  	_ =	shalt  }
0x7e: {  	_ =	shalt  }
0x7f: {  	_ =	shalt  }
0x80: {  	_ =	shalt  }
0x81: {  	_ =	shalt  }
0x82: {  	_ =	shalt  }
0x83: {  	_ =	shalt  }
0x84: {  	_ =	shalt  }
0x85: {  	_ =	shalt  }
0x86: {  	_ =	shalt  }
0x87: {  	_ =	shalt  }
.Lfunc_end0:
.L_simem_size_0:
called_computation_lowered:
.L_overlay_start_0:
0x88: {  	s2 =	sld [smem:$0x3FD9]  }
0x89: {  	s3 =	sld [smem:$0x3FFE];
	_ =	sdelay $0x1  }
0x8a: {  	s1 =	srdreg.scid  }
0x8b: {  	s0 =	sand.u32 $0x1, s1  }
0x8c: {  	s16 =	sshll.u32 s0, $0xA;
	s2 =	sadd.s32 s3, s2  }
0x8d: {  	s2 =	sadd.s32 s2, s16  }
0x8e: {  	[smem:$0x3FC4] =	sst s2  }
0x8f: {  	_ = 	snop  }
0x90: {  	s17 =	sld [smem:$0x3FD0];
	_ =	sdelay $0x2  }
0x91: {  	s5 =	simm.s32 $0xB;
	s4 =	simm.s32 $0x10;
	s2 =	sld [smem:$0x3FC9]  }
0x92: {  	[smem:s4], [sflag:s5] =	dma.local [hbm:s17], $0x1  }
0x93: {  	_ =	swait.eq [sflag:s5], $0x1  }
0x94: {  	[sflag:s5] =	ssyncset.done $0x0  }
0x95: {  	s18 =	sld [smem:$0x10];
	[sflag:s5] =	ssyncadd.s32 $0xFFFFFFFF  }
0x96: {  	s19 =	sld [smem:$0x11];
	(tm) =	ssettm $0x1  }
0x97: {  	s20 =	sld [smem:$0x3FFB];
	_ =	sdelay $0x3  }
0x98: {  	_ =	strace s20  }
0x99: {  	s3 =	sld [smem:$0x3FFC];
	_ =	sdelay $0x3  }
0x9a: {  	_ =	strace s3  }
0x9b: {  	s3 =	sld [smem:$0x3FFD];
	_ =	sdelay $0x3  }
0x9c: {  	_ =	strace s3  }
0x9d: {  	_ =	strace $0x8FFFFFFF  }
0x9e: {  	s21 =	sld [smem:$0x3FDB];
	_ =	sdelay $0x1  }
0x9f: {  	s6 =	simm.s32 $_scs_section_size  }
0xa0: {  	s7 =	simm.s32 $_size__tile_overlayer_lowered;
	s8 =	simm.s32 $_tile_overlayer_lowered  }
0xa1: {  	s9 =	simm.s32 $0x1BFF;
	s22 =	sshll.u32 s8, $0x1;
	s6 =	sadd.s32 s6, s21  }
0xa2: {  	s23 =	simm.s32 $0x0;
	s7 =	sshll.u32 s7, $0x1;
	s8 =	sadd.s32 s22, s6  }
0xa3: {  	[timem:s23], [sflag:s9] =	dma.local [hbm:s8], s7  }
0xa4: {  	_ =	swait.ge [sflag:s9], s7  }
0xa5: {  	s7 =	ssub.s32 $0x0, s7;
	[sflag:s9] =	ssyncset.done $0x0  }
0xa6: {  	[sflag:s9] =	ssyncadd.s32 s7;
	_ =	sdelay $0x1  }
0xa7: {  	s24 =	simm.s32 $0x1B8B  }
0xa8: {  	_ =	swait.ge [sflag:s24], $0x1  }
0xa9: {  	[sflag:s24] =	ssyncset.done $0x0  }
0xaa: {  	[sflag:s24] =	ssyncadd.s32 $0xFFFFFFFF  }
0xab: {  	s7 =	sld [smem:$0x0]  }
0xac: {  	s8 =	sand.u32 $0xFFFFFFFE, s1  }
0xad: {  	p0 =	sne.s32 s1, s8  }
0xae: {  	s8 =	sshll.u32 @p0 s8, $0xE  }
0xaf: {  	s8 =	sadd.s32 @p0 $0x11B8D, s8;
	s9 =	sshll.u32 @p0 s7, $0x11  }
0xb0: {  	s8 =	sor.u32 @p0 s9, s8  }
0xb1: {  	[sflag:s8] =	ssyncadd.remote.s32 @p0 $0x1;
	_ =	sdelay $0x1  }
0xb2: {  	s8 =	simm.s32 @p0 $0x1B8D  }
0xb3: {  	_ =	swait.eq @p0 [sflag:s8], $0x1  }
0xb4: {  	[sflag:s8] =	ssyncadd.s32 @p0 $0xFFFFFFFF  }
0xb5: {  	s9 =	sshll.u32 @!p0 s1, $0xE  }
0xb6: {  	s9 =	sor.u32 @!p0 $0x4000, s9;
	s8 =	simm.s32 @!p0 $0x1B8D  }
0xb7: {  	s7 =	sshll.u32 @!p0 s7, $0x11;
	s9 =	sadd.s32 @!p0 $0x11B8D, s9;
	_ =	swait.eq @!p0 [sflag:s8], $0x1  }
0xb8: {  	s7 =	sor.u32 @!p0 s7, s9;
	[sflag:s8] =	ssyncadd.s32 @!p0 $0xFFFFFFFF  }
0xb9: {  	s25 =	simm.s32 $0x1B8E;
	[sflag:s7] =	ssyncadd.remote.s32 @!p0 $0x1  }
0xba: {  	s26 =	simm.s32 $execute0_lowered;
	[smem:$0x3FD2] =	sst s25  }
0xbb: {  	s7 =	sshll.u32 s26, $0x1;
	_ =	strace $0x80000049;
	[dreg:$0x1] =	wrdreg $0xFFFFFFFF  }
0xbc: {  	s28 =	simm.s32 $_size_execute0_lowered;
	s6 =	sadd.s32 s6, s7;
	[dreg:$0x0] =	wrdreg $0x0  }
0xbd: {  	s7 =	sshll.u32 s28, $0x1;
	[dreg:$0x2] =	wrdreg s6  }
0xbe: {  	[dreg:$0x3] =	wrdreg s7  }
0xbf: {  	[dreg:$0x4] =	wrdreg $0xC0  }
0xc0: {  	_ =	task [dreg:s23], $0x5FFFF  }
0xc1: {  	[dreg:$0x1] =	wrdreg $0xFFFFFFFF  }
0xc2: {  	[dreg:$0x0] =	wrdreg $0x60  }
0xc3: {  	[dreg:$0x2] =	wrdreg s2  }
0xc4: {  	[dreg:$0x3] =	wrdreg s19  }
0xc5: {  	[dreg:$0x4] =	wrdreg s18  }
0xc6: {  	[dreg:$0x5] =	wrdreg $0x8C000  }
0xc7: {  	[dreg:$0x6] =	wrdreg $0x9  }
0xc8: {  	_ =	task.clear_ibuf [dreg:s23], $0x7FFFF;
	_ =	strace $0x90000049  }
0xc9: {  	s29 =	simm.s32 $0x9;
	_ =	strace $0x8000004B  }
0xca: {  	_ =	swait.ge [sflag:s29], $0x1  }
0xcb: {  	[sflag:s29] =	ssyncadd.s32 $0xFFFFFFFF  }
0xcc: {  	_ =	strace $0x9000004B  }
0xcd: {  	_ =	sfence  }
0xce: {  	s30 =	sld [smem:$0x0];
	_ =	sdelay $0x2  }
0xcf: {  	s31 =	sshll.u32 s1, $0xD;
	s1 =	sshrl.u32 s1, $0x2  }
0xd0: {  	s4 =	sand.u32 $0x4000, s31;
	s1 =	sadd.s32 s1, s30  }
0xd1: {  	s0 =	sor.u32 s4, s0;
	s1 =	sshll.u32 s1, $0x11  }
0xd2: {  	s0 =	sor.u32 s1, s0  }
0xd3: {  	s0 =	sadd.s32 $0x8F2B, s0  }
0xd4: {  	[sflag:s0] =	ssyncadd.remote.s32 $0x1  }
0xd5: {  	_ =	sfence.sel $0xFFFF  }
0xd6: {  	[dreg:$0x0] =	wrdreg $0xFFFFFFFF;
	(pc) =	sbr.abs _section_cstart, $3  }
0xd7: {  	[dreg:$0x1] =	wrdreg $0xFFFFFFFF  }
0xd8: {  	_ =	task.clear_ibuf [dreg:s23], $0x2FFFF;
	_ =	strace $0x9FFFFFFF  }
0xd9: {  	(tm) =	ssettm $0x7FFFFFFF  }
tec
execute0_lowered:
.L_overlay_start_1:
0x0: {  	(tag) =	ssettag $0x1  }
0x1: {  	s1 =	rddreg [dreg:$0x0]  }
0x2: {  	s4 =	rddreg [dreg:$0x1];
	s2 =	srdreg.scid  }
0x3: {  	s0 =	rddreg [dreg:$0x2];
	s11 =	stileid.u32  }
0x4: {  	s12 =	simm.s32 $0x0;
	s28 =	simm.s32 $0x100;
	s29 =	simm.s32 $0x180  }
0x5: {  	s30 =	simm.s32 $0x200;
	s31 =	simm.s32 $0x280;
	s5 =	sand.u32 $0x1, s2  }
0x6: {  	s2 =	rddreg [dreg:$0x3];
	s6 =	smul.u32 $0x480, s11;
	s3 =	ssub.s32 $0x2, s5  }
0x7: {  	s13 =	smul.u32 $0x48000, s11;
	[smem:$0x7FF] =	sst s12;
	s7 =	sshrl.u32 s3, $0x1  }
0x8: {  	s16 =	sshrl.u32 s6, $0x3;
	s8 =	sadd.s32 $0x80, s6;
	s9 =	sadd.s32 $0x100, s6  }
0x9: {  	s10 =	sadd.s32 $0x180, s6;
	s3 =	ssub.s32 s3, s7;
	s7 =	sadd.s32 s4, s16  }
0xa: {  	s17 =	sshrl.u32 s8, $0x3;
	s18 =	sshrl.u32 s9, $0x3;
	s19 =	sshrl.u32 s10, $0x3  }
0xb: {  	s16 =	sadd.s32 $0x200, s6;
	s25 =	sshll.u32 s8, $0x8;
	s26 =	sshll.u32 s9, $0x8  }
0xc: {  	[dreg:$0x5] =	wrdreg s7;
	s7 =	sadd.s32 s4, s17;
	s20 =	sshrl.u32 s16, $0x3  }
0xd: {  	s17 =	sadd.s32 $0x280, s6;
	s16 =	sshll.u32 s16, $0x8;
	[dreg:$0x6] =	wrdreg s7  }
0xe: {  	s7 =	sadd.s32 s4, s18;
	s21 =	sshrl.u32 s17, $0x3;
	s17 =	sshll.u32 s17, $0x8  }
0xf: {  	[dreg:$0x7] =	wrdreg s7;
	s7 =	sadd.s32 s4, s19;
	s19 =	sadd.s32 $0x300, s6  }
0x10: {  	[dreg:$0x8] =	wrdreg s7;
	s7 =	sadd.s32 s4, s20;
	s22 =	sshrl.u32 s19, $0x3  }
0x11: {  	s20 =	sadd.s32 $0x380, s6;
	s6 =	sadd.s32 $0x400, s6;
	[dreg:$0x9] =	wrdreg s7  }
0x12: {  	s7 =	sadd.s32 s4, s21;
	s23 =	sshrl.u32 s20, $0x3;
	s24 =	sshrl.u32 s6, $0x3  }
0x13: {  	s6 =	sshll.u32 s6, $0x8;
	[dreg:$0xa] =	wrdreg s7;
	s7 =	sadd.s32 s4, s22  }
0x14: {  	[dreg:$0xb] =	wrdreg s7;
	s7 =	sadd.s32 s4, s23;
	s4 =	sadd.s32 s4, s24  }
0x15: {  	s22 =	sshll.u32 s19, $0x8;
	[dreg:$0xd] =	wrdreg s4;
	s4 =	sshll.u32 s5, $0xA  }
0x16: {  	s23 =	sshll.u32 s20, $0x8;
	[dreg:$0xc] =	wrdreg s7;
	s5 =	sor.u32 s4, s13  }
0x17: {  	s7 =	sor.u32 s4, s25;
	s8 =	sor.u32 s4, s26;
	s13 =	sshll.u32 s10, $0x8  }
0x18: {  	s6 =	sor.u32 s4, s6;
	s25 =	sshll.u32 s11, $0x11;
	s26 =	sshll.u32 s11, $0x10  }
0x19: {  	s5 =	sshrl.u32 s5, $0x3;
	s7 =	sshrl.u32 s7, $0x3;
	s9 =	sshrl.u32 s8, $0x3  }
0x1a: {  	s8 =	sor.u32 s4, s17;
	s6 =	sshrl.u32 s6, $0x3;
	s5 =	sadd.s32 s1, s5  }
0x1b: {  	s14 =	sadd.s32 s1, s7;
	s15 =	sadd.s32 s1, s9;
	s7 =	sor.u32 s4, s16  }
0x1c: {  	s21 =	sshrl.u32 s8, $0x3;
	s8 =	simm.s32 $0x2;
	s9 =	simm.s32 $0x0  }
0x1d: {  	[dreg:$0xe] =	wrdreg s5;
	s5 =	sor.u32 s4, s13;
	s18 =	sshrl.u32 s7, $0x3  }
0x1e: {  	s7 =	sor.u32 s4, s23;
	s13 =	simm.s32 $0x8;
	s5 =	sshrl.u32 s5, $0x3  }
0x1f: {  	s17 =	sadd.s32 s1, s18;
	s18 =	sadd.s32 s1, s21;
	s24 =	sshrl.u32 s7, $0x3  }
0x20: {  	s21 =	sadd.s32 s1, s6;
	_ =	strace $0x8000004A;
	s6 =	simm.s32 $0x1  }
0x21: {  	s7 =	simm.s32 $0x4800;
	s16 =	sadd.s32 s1, s5;
	s5 =	sor.u32 s4, s22  }
0x22: {  	s20 =	sadd.s32 s1, s24;
	s22 =	sadd.s32 s26, s2;
	s24 =	smax.u32 s3, $0x1  }
0x23: {  	s26 =	simm.s32 $0x80;
	s3 =	simm.s32 $0x400;
	s5 =	sshrl.u32 s5, $0x3  }
0x24: {  	s19 =	sadd.s32 s1, s5;
	s1 =	sor.u32 s4, s25;
	s25 =	simm.s32 $0x3  }
0x25: {  	s4 =	simm.s32 $0x800;
	s5 =	simm.s32 $0x8800;
	s1 =	sshrl.u32 s1, $0x3  }
0x26: {  	v0 =	vimm.f32 $0.0e+00;
	s23 =	sadd.s32 s0, s1;
	s1 =	simm.s32 $0x300;
	s0 =	simm.s32 $0x380  }
.LBB2_1:
0x27: {  	s10 =	rddreg [dreg:$0x5]  }
0x28: {  	[tilespmem:s12], [sflag:$0x3] =	stream.linear.gather [hbm4b:s10+s12], $0x80, $0x38;
	[tilespmem:$0x18C00] =	vst v63  }
0x29: {  	_ =	swait.ge [sflag:s25], $0x80  }
0x2a: {  	[sflag:s25] =	ssyncset.done $0x0  }
0x2b: {  	s11 =	rddreg [dreg:$0x6];
	[sflag:s25] =	ssyncadd.s32 $0xFFFFFF80  }
0x2c: {  	[tilespmem:s26], [sflag:$0x3] =	stream.linear.gather [hbm4b:s11+s12], $0x80, $0x38;
	[tilespmem:$0x18C00] =	vst v63  }
0x2d: {  	_ =	swait.ge [sflag:s25], $0x80  }
0x2e: {  	[sflag:s25] =	ssyncset.done $0x0  }
0x2f: {  	s11 =	rddreg [dreg:$0x7];
	[sflag:s25] =	ssyncadd.s32 $0xFFFFFF80  }
0x30: {  	[tilespmem:s28], [sflag:$0x3] =	stream.linear.gather [hbm4b:s11+s12], $0x80, $0x38;
	[tilespmem:$0x18C00] =	vst v63  }
0x31: {  	_ =	swait.ge [sflag:s25], $0x80  }
0x32: {  	[sflag:s25] =	ssyncset.done $0x0  }
0x33: {  	s11 =	rddreg [dreg:$0x8];
	[sflag:s25] =	ssyncadd.s32 $0xFFFFFF80  }
0x34: {  	[tilespmem:s29], [sflag:$0x3] =	stream.linear.gather [hbm4b:s11+s12], $0x80, $0x38;
	[tilespmem:$0x18C00] =	vst v63  }
0x35: {  	_ =	swait.ge [sflag:s25], $0x80  }
0x36: {  	[sflag:s25] =	ssyncset.done $0x0  }
0x37: {  	s11 =	rddreg [dreg:$0x9];
	[sflag:s25] =	ssyncadd.s32 $0xFFFFFF80  }
0x38: {  	[tilespmem:s30], [sflag:$0x3] =	stream.linear.gather [hbm4b:s11+s12], $0x80, $0x38;
	[tilespmem:$0x18C00] =	vst v63  }
0x39: {  	_ =	swait.ge [sflag:s25], $0x80  }
0x3a: {  	[sflag:s25] =	ssyncset.done $0x0  }
0x3b: {  	s11 =	rddreg [dreg:$0xa];
	[sflag:s25] =	ssyncadd.s32 $0xFFFFFF80  }
0x3c: {  	[tilespmem:s31], [sflag:$0x3] =	stream.linear.gather [hbm4b:s11+s12], $0x80, $0x38;
	[tilespmem:$0x18C00] =	vst v63  }
0x3d: {  	_ =	swait.ge [sflag:s25], $0x80  }
0x3e: {  	[sflag:s25] =	ssyncset.done $0x0  }
0x3f: {  	s11 =	rddreg [dreg:$0xb];
	[sflag:s25] =	ssyncadd.s32 $0xFFFFFF80  }
0x40: {  	[tilespmem:s1], [sflag:$0x3] =	stream.linear.gather [hbm4b:s11+s12], $0x80, $0x38;
	[tilespmem:$0x18C00] =	vst v63  }
0x41: {  	_ =	swait.ge [sflag:s25], $0x80  }
0x42: {  	[sflag:s25] =	ssyncset.done $0x0  }
0x43: {  	s11 =	rddreg [dreg:$0xc];
	[sflag:s25] =	ssyncadd.s32 $0xFFFFFF80  }
0x44: {  	[tilespmem:s0], [sflag:$0x3] =	stream.linear.gather [hbm4b:s11+s12], $0x80, $0x38;
	[tilespmem:$0x18C00] =	vst v63  }
0x45: {  	_ =	swait.ge [sflag:s25], $0x80  }
0x46: {  	[sflag:s25] =	ssyncset.done $0x0  }
0x47: {  	s11 =	rddreg [dreg:$0xd];
	[sflag:s25] =	ssyncadd.s32 $0xFFFFFF80  }
0x48: {  	[tilespmem:s3], [sflag:$0x3] =	stream.linear.gather [hbm4b:s11+s12], $0x80, $0x38;
	[tilespmem:$0x18C00] =	vst v63  }
0x49: {  	_ =	swait.ge [sflag:s25], $0x80  }
0x4a: {  	[sflag:s25] =	ssyncset.done $0x0  }
0x4b: {  	s11 =	rddreg [dreg:$0xe];
	[sflag:s25] =	ssyncadd.s32 $0xFFFFFF80  }
0x4c: {  	[tilespmem:s4], [sflag:$0x1] =	stream.strided.gather [hbm4b:s11+s3], $0x4000, s4, s3, $0x38;
	[tilespmem:$0x18C00] =	vst v63  }
0x4d: {  	[tilespmem:$0x8800] =	vst v0  }
0x4e: {  	[tilespmem:$0x8810] =	vst v0  }
0x4f: {  	[tilespmem:$0x8820] =	vst v0  }
0x50: {  	[tilespmem:$0x8830] =	vst v0  }
0x51: {  	[tilespmem:$0x8840] =	vst v0  }
0x52: {  	[tilespmem:$0x8850] =	vst v0  }
0x53: {  	[tilespmem:$0x8860] =	vst v0  }
0x54: {  	[tilespmem:$0x8870] =	vst v0  }
0x55: {  	[tilespmem:$0x8880] =	vst v0  }
0x56: {  	[tilespmem:$0x8890] =	vst v0  }
0x57: {  	[tilespmem:$0x88A0] =	vst v0  }
0x58: {  	[tilespmem:$0x88B0] =	vst v0  }
0x59: {  	[tilespmem:$0x88C0] =	vst v0  }
0x5a: {  	[tilespmem:$0x88D0] =	vst v0  }
0x5b: {  	[tilespmem:$0x88E0] =	vst v0  }
0x5c: {  	[tilespmem:$0x88F0] =	vst v0  }
0x5d: {  	[tilespmem:$0x8900] =	vst v0  }
0x5e: {  	[tilespmem:$0x8910] =	vst v0  }
0x5f: {  	[tilespmem:$0x8920] =	vst v0  }
0x60: {  	[tilespmem:$0x8930] =	vst v0  }
0x61: {  	[tilespmem:$0x8940] =	vst v0  }
0x62: {  	[tilespmem:$0x8950] =	vst v0  }
0x63: {  	[tilespmem:$0x8960] =	vst v0  }
0x64: {  	[tilespmem:$0x8970] =	vst v0  }
0x65: {  	[tilespmem:$0x8980] =	vst v0  }
0x66: {  	[tilespmem:$0x8990] =	vst v0  }
0x67: {  	[tilespmem:$0x89A0] =	vst v0  }
0x68: {  	[tilespmem:$0x89B0] =	vst v0  }
0x69: {  	[tilespmem:$0x89C0] =	vst v0  }
0x6a: {  	[tilespmem:$0x89D0] =	vst v0  }
0x6b: {  	[tilespmem:$0x89E0] =	vst v0  }
0x6c: {  	[tilespmem:$0x89F0] =	vst v0  }
0x6d: {  	[tilespmem:$0x8A00] =	vst v0  }
0x6e: {  	[tilespmem:$0x8A10] =	vst v0  }
0x6f: {  	[tilespmem:$0x8A20] =	vst v0  }
0x70: {  	[tilespmem:$0x8A30] =	vst v0  }
0x71: {  	[tilespmem:$0x8A40] =	vst v0  }
0x72: {  	[tilespmem:$0x8A50] =	vst v0  }
0x73: {  	[tilespmem:$0x8A60] =	vst v0  }
0x74: {  	[tilespmem:$0x8A70] =	vst v0  }
0x75: {  	[tilespmem:$0x8A80] =	vst v0  }
0x76: {  	[tilespmem:$0x8A90] =	vst v0  }
0x77: {  	[tilespmem:$0x8AA0] =	vst v0  }
0x78: {  	[tilespmem:$0x8AB0] =	vst v0  }
0x79: {  	[tilespmem:$0x8AC0] =	vst v0  }
0x7a: {  	[tilespmem:$0x8AD0] =	vst v0  }
0x7b: {  	[tilespmem:$0x8AE0] =	vst v0  }
0x7c: {  	[tilespmem:$0x8AF0] =	vst v0  }
0x7d: {  	[tilespmem:$0x8B00] =	vst v0  }
0x7e: {  	[tilespmem:$0x8B10] =	vst v0  }
0x7f: {  	[tilespmem:$0x8B20] =	vst v0  }
0x80: {  	[tilespmem:$0x8B30] =	vst v0  }
0x81: {  	[tilespmem:$0x8B40] =	vst v0  }
0x82: {  	[tilespmem:$0x8B50] =	vst v0  }
0x83: {  	[tilespmem:$0x8B60] =	vst v0  }
0x84: {  	[tilespmem:$0x8B70] =	vst v0  }
0x85: {  	[tilespmem:$0x8B80] =	vst v0  }
0x86: {  	[tilespmem:$0x8B90] =	vst v0  }
0x87: {  	[tilespmem:$0x8BA0] =	vst v0  }
0x88: {  	[tilespmem:$0x8BB0] =	vst v0  }
0x89: {  	[tilespmem:$0x8BC0] =	vst v0  }
0x8a: {  	[tilespmem:$0x8BD0] =	vst v0  }
0x8b: {  	[tilespmem:$0x8BE0] =	vst v0  }
0x8c: {  	s11 =	sadd.s32 $0x0, s22;
	[tilespmem:$0x8BF0] =	vst v0  }
0x8d: {  	[spmem:s11] =	stream.linear.scatter [tilespmem:s5], [sflag:$0x3], $0x400, $0x38;
	[tilespmem:$0x18C00] =	vst v63  }
0x8e: {  	s10 =	simm.s32 $0x1000;
	_ =	swait.ge [sflag:s25], $0x400  }
.LBB2_2:
0x8f: {  	s11 =	sshra.s32 s10, $0x2;
	[sflag:s25] =	ssyncset.done $0x0;
	p0 =	sne.s32 s10, $0x3F000  }
.Ltmp0:
0x90: {  	s11 =	sadd.s32 s11, s22;
	[sflag:s25] =	ssyncadd.s32 $0xFFFFFC00;
	(pc) =	sbr.rel @p0 .LBB2_2-.Ltmp0, $3  }
0x91: {  	[spmem:s11] =	stream.linear.scatter [tilespmem:s5], [sflag:$0x3], $0x400, $0x38;
	[tilespmem:$0x18C00] =	vst v63  }
0x92: {  	s10 =	sadd.s32 $0x1000, s10;
	_ =	sdelay $0x1  }
0x93: {  	_ =	swait.ge [sflag:s25], $0x400  }
0x94: {  	[sflag:s25] =	ssyncset.done $0x0  }
0x95: {  	[sflag:s25] =	ssyncadd.s32 $0xFFFFFC00  }
0x96: {  	[bflag:$0x0] =	sbarrier.arrive $0xFFFF  }
0x97: {  	_ =	swait.ge [sflag:s6], $0x4000  }
0x98: {  	[sflag:s6] =	ssyncset.done $0x0  }
0x99: {  	[sflag:s6] =	ssyncadd.s32 $0xFFFFC000  }
0x9a: {  	[tilespmem:s7], [sflag:$0x2] =	stream.strided.gather [hbm4b:s14+s3], $0x4000, s4, s3, $0x38;
	[tilespmem:$0x18C00] =	vst v63  }
0x9b: {  	_ = 	snop  }
0x9c: {  	[spmem:s2] =	stream.indirect.scatter.add.f32 [tilespmem:s4], [sflag:$0x3], $0x80, s12, s26, $0xb8;
	[tilespmem:$0x18C00] =	vst v63  }
0x9d: {  	_ =	swait.ge [sflag:s25], $0x4000  }
0x9e: {  	[sflag:s25] =	ssyncset.done $0x0  }
0x9f: {  	[sflag:s25] =	ssyncadd.s32 $0xFFFFC000  }
0xa0: {  	_ =	swait.ge [sflag:s8], $0x4000  }
0xa1: {  	[sflag:s8] =	ssyncset.done $0x0  }
0xa2: {  	[sflag:s8] =	ssyncadd.s32 $0xFFFFC000  }
0xa3: {  	[tilespmem:s4], [sflag:$0x1] =	stream.strided.gather [hbm4b:s15+s3], $0x4000, s4, s3, $0x38;
	[tilespmem:$0x18C00] =	vst v63  }
0xa4: {  	_ = 	snop  }
0xa5: {  	[spmem:s2] =	stream.indirect.scatter.add.f32 [tilespmem:s7], [sflag:$0x3], $0x80, s26, s26, $0xb8;
	[tilespmem:$0x18C00] =	vst v63  }
0xa6: {  	_ =	swait.ge [sflag:s25], $0x4000  }
0xa7: {  	[sflag:s25] =	ssyncset.done $0x0  }
0xa8: {  	[sflag:s25] =	ssyncadd.s32 $0xFFFFC000  }
0xa9: {  	_ =	swait.ge [sflag:s6], $0x4000  }
0xaa: {  	[sflag:s6] =	ssyncset.done $0x0  }
0xab: {  	[sflag:s6] =	ssyncadd.s32 $0xFFFFC000  }
0xac: {  	[tilespmem:s7], [sflag:$0x2] =	stream.strided.gather [hbm4b:s16+s3], $0x4000, s4, s3, $0x38;
	[tilespmem:$0x18C00] =	vst v63  }
0xad: {  	_ = 	snop  }
0xae: {  	[spmem:s2] =	stream.indirect.scatter.add.f32 [tilespmem:s4], [sflag:$0x3], $0x80, s28, s26, $0xb8;
	[tilespmem:$0x18C00] =	vst v63  }
0xaf: {  	_ =	swait.ge [sflag:s25], $0x4000  }
0xb0: {  	[sflag:s25] =	ssyncset.done $0x0  }
0xb1: {  	[sflag:s25] =	ssyncadd.s32 $0xFFFFC000  }
0xb2: {  	_ =	swait.ge [sflag:s8], $0x4000  }
0xb3: {  	[sflag:s8] =	ssyncset.done $0x0  }
0xb4: {  	[sflag:s8] =	ssyncadd.s32 $0xFFFFC000  }
0xb5: {  	[tilespmem:s4], [sflag:$0x1] =	stream.strided.gather [hbm4b:s17+s3], $0x4000, s4, s3, $0x38;
	[tilespmem:$0x18C00] =	vst v63  }
0xb6: {  	_ = 	snop  }
0xb7: {  	[spmem:s2] =	stream.indirect.scatter.add.f32 [tilespmem:s7], [sflag:$0x3], $0x80, s29, s26, $0xb8;
	[tilespmem:$0x18C00] =	vst v63  }
0xb8: {  	_ =	swait.ge [sflag:s25], $0x4000  }
0xb9: {  	[sflag:s25] =	ssyncset.done $0x0  }
0xba: {  	[sflag:s25] =	ssyncadd.s32 $0xFFFFC000  }
0xbb: {  	_ =	swait.ge [sflag:s6], $0x4000  }
0xbc: {  	[sflag:s6] =	ssyncset.done $0x0  }
0xbd: {  	[sflag:s6] =	ssyncadd.s32 $0xFFFFC000  }
0xbe: {  	[tilespmem:s7], [sflag:$0x2] =	stream.strided.gather [hbm4b:s18+s3], $0x4000, s4, s3, $0x38;
	[tilespmem:$0x18C00] =	vst v63  }
0xbf: {  	_ = 	snop  }
0xc0: {  	[spmem:s2] =	stream.indirect.scatter.add.f32 [tilespmem:s4], [sflag:$0x3], $0x80, s30, s26, $0xb8;
	[tilespmem:$0x18C00] =	vst v63  }
0xc1: {  	_ =	swait.ge [sflag:s25], $0x4000  }
0xc2: {  	[sflag:s25] =	ssyncset.done $0x0  }
0xc3: {  	[sflag:s25] =	ssyncadd.s32 $0xFFFFC000  }
0xc4: {  	_ =	swait.ge [sflag:s8], $0x4000  }
0xc5: {  	[sflag:s8] =	ssyncset.done $0x0  }
0xc6: {  	[sflag:s8] =	ssyncadd.s32 $0xFFFFC000  }
0xc7: {  	[tilespmem:s4], [sflag:$0x1] =	stream.strided.gather [hbm4b:s19+s3], $0x4000, s4, s3, $0x38;
	[tilespmem:$0x18C00] =	vst v63  }
0xc8: {  	_ = 	snop  }
0xc9: {  	[spmem:s2] =	stream.indirect.scatter.add.f32 [tilespmem:s7], [sflag:$0x3], $0x80, s31, s26, $0xb8;
	[tilespmem:$0x18C00] =	vst v63  }
0xca: {  	_ =	swait.ge [sflag:s25], $0x4000  }
0xcb: {  	[sflag:s25] =	ssyncset.done $0x0  }
0xcc: {  	[sflag:s25] =	ssyncadd.s32 $0xFFFFC000  }
0xcd: {  	_ =	swait.ge [sflag:s6], $0x4000  }
0xce: {  	[sflag:s6] =	ssyncset.done $0x0  }
0xcf: {  	[sflag:s6] =	ssyncadd.s32 $0xFFFFC000  }
0xd0: {  	[tilespmem:s7], [sflag:$0x2] =	stream.strided.gather [hbm4b:s20+s3], $0x4000, s4, s3, $0x38;
	[tilespmem:$0x18C00] =	vst v63  }
0xd1: {  	_ = 	snop  }
0xd2: {  	[spmem:s2] =	stream.indirect.scatter.add.f32 [tilespmem:s4], [sflag:$0x3], $0x80, s1, s26, $0xb8;
	[tilespmem:$0x18C00] =	vst v63  }
0xd3: {  	_ =	swait.ge [sflag:s25], $0x4000  }
0xd4: {  	[sflag:s25] =	ssyncset.done $0x0  }
0xd5: {  	[sflag:s25] =	ssyncadd.s32 $0xFFFFC000  }
0xd6: {  	_ =	swait.ge [sflag:s8], $0x4000  }
0xd7: {  	[sflag:s8] =	ssyncset.done $0x0  }
0xd8: {  	[sflag:s8] =	ssyncadd.s32 $0xFFFFC000  }
0xd9: {  	[tilespmem:s4], [sflag:$0x1] =	stream.strided.gather [hbm4b:s21+s3], $0x4000, s4, s3, $0x38;
	[tilespmem:$0x18C00] =	vst v63  }
0xda: {  	_ = 	snop  }
0xdb: {  	[spmem:s2] =	stream.indirect.scatter.add.f32 [tilespmem:s7], [sflag:$0x3], $0x80, s0, s26, $0xb8;
	[tilespmem:$0x18C00] =	vst v63  }
0xdc: {  	_ =	swait.ge [sflag:s25], $0x4000  }
0xdd: {  	[sflag:s25] =	ssyncset.done $0x0  }
0xde: {  	[sflag:s25] =	ssyncadd.s32 $0xFFFFC000  }
0xdf: {  	_ =	swait.ge [sflag:s6], $0x4000  }
0xe0: {  	[sflag:s6] =	ssyncset.done $0x0  }
0xe1: {  	[sflag:s6] =	ssyncadd.s32 $0xFFFFC000  }
0xe2: {  	[spmem:s2] =	stream.indirect.scatter.add.f32 [tilespmem:s4], [sflag:$0x3], $0x80, s3, s26, $0xb8;
	[tilespmem:$0x18C00] =	vst v63  }
0xe3: {  	s10 =	stileid.u32;
	_ =	swait.ge [sflag:s25], $0x4000  }
0xe4: {  	s11 =	sshrl.u32 s22, $0x3;
	s9 =	sadd.s32 $0x1, s9;
	[sflag:s25] =	ssyncset.done $0x0  }
0xe5: {  	s10 =	sshll.u32 s10, $0x6;
	p0 =	sne.s32 s9, s24;
	[sflag:s25] =	ssyncadd.s32 $0xFFFFC000  }
.Ltmp1:
0xe6: {  	s10 =	sor.u32 $0x1C03, s10;
	[bflag:$0x0] =	sbarrier.arrive $0xFFFF;
	(pc) =	sbr.rel @p0 .LBB2_1-.Ltmp1, $4  }
0xe7: {  	[hbm:s23@s28], [sflag:s10] =	dma.strided [spmem:s11@s26], $0x2000, s13, $0x10   }
0xe8: {  	_ =	swait.ge [sflag:s25], $0x2000  }
0xe9: {  	[sflag:s25] =	ssyncset.done $0x0  }
0xea: {  	[sflag:s25] =	ssyncadd.s32 $0xFFFFE000  }
0xeb: {  	_ =	sfence.sel $0x180000  }
0xec: {  	[bflag:$0x0] =	sbarrier.arrive $0xFFFF  }
0xed: {  	_ =	strace $0x9000004A  }
0xee: {  	s0 =	stileid.u32;
	[bflag:$0x2] =	sbarrier.arrive $0xFFFF  }
0xef: {  	p0 =	sne.s32 s0, $0x0;
	s0 =	rddreg [dreg:$0x4]  }
0xf0: {  	s0 =	sadd.s32 @!p0 $0x100000, s0  }
0xf1: {  	[sflag:s0] =	ssyncadd.tile.s32 @!p0 $0x1;
	_ =	shalt  }
.Lfunc_end2:
_tile_overlayer_lowered:
.L_overlay_start_2:
0xf2: {  	(tag) =	ssettag $0x2  }
0xf3: {  	s0 =	rddreg [dreg:$0x0];
	s2 =	stileid.u32  }
0xf4: {  	s1 =	rddreg [dreg:$0x1];
	p0 =	sne.s32 s2, $0x0  }
0xf5: {  	s3 =	rddreg [dreg:$0x2];
	[bflag:$0x3] =	sbarrier.arrive $0xFFFF;
	s2 =	simm.s32 @!p0 $0x1C03  }
0xf6: {  	[timem:s3], [sflag:s2] =	dma.local @!p0 [hbm:s0], s1  }
0xf7: {  	s0 =	simm.s32 @!p0 $0x3  }
0xf8: {  	_ =	swait.ge @!p0 [sflag:s0], s1  }
0xf9: {  	s1 =	ssub.s32 @!p0 $0x0, s1;
	[sflag:s0] =	ssyncset.done @!p0 $0x0  }
0xfa: {  	[sflag:s0] =	ssyncadd.s32 @!p0 s1  }
0xfb: {  	[bflag:$0x3] =	sbarrier.arrive $0xFFFF  }
0xfc: {  	_ =	shalt  }

</sc_bundles>
